<compile_context>
chip_gen: v7x
topology: tpu7x:2x2x1
jax: 0.10.2.dev20260603
libtpu: 0.0.44.dev20260713+nightly
codegen_flags: <defaults>
</compile_context>

<pallas_src>
import functools

import numpy as np
import jax
import jax.numpy as jnp
from jax import lax
from jax.experimental import pallas as pl
from jax.experimental.pallas import tpu as pltpu
from jax.experimental.pallas import tpu_sc as plsc

_N_BINS = 10
_LANES = 16
_NW = 32
_CHUNK = 1024
_HSLOTS = _N_BINS + 1
_HSIZE = 3 * _HSLOTS * _LANES

_BOUNDS = [float(x) for x in np.linspace(0.0, 1.0, _N_BINS + 1).astype(np.float32)[:-1]]


@functools.cache
def _make_sc_hist(n_rows: int, n_cols: int):
    rows_per_tile = n_rows // _NW
    n_chunks = rows_per_tile // _CHUNK
    n_pairs = n_chunks // 2
    assert n_rows == _NW * rows_per_tile
    assert rows_per_tile == n_chunks * _CHUNK and n_chunks % 2 == 0
    groups_per_chunk = _CHUNK // _LANES

    mesh = plsc.VectorSubcoreMesh(core_axis_name="c", subcore_axis_name="s")

    @functools.partial(
        pl.kernel,
        mesh=mesh,
        compiler_params=pltpu.CompilerParams(needs_layout_passes=False),
        out_type=jax.ShapeDtypeStruct((_NW, _HSIZE), jnp.float32),
        scratch_types=[
            pltpu.VMEM((_CHUNK * n_cols,), jnp.float32),
            pltpu.VMEM((_CHUNK * n_cols,), jnp.float32),
            pltpu.VMEM((_CHUNK,), jnp.int32),
            pltpu.VMEM((_CHUNK,), jnp.int32),
            pltpu.VMEM((_HSIZE,), jnp.float32),
            pltpu.SemaphoreType.DMA,
            pltpu.SemaphoreType.DMA,
            pltpu.SemaphoreType.DMA,
            pltpu.SemaphoreType.DMA,
        ],
    )
    def hist_kernel(logits_hbm, labels_hbm, out_hbm,
                    lbuf0, lbuf1, labbuf0, labbuf1, hist,
                    sem0, sem1, lsem0, lsem1):
        wid = lax.axis_index("s") * 2 + lax.axis_index("c")
        base_row = wid * rows_per_tile

        iota = lax.iota(jnp.int32, 16)
        iota_c = iota * n_cols
        zeros16 = jnp.zeros((16,), jnp.float32)
        ones16 = jnp.ones((16,), jnp.float32)

        for i in range(_HSIZE // 16):
            hist[pl.ds(i * 16, 16)] = zeros16

        def start_chunk(ci, buf, labbuf, s_l, s_lab):
            r0 = base_row + ci * _CHUNK
            pltpu.async_copy(
                logits_hbm.at[pl.ds(r0 * n_cols, _CHUNK * n_cols)], buf, s_l)
            pltpu.async_copy(labels_hbm.at[pl.ds(r0, _CHUNK)], labbuf, s_lab)

        def wait_chunk(ci, buf, labbuf, s_l, s_lab):
            r0 = base_row + ci * _CHUNK
            pltpu.make_async_copy(
                logits_hbm.at[pl.ds(r0 * n_cols, _CHUNK * n_cols)], buf, s_l).wait()
            pltpu.make_async_copy(
                labels_hbm.at[pl.ds(r0, _CHUNK)], labbuf, s_lab).wait()

        def process(buf, labbuf):
            @plsc.parallel_loop(0, groups_per_chunk, unroll=2)
            def group_body(g):
                base = iota_c + g * (_LANES * n_cols)
                vs = []
                ck = iota
                for k in range(n_cols):
                    vs.append(plsc.load_gather(buf, [base + ck]))
                    if k < n_cols - 1:
                        ck = (ck + 1) & (n_cols - 1)
                while len(vs) > 1:
                    nxt = [jnp.maximum(vs[2 * i], vs[2 * i + 1])
                           for i in range(len(vs) // 2)]
                    if len(vs) % 2:
                        nxt.append(vs[-1])
                    vs = nxt
                m = vs[0]
                lab = labbuf[pl.ds(g * _LANES, _LANES)]
                vlab = plsc.load_gather(buf, [base + lab])
                acc = jnp.where(vlab == m, ones16, zeros16)
                binv = jnp.minimum((m * 10.0).astype(jnp.int32), 9)
                binv = jnp.where(m > 0.0, binv, _N_BINS)
                slot = binv * _LANES + iota
                plsc.addupdate_scatter(hist, [slot], ones16)
                plsc.addupdate_scatter(hist, [slot + _HSLOTS * _LANES], acc)
                plsc.addupdate_scatter(hist, [slot + 2 * _HSLOTS * _LANES], m)

        start_chunk(0, lbuf0, labbuf0, sem0, lsem0)

        def pair_body(p, carry):
            c0 = 2 * p
            start_chunk(c0 + 1, lbuf1, labbuf1, sem1, lsem1)
            wait_chunk(c0, lbuf0, labbuf0, sem0, lsem0)
            process(lbuf0, labbuf0)

            @pl.when(p < n_pairs - 1)
            def _():
                start_chunk(c0 + 2, lbuf0, labbuf0, sem0, lsem0)

            wait_chunk(c0 + 1, lbuf1, labbuf1, sem1, lsem1)
            process(lbuf1, labbuf1)
            return carry

        lax.fori_loop(0, n_pairs, pair_body, 0)

        pltpu.sync_copy(hist, out_hbm.at[wid])

    return hist_kernel


def kernel(logits, labels):
    n_rows, n_cols = logits.shape
    partials = _make_sc_hist(n_rows, n_cols)(
        logits.reshape(-1), labels.astype(jnp.int32))
    h = partials.sum(axis=0).reshape(3, _HSLOTS, _LANES).sum(axis=-1)
    cnt = h[0, :_N_BINS]
    accs = h[1, :_N_BINS]
    confs = h[2, :_N_BINS]
    prop = cnt / n_rows
    safe = jnp.maximum(cnt, 1.0)
    contrib = jnp.abs(confs / safe - accs / safe) * prop
    ece = jnp.sum(jnp.where(prop > 0, contrib, 0.0))
    return ece.reshape(1).astype(logits.dtype)

# --- scband reference (transcript-rebuilt; emitter-appended) ---
"""Pipeline reference for scband-eceloss-26611617366060 (READ-ONLY COPY).

The authoritative reference and input builder live on the scoring server;
editing this copy changes nothing except your own understanding.
"""

import jax, jax.numpy as jnp
import numpy as np

N_BINS = 10

def setup_inputs(seed: int = 0) -> dict:
    key = jax.random.key(seed)
    k1, k2 = jax.random.split(key)
    logits = jax.random.uniform(k1, (2097152, 32), dtype=jnp.float32)
    labels = jax.random.randint(k2, (2097152,), 0, 32, dtype=jnp.int64)
    return {"logits": logits, "labels": labels}

def reference(logits, labels):
    bin_boundaries = jnp.linspace(0.0, 1.0, N_BINS + 1)
    bin_lowers = bin_boundaries[:-1]
    bin_uppers = bin_boundaries[1:]
    softmaxes = logits
    confidences = jnp.max(softmaxes, axis=1)
    predictions = jnp.argmax(softmaxes, axis=1)
    accuracies = (predictions == labels).astype(jnp.float32)
    ece = jnp.zeros((1,), dtype=logits.dtype)
    for i in range(N_BINS):
        bin_lower = bin_lowers[i]
        bin_upper = bin_uppers[i]
        in_bin = (confidences > bin_lower) & (confidences <= bin_upper)
        in_bin_f = in_bin.astype(jnp.float32)
        prop_in_bin = jnp.mean(in_bin_f)
        cnt = jnp.sum(in_bin_f)
        safe_cnt = jnp.maximum(cnt, 1.0)
        accuracy_in_bin = jnp.sum(accuracies * in_bin_f) / safe_cnt
        avg_confidence_in_bin = jnp.sum(confidences * in_bin_f) / safe_cnt
        contrib = jnp.abs(avg_confidence_in_bin - accuracy_in_bin) * prop_in_bin
        ece = ece + jnp.where(prop_in_bin > 0, contrib, 0.0)
    return ece

if __name__ == "__main__":
    import jax
    _d = setup_inputs()
    print(jax.jit(kernel)(*tuple(_d.values())))

</pallas_src>

<mosaic_0001>
#map = affine_map<(d0, d1) -> (0)>
#map1 = affine_map<(d0, d1) -> (0, 0)>
module attributes {stable_mosaic.version = 14 : i64} {
  func.func @hist_kernel(%arg0: i32, %arg1: i32, %arg2: memref<67108864xf32, #tpu.memory_space<hbm>>, %arg3: memref<2097152xi32, #tpu.memory_space<hbm>>, %arg4: memref<32x528xf32, #tpu.memory_space<hbm>>, %arg5: memref<32768xf32, #tpu.memory_space<vmem>>, %arg6: memref<32768xf32, #tpu.memory_space<vmem>>, %arg7: memref<1024xi32, #tpu.memory_space<vmem>>, %arg8: memref<1024xi32, #tpu.memory_space<vmem>>, %arg9: memref<528xf32, #tpu.memory_space<vmem>>, %arg10: memref<!tpu.dma_semaphore, #tpu.memory_space<semaphore_mem>>, %arg11: memref<!tpu.dma_semaphore, #tpu.memory_space<semaphore_mem>>, %arg12: memref<!tpu.dma_semaphore, #tpu.memory_space<semaphore_mem>>, %arg13: memref<!tpu.dma_semaphore, #tpu.memory_space<semaphore_mem>>) attributes {dimension_semantics = [#tpu.dimension_semantics<core_parallel>, #tpu.dimension_semantics<subcore_parallel>], iteration_bounds = array<i64: 2, 16>, scalar_prefetch = 0 : i64, scratch_operands = 9 : i64, tpu.core_type = #tpu.core_type<sc_vector_subcore>, window_params = [{transform_indices = #map}, {transform_indices = #map}, {transform_indices = #map1}]} {
    %mul3A = arith.constant 2 : i32
    %mul3A_0 = arith.muli %arg1, %mul3A : i32
    %add3A = arith.addi %mul3A_0, %arg0 : i32
    %mul3A_1 = arith.constant 65536 : i32
    %mul3A_2 = arith.muli %add3A, %mul3A_1 : i32
    %iota3A = tpu.iota {dimensions = array<i32: 0>} : vector<16xi32>
    %mul3A_3 = arith.constant 32 : i32
    %mul3A_4 = vector.broadcast %mul3A_3 : i32 to vector<16xi32>
    %mul3A_5 = arith.muli %iota3A, %mul3A_4 : vector<16xi32>
    %broadcast_in_dim3A = arith.constant 0.000000e+00 : f32
    %broadcast_in_dim3A_6 = vector.broadcast %broadcast_in_dim3A : f32 to vector<16xf32>
    %broadcast_in_dim3A_7 = arith.constant 1.000000e+00 : f32
    %broadcast_in_dim3A_8 = vector.broadcast %broadcast_in_dim3A_7 : f32 to vector<16xf32>
    %swap3A = arith.constant 0 : index
    %swap3A_9 = tpu.vector_load %arg9[%swap3A] {strides = array<i32>} : memref<528xf32, #tpu.memory_space<vmem>>, vector<16xf32>,
    tpu.vector_store %arg9[%swap3A], %broadcast_in_dim3A_6 {strides = array<i32>} : memref<528xf32, #tpu.memory_space<vmem>>, vector<16xf32>,
    %swap3A_10 = arith.constant 16 : index
    %swap3A_11 = tpu.vector_load %arg9[%swap3A_10] {strides = array<i32>} : memref<528xf32, #tpu.memory_space<vmem>>, vector<16xf32>,
    tpu.vector_store %arg9[%swap3A_10], %broadcast_in_dim3A_6 {strides = array<i32>} : memref<528xf32, #tpu.memory_space<vmem>>, vector<16xf32>,
    %swap3A_12 = arith.constant 32 : index
    %swap3A_13 = tpu.vector_load %arg9[%swap3A_12] {strides = array<i32>} : memref<528xf32, #tpu.memory_space<vmem>>, vector<16xf32>,
    tpu.vector_store %arg9[%swap3A_12], %broadcast_in_dim3A_6 {strides = array<i32>} : memref<528xf32, #tpu.memory_space<vmem>>, vector<16xf32>,
    %swap3A_14 = arith.constant 48 : index
    %swap3A_15 = tpu.vector_load %arg9[%swap3A_14] {strides = array<i32>} : memref<528xf32, #tpu.memory_space<vmem>>, vector<16xf32>,
    tpu.vector_store %arg9[%swap3A_14], %broadcast_in_dim3A_6 {strides = array<i32>} : memref<528xf32, #tpu.memory_space<vmem>>, vector<16xf32>,
    %swap3A_16 = arith.constant 64 : index
    %swap3A_17 = tpu.vector_load %arg9[%swap3A_16] {strides = array<i32>} : memref<528xf32, #tpu.memory_space<vmem>>, vector<16xf32>,
    tpu.vector_store %arg9[%swap3A_16], %broadcast_in_dim3A_6 {strides = array<i32>} : memref<528xf32, #tpu.memory_space<vmem>>, vector<16xf32>,
    %swap3A_18 = arith.constant 80 : index
    %swap3A_19 = tpu.vector_load %arg9[%swap3A_18] {strides = array<i32>} : memref<528xf32, #tpu.memory_space<vmem>>, vector<16xf32>,
    tpu.vector_store %arg9[%swap3A_18], %broadcast_in_dim3A_6 {strides = array<i32>} : memref<528xf32, #tpu.memory_space<vmem>>, vector<16xf32>,
    %swap3A_20 = arith.constant 96 : index
    %swap3A_21 = tpu.vector_load %arg9[%swap3A_20] {strides = array<i32>} : memref<528xf32, #tpu.memory_space<vmem>>, vector<16xf32>,
    tpu.vector_store %arg9[%swap3A_20], %broadcast_in_dim3A_6 {strides = array<i32>} : memref<528xf32, #tpu.memory_space<vmem>>, vector<16xf32>,
    %swap3A_22 = arith.constant 112 : index
    %swap3A_23 = tpu.vector_load %arg9[%swap3A_22] {strides = array<i32>} : memref<528xf32, #tpu.memory_space<vmem>>, vector<16xf32>,
    tpu.vector_store %arg9[%swap3A_22], %broadcast_in_dim3A_6 {strides = array<i32>} : memref<528xf32, #tpu.memory_space<vmem>>, vector<16xf32>,
    %swap3A_24 = arith.constant 128 : index
    %swap3A_25 = tpu.vector_load %arg9[%swap3A_24] {strides = array<i32>} : memref<528xf32, #tpu.memory_space<vmem>>, vector<16xf32>,
    tpu.vector_store %arg9[%swap3A_24], %broadcast_in_dim3A_6 {strides = array<i32>} : memref<528xf32, #tpu.memory_space<vmem>>, vector<16xf32>,
    %swap3A_26 = arith.constant 144 : index
    %swap3A_27 = tpu.vector_load %arg9[%swap3A_26] {strides = array<i32>} : memref<528xf32, #tpu.memory_space<vmem>>, vector<16xf32>,
    tpu.vector_store %arg9[%swap3A_26], %broadcast_in_dim3A_6 {strides = array<i32>} : memref<528xf32, #tpu.memory_space<vmem>>, vector<16xf32>,
    %swap3A_28 = arith.constant 160 : index
    %swap3A_29 = tpu.vector_load %arg9[%swap3A_28] {strides = array<i32>} : memref<528xf32, #tpu.memory_space<vmem>>, vector<16xf32>,
    tpu.vector_store %arg9[%swap3A_28], %broadcast_in_dim3A_6 {strides = array<i32>} : memref<528xf32, #tpu.memory_space<vmem>>, vector<16xf32>,
    %swap3A_30 = arith.constant 176 : index
    %swap3A_31 = tpu.vector_load %arg9[%swap3A_30] {strides = array<i32>} : memref<528xf32, #tpu.memory_space<vmem>>, vector<16xf32>,
    tpu.vector_store %arg9[%swap3A_30], %broadcast_in_dim3A_6 {strides = array<i32>} : memref<528xf32, #tpu.memory_space<vmem>>, vector<16xf32>,
    %swap3A_32 = arith.constant 192 : index
    %swap3A_33 = tpu.vector_load %arg9[%swap3A_32] {strides = array<i32>} : memref<528xf32, #tpu.memory_space<vmem>>, vector<16xf32>,
    tpu.vector_store %arg9[%swap3A_32], %broadcast_in_dim3A_6 {strides = array<i32>} : memref<528xf32, #tpu.memory_space<vmem>>, vector<16xf32>,
    %swap3A_34 = arith.constant 208 : index
    %swap3A_35 = tpu.vector_load %arg9[%swap3A_34] {strides = array<i32>} : memref<528xf32, #tpu.memory_space<vmem>>, vector<16xf32>,
    tpu.vector_store %arg9[%swap3A_34], %broadcast_in_dim3A_6 {strides = array<i32>} : memref<528xf32, #tpu.memory_space<vmem>>, vector<16xf32>,
    %swap3A_36 = arith.constant 224 : index
    %swap3A_37 = tpu.vector_load %arg9[%swap3A_36] {strides = array<i32>} : memref<528xf32, #tpu.memory_space<vmem>>, vector<16xf32>,
    tpu.vector_store %arg9[%swap3A_36], %broadcast_in_dim3A_6 {strides = array<i32>} : memref<528xf32, #tpu.memory_space<vmem>>, vector<16xf32>,
    %swap3A_38 = arith.constant 240 : index
    %swap3A_39 = tpu.vector_load %arg9[%swap3A_38] {strides = array<i32>} : memref<528xf32, #tpu.memory_space<vmem>>, vector<16xf32>,
    tpu.vector_store %arg9[%swap3A_38], %broadcast_in_dim3A_6 {strides = array<i32>} : memref<528xf32, #tpu.memory_space<vmem>>, vector<16xf32>,
    %swap3A_40 = arith.constant 256 : index
    %swap3A_41 = tpu.vector_load %arg9[%swap3A_40] {strides = array<i32>} : memref<528xf32, #tpu.memory_space<vmem>>, vector<16xf32>,
    tpu.vector_store %arg9[%swap3A_40], %broadcast_in_dim3A_6 {strides = array<i32>} : memref<528xf32, #tpu.memory_space<vmem>>, vector<16xf32>,
    %swap3A_42 = arith.constant 272 : index
    %swap3A_43 = tpu.vector_load %arg9[%swap3A_42] {strides = array<i32>} : memref<528xf32, #tpu.memory_space<vmem>>, vector<16xf32>,
    tpu.vector_store %arg9[%swap3A_42], %broadcast_in_dim3A_6 {strides = array<i32>} : memref<528xf32, #tpu.memory_space<vmem>>, vector<16xf32>,
    %swap3A_44 = arith.constant 288 : index
    %swap3A_45 = tpu.vector_load %arg9[%swap3A_44] {strides = array<i32>} : memref<528xf32, #tpu.memory_space<vmem>>, vector<16xf32>,
    tpu.vector_store %arg9[%swap3A_44], %broadcast_in_dim3A_6 {strides = array<i32>} : memref<528xf32, #tpu.memory_space<vmem>>, vector<16xf32>,
    %swap3A_46 = arith.constant 304 : index
    %swap3A_47 = tpu.vector_load %arg9[%swap3A_46] {strides = array<i32>} : memref<528xf32, #tpu.memory_space<vmem>>, vector<16xf32>,
    tpu.vector_store %arg9[%swap3A_46], %broadcast_in_dim3A_6 {strides = array<i32>} : memref<528xf32, #tpu.memory_space<vmem>>, vector<16xf32>,
    %swap3A_48 = arith.constant 320 : index
    %swap3A_49 = tpu.vector_load %arg9[%swap3A_48] {strides = array<i32>} : memref<528xf32, #tpu.memory_space<vmem>>, vector<16xf32>,
    tpu.vector_store %arg9[%swap3A_48], %broadcast_in_dim3A_6 {strides = array<i32>} : memref<528xf32, #tpu.memory_space<vmem>>, vector<16xf32>,
    %swap3A_50 = arith.constant 336 : index
    %swap3A_51 = tpu.vector_load %arg9[%swap3A_50] {strides = array<i32>} : memref<528xf32, #tpu.memory_space<vmem>>, vector<16xf32>,
    tpu.vector_store %arg9[%swap3A_50], %broadcast_in_dim3A_6 {strides = array<i32>} : memref<528xf32, #tpu.memory_space<vmem>>, vector<16xf32>,
    %swap3A_52 = arith.constant 352 : index
    %swap3A_53 = tpu.vector_load %arg9[%swap3A_52] {strides = array<i32>} : memref<528xf32, #tpu.memory_space<vmem>>, vector<16xf32>,
    tpu.vector_store %arg9[%swap3A_52], %broadcast_in_dim3A_6 {strides = array<i32>} : memref<528xf32, #tpu.memory_space<vmem>>, vector<16xf32>,
    %swap3A_54 = arith.constant 368 : index
    %swap3A_55 = tpu.vector_load %arg9[%swap3A_54] {strides = array<i32>} : memref<528xf32, #tpu.memory_space<vmem>>, vector<16xf32>,
    tpu.vector_store %arg9[%swap3A_54], %broadcast_in_dim3A_6 {strides = array<i32>} : memref<528xf32, #tpu.memory_space<vmem>>, vector<16xf32>,
    %swap3A_56 = arith.constant 384 : index
    %swap3A_57 = tpu.vector_load %arg9[%swap3A_56] {strides = array<i32>} : memref<528xf32, #tpu.memory_space<vmem>>, vector<16xf32>,
    tpu.vector_store %arg9[%swap3A_56], %broadcast_in_dim3A_6 {strides = array<i32>} : memref<528xf32, #tpu.memory_space<vmem>>, vector<16xf32>,
    %swap3A_58 = arith.constant 400 : index
    %swap3A_59 = tpu.vector_load %arg9[%swap3A_58] {strides = array<i32>} : memref<528xf32, #tpu.memory_space<vmem>>, vector<16xf32>,
    tpu.vector_store %arg9[%swap3A_58], %broadcast_in_dim3A_6 {strides = array<i32>} : memref<528xf32, #tpu.memory_space<vmem>>, vector<16xf32>,
    %swap3A_60 = arith.constant 416 : index
    %swap3A_61 = tpu.vector_load %arg9[%swap3A_60] {strides = array<i32>} : memref<528xf32, #tpu.memory_space<vmem>>, vector<16xf32>,
    tpu.vector_store %arg9[%swap3A_60], %broadcast_in_dim3A_6 {strides = array<i32>} : memref<528xf32, #tpu.memory_space<vmem>>, vector<16xf32>,
    %swap3A_62 = arith.constant 432 : index
    %swap3A_63 = tpu.vector_load %arg9[%swap3A_62] {strides = array<i32>} : memref<528xf32, #tpu.memory_space<vmem>>, vector<16xf32>,
    tpu.vector_store %arg9[%swap3A_62], %broadcast_in_dim3A_6 {strides = array<i32>} : memref<528xf32, #tpu.memory_space<vmem>>, vector<16xf32>,
    %swap3A_64 = arith.constant 448 : index
    %swap3A_65 = tpu.vector_load %arg9[%swap3A_64] {strides = array<i32>} : memref<528xf32, #tpu.memory_space<vmem>>, vector<16xf32>,
    tpu.vector_store %arg9[%swap3A_64], %broadcast_in_dim3A_6 {strides = array<i32>} : memref<528xf32, #tpu.memory_space<vmem>>, vector<16xf32>,
    %swap3A_66 = arith.constant 464 : index
    %swap3A_67 = tpu.vector_load %arg9[%swap3A_66] {strides = array<i32>} : memref<528xf32, #tpu.memory_space<vmem>>, vector<16xf32>,
    tpu.vector_store %arg9[%swap3A_66], %broadcast_in_dim3A_6 {strides = array<i32>} : memref<528xf32, #tpu.memory_space<vmem>>, vector<16xf32>,
    %swap3A_68 = arith.constant 480 : index
    %swap3A_69 = tpu.vector_load %arg9[%swap3A_68] {strides = array<i32>} : memref<528xf32, #tpu.memory_space<vmem>>, vector<16xf32>,
    tpu.vector_store %arg9[%swap3A_68], %broadcast_in_dim3A_6 {strides = array<i32>} : memref<528xf32, #tpu.memory_space<vmem>>, vector<16xf32>,
    %swap3A_70 = arith.constant 496 : index
    %swap3A_71 = tpu.vector_load %arg9[%swap3A_70] {strides = array<i32>} : memref<528xf32, #tpu.memory_space<vmem>>, vector<16xf32>,
    tpu.vector_store %arg9[%swap3A_70], %broadcast_in_dim3A_6 {strides = array<i32>} : memref<528xf32, #tpu.memory_space<vmem>>, vector<16xf32>,
    %swap3A_72 = arith.constant 512 : index
    %swap3A_73 = tpu.vector_load %arg9[%swap3A_72] {strides = array<i32>} : memref<528xf32, #tpu.memory_space<vmem>>, vector<16xf32>,
    tpu.vector_store %arg9[%swap3A_72], %broadcast_in_dim3A_6 {strides = array<i32>} : memref<528xf32, #tpu.memory_space<vmem>>, vector<16xf32>,
    %add3A_74 = arith.constant 0 : i32
    %add3A_75 = arith.addi %mul3A_2, %add3A_74 : i32
    %mul3A_76 = arith.constant 32 : i32
    %mul3A_77 = arith.muli %add3A_75, %mul3A_76 : i32
    %dma_start3A = tpu.memref_slice %arg2[%mul3A_77] : memref<67108864xf32, #tpu.memory_space<hbm>> -> memref<32768xf32, #tpu.memory_space<hbm>>
    %dma_start3A_78 = tpu.memref_slice %arg2[%mul3A_77] : memref<67108864xf32, #tpu.memory_space<hbm>> -> memref<32768xf32, #tpu.memory_space<hbm>>
    tpu.enqueue_dma source(%dma_start3A_78 : memref<32768xf32, #tpu.memory_space<hbm>>) target(%arg5 : memref<32768xf32, #tpu.memory_space<vmem>>) target_semaphore(%arg10 : memref<!tpu.dma_semaphore, #tpu.memory_space<semaphore_mem>>)
    %dma_start3A_79 = tpu.memref_slice %arg3[%add3A_75] : memref<2097152xi32, #tpu.memory_space<hbm>> -> memref<1024xi32, #tpu.memory_space<hbm>>
    %dma_start3A_80 = tpu.memref_slice %arg3[%add3A_75] : memref<2097152xi32, #tpu.memory_space<hbm>> -> memref<1024xi32, #tpu.memory_space<hbm>>
    tpu.enqueue_dma source(%dma_start3A_80 : memref<1024xi32, #tpu.memory_space<hbm>>) target(%arg7 : memref<1024xi32, #tpu.memory_space<vmem>>) target_semaphore(%arg12 : memref<!tpu.dma_semaphore, #tpu.memory_space<semaphore_mem>>)
    %scan3A = arith.constant 0 : i32
    %scan3A_81 = arith.constant 0 : i32
    %scan3A_82 = arith.constant 32 : i32
    %scan3A_83 = arith.addi %scan3A_81, %scan3A_82 : i32
    %scan3A_84 = arith.constant 1 : i32
    scf.for %scan3A_86 = %scan3A_81 to %scan3A_83 step %scan3A_84  : i32 {
      %mul3A_87 = arith.constant 2 : i32
      %mul3A_88 = arith.muli %mul3A_87, %scan3A_86 : i32
      %add3A_89 = arith.constant 1 : i32
      %add3A_90 = arith.addi %mul3A_88, %add3A_89 : i32
      %mul3A_91 = arith.constant 1024 : i32
      %mul3A_92 = arith.muli %add3A_90, %mul3A_91 : i32
      %add3A_93 = arith.addi %mul3A_2, %mul3A_92 : i32
      %mul3A_94 = arith.constant 32 : i32
      %mul3A_95 = arith.muli %add3A_93, %mul3A_94 : i32
      %dma_start3A_96 = tpu.memref_slice %arg2[%mul3A_95] : memref<67108864xf32, #tpu.memory_space<hbm>> -> memref<32768xf32, #tpu.memory_space<hbm>>
      %dma_start3A_97 = tpu.memref_slice %arg2[%mul3A_95] : memref<67108864xf32, #tpu.memory_space<hbm>> -> memref<32768xf32, #tpu.memory_space<hbm>>
      tpu.enqueue_dma source(%dma_start3A_97 : memref<32768xf32, #tpu.memory_space<hbm>>) target(%arg6 : memref<32768xf32, #tpu.memory_space<vmem>>) target_semaphore(%arg11 : memref<!tpu.dma_semaphore, #tpu.memory_space<semaphore_mem>>)
      %dma_start3A_98 = tpu.memref_slice %arg3[%add3A_93] : memref<2097152xi32, #tpu.memory_space<hbm>> -> memref<1024xi32, #tpu.memory_space<hbm>>
      %dma_start3A_99 = tpu.memref_slice %arg3[%add3A_93] : memref<2097152xi32, #tpu.memory_space<hbm>> -> memref<1024xi32, #tpu.memory_space<hbm>>
      tpu.enqueue_dma source(%dma_start3A_99 : memref<1024xi32, #tpu.memory_space<hbm>>) target(%arg8 : memref<1024xi32, #tpu.memory_space<vmem>>) target_semaphore(%arg13 : memref<!tpu.dma_semaphore, #tpu.memory_space<semaphore_mem>>)
      %mul3A_100 = arith.constant 1024 : i32
      %mul3A_101 = arith.muli %mul3A_88, %mul3A_100 : i32
      %add3A_102 = arith.addi %mul3A_2, %mul3A_101 : i32
      %mul3A_103 = arith.constant 32 : i32
      %mul3A_104 = arith.muli %add3A_102, %mul3A_103 : i32
      %dma_wait3A = tpu.memref_slice %arg2[%mul3A_104] : memref<67108864xf32, #tpu.memory_space<hbm>> -> memref<32768xf32, #tpu.memory_space<hbm>>
      %dma_wait3A_105 = tpu.memref_slice %arg2[%mul3A_104] : memref<67108864xf32, #tpu.memory_space<hbm>> -> memref<32768xf32, #tpu.memory_space<hbm>>
      tpu.wait_dma2 semaphore(%arg10 : memref<!tpu.dma_semaphore, #tpu.memory_space<semaphore_mem>>) src(%dma_wait3A_105 : memref<32768xf32, #tpu.memory_space<hbm>>) dst(%arg5 : memref<32768xf32, #tpu.memory_space<vmem>>)
      %dma_wait3A_106 = tpu.memref_slice %arg3[%add3A_102] : memref<2097152xi32, #tpu.memory_space<hbm>> -> memref<1024xi32, #tpu.memory_space<hbm>>
      %dma_wait3A_107 = tpu.memref_slice %arg3[%add3A_102] : memref<2097152xi32, #tpu.memory_space<hbm>> -> memref<1024xi32, #tpu.memory_space<hbm>>
      tpu.wait_dma2 semaphore(%arg12 : memref<!tpu.dma_semaphore, #tpu.memory_space<semaphore_mem>>) src(%dma_wait3A_107 : memref<1024xi32, #tpu.memory_space<hbm>>) dst(%arg7 : memref<1024xi32, #tpu.memory_space<vmem>>)
      %parallel_loop3A = arith.constant 0 : i32
      %parallel_loop3A_108 = arith.constant 64 : i32
      %parallel_loop3A_109 = arith.constant 1 : i32
      scf.for %parallel_loop3A_126 = %parallel_loop3A to %parallel_loop3A_108 step %parallel_loop3A_109  : i32 {
        %parallel_loop3A_127 = arith.constant 512 : i32
        %parallel_loop3A_128 = arith.muli %parallel_loop3A_126, %parallel_loop3A_127 : i32
        %parallel_loop3A_129 = vector.broadcast %parallel_loop3A_128 : i32 to vector<16xi32>
        %parallel_loop3A_130 = arith.addi %mul3A_5, %parallel_loop3A_129 : vector<16xi32>
        %parallel_loop3A_131 = arith.addi %parallel_loop3A_130, %iota3A : vector<16xi32>
        %parallel_loop3A_132 = tpu.vector_load_idx %arg5[%parallel_loop3A_131] : memref<32768xf32, #tpu.memory_space<vmem>>[vector<16xi32>], vector<16xf32>,
        %parallel_loop3A_133 = arith.constant 1 : i32
        %parallel_loop3A_134 = vector.broadcast %parallel_loop3A_133 : i32 to vector<16xi32>
        %parallel_loop3A_135 = arith.addi %iota3A, %parallel_loop3A_134 : vector<16xi32>
        %parallel_loop3A_136 = arith.constant 31 : i32
        %parallel_loop3A_137 = vector.broadcast %parallel_loop3A_136 : i32 to vector<16xi32>
        %parallel_loop3A_138 = arith.andi %parallel_loop3A_135, %parallel_loop3A_137 : vector<16xi32>
        %parallel_loop3A_139 = arith.addi %parallel_loop3A_130, %parallel_loop3A_138 : vector<16xi32>
        %parallel_loop3A_140 = tpu.vector_load_idx %arg5[%parallel_loop3A_139] : memref<32768xf32, #tpu.memory_space<vmem>>[vector<16xi32>], vector<16xf32>,
        %parallel_loop3A_141 = arith.constant 1 : i32
        %parallel_loop3A_142 = vector.broadcast %parallel_loop3A_141 : i32 to vector<16xi32>
        %parallel_loop3A_143 = arith.addi %parallel_loop3A_138, %parallel_loop3A_142 : vector<16xi32>
        %parallel_loop3A_144 = arith.constant 31 : i32
        %parallel_loop3A_145 = vector.broadcast %parallel_loop3A_144 : i32 to vector<16xi32>
        %parallel_loop3A_146 = arith.andi %parallel_loop3A_143, %parallel_loop3A_145 : vector<16xi32>
        %parallel_loop3A_147 = arith.addi %parallel_loop3A_130, %parallel_loop3A_146 : vector<16xi32>
        %parallel_loop3A_148 = tpu.vector_load_idx %arg5[%parallel_loop3A_147] : memref<32768xf32, #tpu.memory_space<vmem>>[vector<16xi32>], vector<16xf32>,
        %parallel_loop3A_149 = arith.constant 1 : i32
        %parallel_loop3A_150 = vector.broadcast %parallel_loop3A_149 : i32 to vector<16xi32>
        %parallel_loop3A_151 = arith.addi %parallel_loop3A_146, %parallel_loop3A_150 : vector<16xi32>
        %parallel_loop3A_152 = arith.constant 31 : i32
        %parallel_loop3A_153 = vector.broadcast %parallel_loop3A_152 : i32 to vector<16xi32>
        %parallel_loop3A_154 = arith.andi %parallel_loop3A_151, %parallel_loop3A_153 : vector<16xi32>
        %parallel_loop3A_155 = arith.addi %parallel_loop3A_130, %parallel_loop3A_154 : vector<16xi32>
        %parallel_loop3A_156 = tpu.vector_load_idx %arg5[%parallel_loop3A_155] : memref<32768xf32, #tpu.memory_space<vmem>>[vector<16xi32>], vector<16xf32>,
        %parallel_loop3A_157 = arith.constant 1 : i32
        %parallel_loop3A_158 = vector.broadcast %parallel_loop3A_157 : i32 to vector<16xi32>
        %parallel_loop3A_159 = arith.addi %parallel_loop3A_154, %parallel_loop3A_158 : vector<16xi32>
        %parallel_loop3A_160 = arith.constant 31 : i32
        %parallel_loop3A_161 = vector.broadcast %parallel_loop3A_160 : i32 to vector<16xi32>
        %parallel_loop3A_162 = arith.andi %parallel_loop3A_159, %parallel_loop3A_161 : vector<16xi32>
        %parallel_loop3A_163 = arith.addi %parallel_loop3A_130, %parallel_loop3A_162 : vector<16xi32>
        %parallel_loop3A_164 = tpu.vector_load_idx %arg5[%parallel_loop3A_163] : memref<32768xf32, #tpu.memory_space<vmem>>[vector<16xi32>], vector<16xf32>,
        %parallel_loop3A_165 = arith.constant 1 : i32
        %parallel_loop3A_166 = vector.broadcast %parallel_loop3A_165 : i32 to vector<16xi32>
        %parallel_loop3A_167 = arith.addi %parallel_loop3A_162, %parallel_loop3A_166 : vector<16xi32>
        %parallel_loop3A_168 = arith.constant 31 : i32
        %parallel_loop3A_169 = vector.broadcast %parallel_loop3A_168 : i32 to vector<16xi32>
        %parallel_loop3A_170 = arith.andi %parallel_loop3A_167, %parallel_loop3A_169 : vector<16xi32>
        %parallel_loop3A_171 = arith.addi %parallel_loop3A_130, %parallel_loop3A_170 : vector<16xi32>
        %parallel_loop3A_172 = tpu.vector_load_idx %arg5[%parallel_loop3A_171] : memref<32768xf32, #tpu.memory_space<vmem>>[vector<16xi32>], vector<16xf32>,
        %parallel_loop3A_173 = arith.constant 1 : i32
        %parallel_loop3A_174 = vector.broadcast %parallel_loop3A_173 : i32 to vector<16xi32>
        %parallel_loop3A_175 = arith.addi %parallel_loop3A_170, %parallel_loop3A_174 : vector<16xi32>
        %parallel_loop3A_176 = arith.constant 31 : i32
        %parallel_loop3A_177 = vector.broadcast %parallel_loop3A_176 : i32 to vector<16xi32>
        %parallel_loop3A_178 = arith.andi %parallel_loop3A_175, %parallel_loop3A_177 : vector<16xi32>
        %parallel_loop3A_179 = arith.addi %parallel_loop3A_130, %parallel_loop3A_178 : vector<16xi32>
        %parallel_loop3A_180 = tpu.vector_load_idx %arg5[%parallel_loop3A_179] : memref<32768xf32, #tpu.memory_space<vmem>>[vector<16xi32>], vector<16xf32>,
        %parallel_loop3A_181 = arith.constant 1 : i32
        %parallel_loop3A_182 = vector.broadcast %parallel_loop3A_181 : i32 to vector<16xi32>
        %parallel_loop3A_183 = arith.addi %parallel_loop3A_178, %parallel_loop3A_182 : vector<16xi32>
        %parallel_loop3A_184 = arith.constant 31 : i32
        %parallel_loop3A_185 = vector.broadcast %parallel_loop3A_184 : i32 to vector<16xi32>
        %parallel_loop3A_186 = arith.andi %parallel_loop3A_183, %parallel_loop3A_185 : vector<16xi32>
        %parallel_loop3A_187 = arith.addi %parallel_loop3A_130, %parallel_loop3A_186 : vector<16xi32>
        %parallel_loop3A_188 = tpu.vector_load_idx %arg5[%parallel_loop3A_187] : memref<32768xf32, #tpu.memory_space<vmem>>[vector<16xi32>], vector<16xf32>,
        %parallel_loop3A_189 = arith.constant 1 : i32
        %parallel_loop3A_190 = vector.broadcast %parallel_loop3A_189 : i32 to vector<16xi32>
        %parallel_loop3A_191 = arith.addi %parallel_loop3A_186, %parallel_loop3A_190 : vector<16xi32>
        %parallel_loop3A_192 = arith.constant 31 : i32
        %parallel_loop3A_193 = vector.broadcast %parallel_loop3A_192 : i32 to vector<16xi32>
        %parallel_loop3A_194 = arith.andi %parallel_loop3A_191, %parallel_loop3A_193 : vector<16xi32>
        %parallel_loop3A_195 = arith.addi %parallel_loop3A_130, %parallel_loop3A_194 : vector<16xi32>
        %parallel_loop3A_196 = tpu.vector_load_idx %arg5[%parallel_loop3A_195] : memref<32768xf32, #tpu.memory_space<vmem>>[vector<16xi32>], vector<16xf32>,
        %parallel_loop3A_197 = arith.constant 1 : i32
        %parallel_loop3A_198 = vector.broadcast %parallel_loop3A_197 : i32 to vector<16xi32>
        %parallel_loop3A_199 = arith.addi %parallel_loop3A_194, %parallel_loop3A_198 : vector<16xi32>
        %parallel_loop3A_200 = arith.constant 31 : i32
        %parallel_loop3A_201 = vector.broadcast %parallel_loop3A_200 : i32 to vector<16xi32>
        %parallel_loop3A_202 = arith.andi %parallel_loop3A_199, %parallel_loop3A_201 : vector<16xi32>
        %parallel_loop3A_203 = arith.addi %parallel_loop3A_130, %parallel_loop3A_202 : vector<16xi32>
        %parallel_loop3A_204 = tpu.vector_load_idx %arg5[%parallel_loop3A_203] : memref<32768xf32, #tpu.memory_space<vmem>>[vector<16xi32>], vector<16xf32>,
        %parallel_loop3A_205 = arith.constant 1 : i32
        %parallel_loop3A_206 = vector.broadcast %parallel_loop3A_205 : i32 to vector<16xi32>
        %parallel_loop3A_207 = arith.addi %parallel_loop3A_202, %parallel_loop3A_206 : vector<16xi32>
        %parallel_loop3A_208 = arith.constant 31 : i32
        %parallel_loop3A_209 = vector.broadcast %parallel_loop3A_208 : i32 to vector<16xi32>
        %parallel_loop3A_210 = arith.andi %parallel_loop3A_207, %parallel_loop3A_209 : vector<16xi32>
        %parallel_loop3A_211 = arith.addi %parallel_loop3A_130, %parallel_loop3A_210 : vector<16xi32>
        %parallel_loop3A_212 = tpu.vector_load_idx %arg5[%parallel_loop3A_211] : memref<32768xf32, #tpu.memory_space<vmem>>[vector<16xi32>], vector<16xf32>,
        %parallel_loop3A_213 = arith.constant 1 : i32
        %parallel_loop3A_214 = vector.broadcast %parallel_loop3A_213 : i32 to vector<16xi32>
        %parallel_loop3A_215 = arith.addi %parallel_loop3A_210, %parallel_loop3A_214 : vector<16xi32>
        %parallel_loop3A_216 = arith.constant 31 : i32
        %parallel_loop3A_217 = vector.broadcast %parallel_loop3A_216 : i32 to vector<16xi32>
        %parallel_loop3A_218 = arith.andi %parallel_loop3A_215, %parallel_loop3A_217 : vector<16xi32>
        %parallel_loop3A_219 = arith.addi %parallel_loop3A_130, %parallel_loop3A_218 : vector<16xi32>
        %parallel_loop3A_220 = tpu.vector_load_idx %arg5[%parallel_loop3A_219] : memref<32768xf32, #tpu.memory_space<vmem>>[vector<16xi32>], vector<16xf32>,
        %parallel_loop3A_221 = arith.constant 1 : i32
        %parallel_loop3A_222 = vector.broadcast %parallel_loop3A_221 : i32 to vector<16xi32>
        %parallel_loop3A_223 = arith.addi %parallel_loop3A_218, %parallel_loop3A_222 : vector<16xi32>
        %parallel_loop3A_224 = arith.constant 31 : i32
        %parallel_loop3A_225 = vector.broadcast %parallel_loop3A_224 : i32 to vector<16xi32>
        %parallel_loop3A_226 = arith.andi %parallel_loop3A_223, %parallel_loop3A_225 : vector<16xi32>
        %parallel_loop3A_227 = arith.addi %parallel_loop3A_130, %parallel_loop3A_226 : vector<16xi32>
        %parallel_loop3A_228 = tpu.vector_load_idx %arg5[%parallel_loop3A_227] : memref<32768xf32, #tpu.memory_space<vmem>>[vector<16xi32>], vector<16xf32>,
        %parallel_loop3A_229 = arith.constant 1 : i32
        %parallel_loop3A_230 = vector.broadcast %parallel_loop3A_229 : i32 to vector<16xi32>
        %parallel_loop3A_231 = arith.addi %parallel_loop3A_226, %parallel_loop3A_230 : vector<16xi32>
        %parallel_loop3A_232 = arith.constant 31 : i32
        %parallel_loop3A_233 = vector.broadcast %parallel_loop3A_232 : i32 to vector<16xi32>
        %parallel_loop3A_234 = arith.andi %parallel_loop3A_231, %parallel_loop3A_233 : vector<16xi32>
        %parallel_loop3A_235 = arith.addi %parallel_loop3A_130, %parallel_loop3A_234 : vector<16xi32>
        %parallel_loop3A_236 = tpu.vector_load_idx %arg5[%parallel_loop3A_235] : memref<32768xf32, #tpu.memory_space<vmem>>[vector<16xi32>], vector<16xf32>,
        %parallel_loop3A_237 = arith.constant 1 : i32
        %parallel_loop3A_238 = vector.broadcast %parallel_loop3A_237 : i32 to vector<16xi32>
        %parallel_loop3A_239 = arith.addi %parallel_loop3A_234, %parallel_loop3A_238 : vector<16xi32>
        %parallel_loop3A_240 = arith.constant 31 : i32
        %parallel_loop3A_241 = vector.broadcast %parallel_loop3A_240 : i32 to vector<16xi32>
        %parallel_loop3A_242 = arith.andi %parallel_loop3A_239, %parallel_loop3A_241 : vector<16xi32>
        %parallel_loop3A_243 = arith.addi %parallel_loop3A_130, %parallel_loop3A_242 : vector<16xi32>
        %parallel_loop3A_244 = tpu.vector_load_idx %arg5[%parallel_loop3A_243] : memref<32768xf32, #tpu.memory_space<vmem>>[vector<16xi32>], vector<16xf32>,
        %parallel_loop3A_245 = arith.constant 1 : i32
        %parallel_loop3A_246 = vector.broadcast %parallel_loop3A_245 : i32 to vector<16xi32>
        %parallel_loop3A_247 = arith.addi %parallel_loop3A_242, %parallel_loop3A_246 : vector<16xi32>
        %parallel_loop3A_248 = arith.constant 31 : i32
        %parallel_loop3A_249 = vector.broadcast %parallel_loop3A_248 : i32 to vector<16xi32>
        %parallel_loop3A_250 = arith.andi %parallel_loop3A_247, %parallel_loop3A_249 : vector<16xi32>
        %parallel_loop3A_251 = arith.addi %parallel_loop3A_130, %parallel_loop3A_250 : vector<16xi32>
        %parallel_loop3A_252 = tpu.vector_load_idx %arg5[%parallel_loop3A_251] : memref<32768xf32, #tpu.memory_space<vmem>>[vector<16xi32>], vector<16xf32>,
        %parallel_loop3A_253 = arith.constant 1 : i32
        %parallel_loop3A_254 = vector.broadcast %parallel_loop3A_253 : i32 to vector<16xi32>
        %parallel_loop3A_255 = arith.addi %parallel_loop3A_250, %parallel_loop3A_254 : vector<16xi32>
        %parallel_loop3A_256 = arith.constant 31 : i32
        %parallel_loop3A_257 = vector.broadcast %parallel_loop3A_256 : i32 to vector<16xi32>
        %parallel_loop3A_258 = arith.andi %parallel_loop3A_255, %parallel_loop3A_257 : vector<16xi32>
        %parallel_loop3A_259 = arith.addi %parallel_loop3A_130, %parallel_loop3A_258 : vector<16xi32>
        %parallel_loop3A_260 = tpu.vector_load_idx %arg5[%parallel_loop3A_259] : memref<32768xf32, #tpu.memory_space<vmem>>[vector<16xi32>], vector<16xf32>,
        %parallel_loop3A_261 = arith.constant 1 : i32
        %parallel_loop3A_262 = vector.broadcast %parallel_loop3A_261 : i32 to vector<16xi32>
        %parallel_loop3A_263 = arith.addi %parallel_loop3A_258, %parallel_loop3A_262 : vector<16xi32>
        %parallel_loop3A_264 = arith.constant 31 : i32
        %parallel_loop3A_265 = vector.broadcast %parallel_loop3A_264 : i32 to vector<16xi32>
        %parallel_loop3A_266 = arith.andi %parallel_loop3A_263, %parallel_loop3A_265 : vector<16xi32>
        %parallel_loop3A_267 = arith.addi %parallel_loop3A_130, %parallel_loop3A_266 : vector<16xi32>
        %parallel_loop3A_268 = tpu.vector_load_idx %arg5[%parallel_loop3A_267] : memref<32768xf32, #tpu.memory_space<vmem>>[vector<16xi32>], vector<16xf32>,
        %parallel_loop3A_269 = arith.constant 1 : i32
        %parallel_loop3A_270 = vector.broadcast %parallel_loop3A_269 : i32 to vector<16xi32>
        %parallel_loop3A_271 = arith.addi %parallel_loop3A_266, %parallel_loop3A_270 : vector<16xi32>
        %parallel_loop3A_272 = arith.constant 31 : i32
        %parallel_loop3A_273 = vector.broadcast %parallel_loop3A_272 : i32 to vector<16xi32>
        %parallel_loop3A_274 = arith.andi %parallel_loop3A_271, %parallel_loop3A_273 : vector<16xi32>
        %parallel_loop3A_275 = arith.addi %parallel_loop3A_130, %parallel_loop3A_274 : vector<16xi32>
        %parallel_loop3A_276 = tpu.vector_load_idx %arg5[%parallel_loop3A_275] : memref<32768xf32, #tpu.memory_space<vmem>>[vector<16xi32>], vector<16xf32>,
        %parallel_loop3A_277 = arith.constant 1 : i32
        %parallel_loop3A_278 = vector.broadcast %parallel_loop3A_277 : i32 to vector<16xi32>
        %parallel_loop3A_279 = arith.addi %parallel_loop3A_274, %parallel_loop3A_278 : vector<16xi32>
        %parallel_loop3A_280 = arith.constant 31 : i32
        %parallel_loop3A_281 = vector.broadcast %parallel_loop3A_280 : i32 to vector<16xi32>
        %parallel_loop3A_282 = arith.andi %parallel_loop3A_279, %parallel_loop3A_281 : vector<16xi32>
        %parallel_loop3A_283 = arith.addi %parallel_loop3A_130, %parallel_loop3A_282 : vector<16xi32>
        %parallel_loop3A_284 = tpu.vector_load_idx %arg5[%parallel_loop3A_283] : memref<32768xf32, #tpu.memory_space<vmem>>[vector<16xi32>], vector<16xf32>,
        %parallel_loop3A_285 = arith.constant 1 : i32
        %parallel_loop3A_286 = vector.broadcast %parallel_loop3A_285 : i32 to vector<16xi32>
        %parallel_loop3A_287 = arith.addi %parallel_loop3A_282, %parallel_loop3A_286 : vector<16xi32>
        %parallel_loop3A_288 = arith.constant 31 : i32
        %parallel_loop3A_289 = vector.broadcast %parallel_loop3A_288 : i32 to vector<16xi32>
        %parallel_loop3A_290 = arith.andi %parallel_loop3A_287, %parallel_loop3A_289 : vector<16xi32>
        %parallel_loop3A_291 = arith.addi %parallel_loop3A_130, %parallel_loop3A_290 : vector<16xi32>
        %parallel_loop3A_292 = tpu.vector_load_idx %arg5[%parallel_loop3A_291] : memref<32768xf32, #tpu.memory_space<vmem>>[vector<16xi32>], vector<16xf32>,
        %parallel_loop3A_293 = arith.constant 1 : i32
        %parallel_loop3A_294 = vector.broadcast %parallel_loop3A_293 : i32 to vector<16xi32>
        %parallel_loop3A_295 = arith.addi %parallel_loop3A_290, %parallel_loop3A_294 : vector<16xi32>
        %parallel_loop3A_296 = arith.constant 31 : i32
        %parallel_loop3A_297 = vector.broadcast %parallel_loop3A_296 : i32 to vector<16xi32>
        %parallel_loop3A_298 = arith.andi %parallel_loop3A_295, %parallel_loop3A_297 : vector<16xi32>
        %parallel_loop3A_299 = arith.addi %parallel_loop3A_130, %parallel_loop3A_298 : vector<16xi32>
        %parallel_loop3A_300 = tpu.vector_load_idx %arg5[%parallel_loop3A_299] : memref<32768xf32, #tpu.memory_space<vmem>>[vector<16xi32>], vector<16xf32>,
        %parallel_loop3A_301 = arith.constant 1 : i32
        %parallel_loop3A_302 = vector.broadcast %parallel_loop3A_301 : i32 to vector<16xi32>
        %parallel_loop3A_303 = arith.addi %parallel_loop3A_298, %parallel_loop3A_302 : vector<16xi32>
        %parallel_loop3A_304 = arith.constant 31 : i32
        %parallel_loop3A_305 = vector.broadcast %parallel_loop3A_304 : i32 to vector<16xi32>
        %parallel_loop3A_306 = arith.andi %parallel_loop3A_303, %parallel_loop3A_305 : vector<16xi32>
        %parallel_loop3A_307 = arith.addi %parallel_loop3A_130, %parallel_loop3A_306 : vector<16xi32>
        %parallel_loop3A_308 = tpu.vector_load_idx %arg5[%parallel_loop3A_307] : memref<32768xf32, #tpu.memory_space<vmem>>[vector<16xi32>], vector<16xf32>,
        %parallel_loop3A_309 = arith.constant 1 : i32
        %parallel_loop3A_310 = vector.broadcast %parallel_loop3A_309 : i32 to vector<16xi32>
        %parallel_loop3A_311 = arith.addi %parallel_loop3A_306, %parallel_loop3A_310 : vector<16xi32>
        %parallel_loop3A_312 = arith.constant 31 : i32
        %parallel_loop3A_313 = vector.broadcast %parallel_loop3A_312 : i32 to vector<16xi32>
        %parallel_loop3A_314 = arith.andi %parallel_loop3A_311, %parallel_loop3A_313 : vector<16xi32>
        %parallel_loop3A_315 = arith.addi %parallel_loop3A_130, %parallel_loop3A_314 : vector<16xi32>
        %parallel_loop3A_316 = tpu.vector_load_idx %arg5[%parallel_loop3A_315] : memref<32768xf32, #tpu.memory_space<vmem>>[vector<16xi32>], vector<16xf32>,
        %parallel_loop3A_317 = arith.constant 1 : i32
        %parallel_loop3A_318 = vector.broadcast %parallel_loop3A_317 : i32 to vector<16xi32>
        %parallel_loop3A_319 = arith.addi %parallel_loop3A_314, %parallel_loop3A_318 : vector<16xi32>
        %parallel_loop3A_320 = arith.constant 31 : i32
        %parallel_loop3A_321 = vector.broadcast %parallel_loop3A_320 : i32 to vector<16xi32>
        %parallel_loop3A_322 = arith.andi %parallel_loop3A_319, %parallel_loop3A_321 : vector<16xi32>
        %parallel_loop3A_323 = arith.addi %parallel_loop3A_130, %parallel_loop3A_322 : vector<16xi32>
        %parallel_loop3A_324 = tpu.vector_load_idx %arg5[%parallel_loop3A_323] : memref<32768xf32, #tpu.memory_space<vmem>>[vector<16xi32>], vector<16xf32>,
        %parallel_loop3A_325 = arith.constant 1 : i32
        %parallel_loop3A_326 = vector.broadcast %parallel_loop3A_325 : i32 to vector<16xi32>
        %parallel_loop3A_327 = arith.addi %parallel_loop3A_322, %parallel_loop3A_326 : vector<16xi32>
        %parallel_loop3A_328 = arith.constant 31 : i32
        %parallel_loop3A_329 = vector.broadcast %parallel_loop3A_328 : i32 to vector<16xi32>
        %parallel_loop3A_330 = arith.andi %parallel_loop3A_327, %parallel_loop3A_329 : vector<16xi32>
        %parallel_loop3A_331 = arith.addi %parallel_loop3A_130, %parallel_loop3A_330 : vector<16xi32>
        %parallel_loop3A_332 = tpu.vector_load_idx %arg5[%parallel_loop3A_331] : memref<32768xf32, #tpu.memory_space<vmem>>[vector<16xi32>], vector<16xf32>,
        %parallel_loop3A_333 = arith.constant 1 : i32
        %parallel_loop3A_334 = vector.broadcast %parallel_loop3A_333 : i32 to vector<16xi32>
        %parallel_loop3A_335 = arith.addi %parallel_loop3A_330, %parallel_loop3A_334 : vector<16xi32>
        %parallel_loop3A_336 = arith.constant 31 : i32
        %parallel_loop3A_337 = vector.broadcast %parallel_loop3A_336 : i32 to vector<16xi32>
        %parallel_loop3A_338 = arith.andi %parallel_loop3A_335, %parallel_loop3A_337 : vector<16xi32>
        %parallel_loop3A_339 = arith.addi %parallel_loop3A_130, %parallel_loop3A_338 : vector<16xi32>
        %parallel_loop3A_340 = tpu.vector_load_idx %arg5[%parallel_loop3A_339] : memref<32768xf32, #tpu.memory_space<vmem>>[vector<16xi32>], vector<16xf32>,
        %parallel_loop3A_341 = arith.constant 1 : i32
        %parallel_loop3A_342 = vector.broadcast %parallel_loop3A_341 : i32 to vector<16xi32>
        %parallel_loop3A_343 = arith.addi %parallel_loop3A_338, %parallel_loop3A_342 : vector<16xi32>
        %parallel_loop3A_344 = arith.constant 31 : i32
        %parallel_loop3A_345 = vector.broadcast %parallel_loop3A_344 : i32 to vector<16xi32>
        %parallel_loop3A_346 = arith.andi %parallel_loop3A_343, %parallel_loop3A_345 : vector<16xi32>
        %parallel_loop3A_347 = arith.addi %parallel_loop3A_130, %parallel_loop3A_346 : vector<16xi32>
        %parallel_loop3A_348 = tpu.vector_load_idx %arg5[%parallel_loop3A_347] : memref<32768xf32, #tpu.memory_space<vmem>>[vector<16xi32>], vector<16xf32>,
        %parallel_loop3A_349 = arith.constant 1 : i32
        %parallel_loop3A_350 = vector.broadcast %parallel_loop3A_349 : i32 to vector<16xi32>
        %parallel_loop3A_351 = arith.addi %parallel_loop3A_346, %parallel_loop3A_350 : vector<16xi32>
        %parallel_loop3A_352 = arith.constant 31 : i32
        %parallel_loop3A_353 = vector.broadcast %parallel_loop3A_352 : i32 to vector<16xi32>
        %parallel_loop3A_354 = arith.andi %parallel_loop3A_351, %parallel_loop3A_353 : vector<16xi32>
        %parallel_loop3A_355 = arith.addi %parallel_loop3A_130, %parallel_loop3A_354 : vector<16xi32>
        %parallel_loop3A_356 = tpu.vector_load_idx %arg5[%parallel_loop3A_355] : memref<32768xf32, #tpu.memory_space<vmem>>[vector<16xi32>], vector<16xf32>,
        %parallel_loop3A_357 = arith.constant 1 : i32
        %parallel_loop3A_358 = vector.broadcast %parallel_loop3A_357 : i32 to vector<16xi32>
        %parallel_loop3A_359 = arith.addi %parallel_loop3A_354, %parallel_loop3A_358 : vector<16xi32>
        %parallel_loop3A_360 = arith.constant 31 : i32
        %parallel_loop3A_361 = vector.broadcast %parallel_loop3A_360 : i32 to vector<16xi32>
        %parallel_loop3A_362 = arith.andi %parallel_loop3A_359, %parallel_loop3A_361 : vector<16xi32>
        %parallel_loop3A_363 = arith.addi %parallel_loop3A_130, %parallel_loop3A_362 : vector<16xi32>
        %parallel_loop3A_364 = tpu.vector_load_idx %arg5[%parallel_loop3A_363] : memref<32768xf32, #tpu.memory_space<vmem>>[vector<16xi32>], vector<16xf32>,
        %parallel_loop3A_365 = arith.constant 1 : i32
        %parallel_loop3A_366 = vector.broadcast %parallel_loop3A_365 : i32 to vector<16xi32>
        %parallel_loop3A_367 = arith.addi %parallel_loop3A_362, %parallel_loop3A_366 : vector<16xi32>
        %parallel_loop3A_368 = arith.constant 31 : i32
        %parallel_loop3A_369 = vector.broadcast %parallel_loop3A_368 : i32 to vector<16xi32>
        %parallel_loop3A_370 = arith.andi %parallel_loop3A_367, %parallel_loop3A_369 : vector<16xi32>
        %parallel_loop3A_371 = arith.addi %parallel_loop3A_130, %parallel_loop3A_370 : vector<16xi32>
        %parallel_loop3A_372 = tpu.vector_load_idx %arg5[%parallel_loop3A_371] : memref<32768xf32, #tpu.memory_space<vmem>>[vector<16xi32>], vector<16xf32>,
        %parallel_loop3A_373 = arith.constant 1 : i32
        %parallel_loop3A_374 = vector.broadcast %parallel_loop3A_373 : i32 to vector<16xi32>
        %parallel_loop3A_375 = arith.addi %parallel_loop3A_370, %parallel_loop3A_374 : vector<16xi32>
        %parallel_loop3A_376 = arith.constant 31 : i32
        %parallel_loop3A_377 = vector.broadcast %parallel_loop3A_376 : i32 to vector<16xi32>
        %parallel_loop3A_378 = arith.andi %parallel_loop3A_375, %parallel_loop3A_377 : vector<16xi32>
        %parallel_loop3A_379 = arith.addi %parallel_loop3A_130, %parallel_loop3A_378 : vector<16xi32>
        %parallel_loop3A_380 = tpu.vector_load_idx %arg5[%parallel_loop3A_379] : memref<32768xf32, #tpu.memory_space<vmem>>[vector<16xi32>], vector<16xf32>,
        %parallel_loop3A_381 = arith.maximumf %parallel_loop3A_132, %parallel_loop3A_140 : vector<16xf32>
        %parallel_loop3A_382 = arith.maximumf %parallel_loop3A_148, %parallel_loop3A_156 : vector<16xf32>
        %parallel_loop3A_383 = arith.maximumf %parallel_loop3A_164, %parallel_loop3A_172 : vector<16xf32>
        %parallel_loop3A_384 = arith.maximumf %parallel_loop3A_180, %parallel_loop3A_188 : vector<16xf32>
        %parallel_loop3A_385 = arith.maximumf %parallel_loop3A_196, %parallel_loop3A_204 : vector<16xf32>
        %parallel_loop3A_386 = arith.maximumf %parallel_loop3A_212, %parallel_loop3A_220 : vector<16xf32>
        %parallel_loop3A_387 = arith.maximumf %parallel_loop3A_228, %parallel_loop3A_236 : vector<16xf32>
        %parallel_loop3A_388 = arith.maximumf %parallel_loop3A_244, %parallel_loop3A_252 : vector<16xf32>
        %parallel_loop3A_389 = arith.maximumf %parallel_loop3A_260, %parallel_loop3A_268 : vector<16xf32>
        %parallel_loop3A_390 = arith.maximumf %parallel_loop3A_276, %parallel_loop3A_284 : vector<16xf32>
        %parallel_loop3A_391 = arith.maximumf %parallel_loop3A_292, %parallel_loop3A_300 : vector<16xf32>
        %parallel_loop3A_392 = arith.maximumf %parallel_loop3A_308, %parallel_loop3A_316 : vector<16xf32>
        %parallel_loop3A_393 = arith.maximumf %parallel_loop3A_324, %parallel_loop3A_332 : vector<16xf32>
        %parallel_loop3A_394 = arith.maximumf %parallel_loop3A_340, %parallel_loop3A_348 : vector<16xf32>
        %parallel_loop3A_395 = arith.maximumf %parallel_loop3A_356, %parallel_loop3A_364 : vector<16xf32>
        %parallel_loop3A_396 = arith.maximumf %parallel_loop3A_372, %parallel_loop3A_380 : vector<16xf32>
        %parallel_loop3A_397 = arith.maximumf %parallel_loop3A_381, %parallel_loop3A_382 : vector<16xf32>
        %parallel_loop3A_398 = arith.maximumf %parallel_loop3A_383, %parallel_loop3A_384 : vector<16xf32>
        %parallel_loop3A_399 = arith.maximumf %parallel_loop3A_385, %parallel_loop3A_386 : vector<16xf32>
        %parallel_loop3A_400 = arith.maximumf %parallel_loop3A_387, %parallel_loop3A_388 : vector<16xf32>
        %parallel_loop3A_401 = arith.maximumf %parallel_loop3A_389, %parallel_loop3A_390 : vector<16xf32>
        %parallel_loop3A_402 = arith.maximumf %parallel_loop3A_391, %parallel_loop3A_392 : vector<16xf32>
        %parallel_loop3A_403 = arith.maximumf %parallel_loop3A_393, %parallel_loop3A_394 : vector<16xf32>
        %parallel_loop3A_404 = arith.maximumf %parallel_loop3A_395, %parallel_loop3A_396 : vector<16xf32>
        %parallel_loop3A_405 = arith.maximumf %parallel_loop3A_397, %parallel_loop3A_398 : vector<16xf32>
        %parallel_loop3A_406 = arith.maximumf %parallel_loop3A_399, %parallel_loop3A_400 : vector<16xf32>
        %parallel_loop3A_407 = arith.maximumf %parallel_loop3A_401, %parallel_loop3A_402 : vector<16xf32>
        %parallel_loop3A_408 = arith.maximumf %parallel_loop3A_403, %parallel_loop3A_404 : vector<16xf32>
        %parallel_loop3A_409 = arith.maximumf %parallel_loop3A_405, %parallel_loop3A_406 : vector<16xf32>
        %parallel_loop3A_410 = arith.maximumf %parallel_loop3A_407, %parallel_loop3A_408 : vector<16xf32>
        %parallel_loop3A_411 = arith.maximumf %parallel_loop3A_409, %parallel_loop3A_410 : vector<16xf32>
        %parallel_loop3A_412 = arith.constant 16 : i32
        %parallel_loop3A_413 = arith.muli %parallel_loop3A_126, %parallel_loop3A_412 : i32
        %parallel_loop3A_414 = arith.index_cast %parallel_loop3A_413 : i32 to index
        %parallel_loop3A_415 = tpu.vector_load %arg7[%parallel_loop3A_414] {strides = array<i32>} : memref<1024xi32, #tpu.memory_space<vmem>>, vector<16xi32>,
        %parallel_loop3A_416 = arith.addi %parallel_loop3A_130, %parallel_loop3A_415 : vector<16xi32>
        %parallel_loop3A_417 = tpu.vector_load_idx %arg5[%parallel_loop3A_416] : memref<32768xf32, #tpu.memory_space<vmem>>[vector<16xi32>], vector<16xf32>,
        %parallel_loop3A_418 = arith.cmpf oeq, %parallel_loop3A_417, %parallel_loop3A_411 : vector<16xf32>
        %parallel_loop3A_419 = arith.select %parallel_loop3A_418, %broadcast_in_dim3A_8, %broadcast_in_dim3A_6 : vector<16xi1>, vector<16xf32>
        %parallel_loop3A_420 = arith.constant 1.000000e+01 : f32
        %parallel_loop3A_421 = vector.broadcast %parallel_loop3A_420 : f32 to vector<16xf32>
        %parallel_loop3A_422 = arith.mulf %parallel_loop3A_411, %parallel_loop3A_421 : vector<16xf32>
        %parallel_loop3A_423 = arith.fptosi %parallel_loop3A_422 : vector<16xf32> to vector<16xi32>
        %parallel_loop3A_424 = arith.constant 9 : i32
        %parallel_loop3A_425 = vector.broadcast %parallel_loop3A_424 : i32 to vector<16xi32>
        %parallel_loop3A_426 = arith.minsi %parallel_loop3A_423, %parallel_loop3A_425 : vector<16xi32>
        %parallel_loop3A_427 = arith.constant 0.000000e+00 : f32
        %parallel_loop3A_428 = vector.broadcast %parallel_loop3A_427 : f32 to vector<16xf32>
        %parallel_loop3A_429 = arith.cmpf ogt, %parallel_loop3A_411, %parallel_loop3A_428 : vector<16xf32>
        %parallel_loop3A_430 = arith.constant 10 : i32
        %parallel_loop3A_431 = vector.broadcast %parallel_loop3A_430 : i32 to vector<16xi32>
        %parallel_loop3A_432 = arith.select %parallel_loop3A_429, %parallel_loop3A_426, %parallel_loop3A_431 : vector<16xi1>, vector<16xi32>
        %parallel_loop3A_433 = arith.constant 16 : i32
        %parallel_loop3A_434 = vector.broadcast %parallel_loop3A_433 : i32 to vector<16xi32>
        %parallel_loop3A_435 = arith.muli %parallel_loop3A_432, %parallel_loop3A_434 : vector<16xi32>
        %parallel_loop3A_436 = arith.addi %parallel_loop3A_435, %iota3A : vector<16xi32>
        tpu.vector_store_idx %arg9[%parallel_loop3A_436], %broadcast_in_dim3A_8 {add = true} : memref<528xf32, #tpu.memory_space<vmem>>[vector<16xi32>], vector<16xf32>,
        %parallel_loop3A_437 = arith.constant 176 : i32
        %parallel_loop3A_438 = vector.broadcast %parallel_loop3A_437 : i32 to vector<16xi32>
        %parallel_loop3A_439 = arith.addi %parallel_loop3A_436, %parallel_loop3A_438 : vector<16xi32>
        tpu.vector_store_idx %arg9[%parallel_loop3A_439], %parallel_loop3A_419 {add = true} : memref<528xf32, #tpu.memory_space<vmem>>[vector<16xi32>], vector<16xf32>,
        %parallel_loop3A_440 = arith.constant 352 : i32
        %parallel_loop3A_441 = vector.broadcast %parallel_loop3A_440 : i32 to vector<16xi32>
        %parallel_loop3A_442 = arith.addi %parallel_loop3A_436, %parallel_loop3A_441 : vector<16xi32>
        tpu.vector_store_idx %arg9[%parallel_loop3A_442], %parallel_loop3A_411 {add = true} : memref<528xf32, #tpu.memory_space<vmem>>[vector<16xi32>], vector<16xf32>,
      } {sc.loop_unroll_factor = 2 : i64, sc.parallel_access}
      %lt3A = arith.constant 31 : i32
      %lt3A_110 = arith.cmpi slt, %scan3A_86, %lt3A : i32
      %convert_element_type3A = arith.extui %lt3A_110 : i1 to i32
      %cond3A = arith.constant 0 : i32
      %cond3A_111 = arith.cmpi ne, %convert_element_type3A, %cond3A : i32
      scf.if %cond3A_111 {
        %add3A_126 = arith.constant 2 : i32
        %add3A_127 = arith.addi %mul3A_88, %add3A_126 : i32
        %mul3A_128 = arith.constant 1024 : i32
        %mul3A_129 = arith.muli %add3A_127, %mul3A_128 : i32
        %add3A_130 = arith.addi %mul3A_2, %mul3A_129 : i32
        %mul3A_131 = arith.constant 32 : i32
        %mul3A_132 = arith.muli %add3A_130, %mul3A_131 : i32
        %dma_start3A_133 = tpu.memref_slice %arg2[%mul3A_132] : memref<67108864xf32, #tpu.memory_space<hbm>> -> memref<32768xf32, #tpu.memory_space<hbm>>
        %dma_start3A_134 = tpu.memref_slice %arg2[%mul3A_132] : memref<67108864xf32, #tpu.memory_space<hbm>> -> memref<32768xf32, #tpu.memory_space<hbm>>
        tpu.enqueue_dma source(%dma_start3A_134 : memref<32768xf32, #tpu.memory_space<hbm>>) target(%arg5 : memref<32768xf32, #tpu.memory_space<vmem>>) target_semaphore(%arg10 : memref<!tpu.dma_semaphore, #tpu.memory_space<semaphore_mem>>)
        %dma_start3A_135 = tpu.memref_slice %arg3[%add3A_130] : memref<2097152xi32, #tpu.memory_space<hbm>> -> memref<1024xi32, #tpu.memory_space<hbm>>
        %dma_start3A_136 = tpu.memref_slice %arg3[%add3A_130] : memref<2097152xi32, #tpu.memory_space<hbm>> -> memref<1024xi32, #tpu.memory_space<hbm>>
        tpu.enqueue_dma source(%dma_start3A_136 : memref<1024xi32, #tpu.memory_space<hbm>>) target(%arg7 : memref<1024xi32, #tpu.memory_space<vmem>>) target_semaphore(%arg12 : memref<!tpu.dma_semaphore, #tpu.memory_space<semaphore_mem>>)
      } else {
      }
      %add3A_112 = arith.constant 1 : i32
      %add3A_113 = arith.addi %mul3A_88, %add3A_112 : i32
      %mul3A_114 = arith.constant 1024 : i32
      %mul3A_115 = arith.muli %add3A_113, %mul3A_114 : i32
      %add3A_116 = arith.addi %mul3A_2, %mul3A_115 : i32
      %mul3A_117 = arith.constant 32 : i32
      %mul3A_118 = arith.muli %add3A_116, %mul3A_117 : i32
      %dma_wait3A_119 = tpu.memref_slice %arg2[%mul3A_118] : memref<67108864xf32, #tpu.memory_space<hbm>> -> memref<32768xf32, #tpu.memory_space<hbm>>
      %dma_wait3A_120 = tpu.memref_slice %arg2[%mul3A_118] : memref<67108864xf32, #tpu.memory_space<hbm>> -> memref<32768xf32, #tpu.memory_space<hbm>>
      tpu.wait_dma2 semaphore(%arg11 : memref<!tpu.dma_semaphore, #tpu.memory_space<semaphore_mem>>) src(%dma_wait3A_120 : memref<32768xf32, #tpu.memory_space<hbm>>) dst(%arg6 : memref<32768xf32, #tpu.memory_space<vmem>>)
      %dma_wait3A_121 = tpu.memref_slice %arg3[%add3A_116] : memref<2097152xi32, #tpu.memory_space<hbm>> -> memref<1024xi32, #tpu.memory_space<hbm>>
      %dma_wait3A_122 = tpu.memref_slice %arg3[%add3A_116] : memref<2097152xi32, #tpu.memory_space<hbm>> -> memref<1024xi32, #tpu.memory_space<hbm>>
      tpu.wait_dma2 semaphore(%arg13 : memref<!tpu.dma_semaphore, #tpu.memory_space<semaphore_mem>>) src(%dma_wait3A_122 : memref<1024xi32, #tpu.memory_space<hbm>>) dst(%arg8 : memref<1024xi32, #tpu.memory_space<vmem>>)
      %parallel_loop3A_123 = arith.constant 0 : i32
      %parallel_loop3A_124 = arith.constant 64 : i32
      %parallel_loop3A_125 = arith.constant 1 : i32
      scf.for %parallel_loop3A_126 = %parallel_loop3A_123 to %parallel_loop3A_124 step %parallel_loop3A_125  : i32 {
        %parallel_loop3A_127 = arith.constant 512 : i32
        %parallel_loop3A_128 = arith.muli %parallel_loop3A_126, %parallel_loop3A_127 : i32
        %parallel_loop3A_129 = vector.broadcast %parallel_loop3A_128 : i32 to vector<16xi32>
        %parallel_loop3A_130 = arith.addi %mul3A_5, %parallel_loop3A_129 : vector<16xi32>
        %parallel_loop3A_131 = arith.addi %parallel_loop3A_130, %iota3A : vector<16xi32>
        %parallel_loop3A_132 = tpu.vector_load_idx %arg6[%parallel_loop3A_131] : memref<32768xf32, #tpu.memory_space<vmem>>[vector<16xi32>], vector<16xf32>,
        %parallel_loop3A_133 = arith.constant 1 : i32
        %parallel_loop3A_134 = vector.broadcast %parallel_loop3A_133 : i32 to vector<16xi32>
        %parallel_loop3A_135 = arith.addi %iota3A, %parallel_loop3A_134 : vector<16xi32>
        %parallel_loop3A_136 = arith.constant 31 : i32
        %parallel_loop3A_137 = vector.broadcast %parallel_loop3A_136 : i32 to vector<16xi32>
        %parallel_loop3A_138 = arith.andi %parallel_loop3A_135, %parallel_loop3A_137 : vector<16xi32>
        %parallel_loop3A_139 = arith.addi %parallel_loop3A_130, %parallel_loop3A_138 : vector<16xi32>
        %parallel_loop3A_140 = tpu.vector_load_idx %arg6[%parallel_loop3A_139] : memref<32768xf32, #tpu.memory_space<vmem>>[vector<16xi32>], vector<16xf32>,
        %parallel_loop3A_141 = arith.constant 1 : i32
        %parallel_loop3A_142 = vector.broadcast %parallel_loop3A_141 : i32 to vector<16xi32>
        %parallel_loop3A_143 = arith.addi %parallel_loop3A_138, %parallel_loop3A_142 : vector<16xi32>
        %parallel_loop3A_144 = arith.constant 31 : i32
        %parallel_loop3A_145 = vector.broadcast %parallel_loop3A_144 : i32 to vector<16xi32>
        %parallel_loop3A_146 = arith.andi %parallel_loop3A_143, %parallel_loop3A_145 : vector<16xi32>
        %parallel_loop3A_147 = arith.addi %parallel_loop3A_130, %parallel_loop3A_146 : vector<16xi32>
        %parallel_loop3A_148 = tpu.vector_load_idx %arg6[%parallel_loop3A_147] : memref<32768xf32, #tpu.memory_space<vmem>>[vector<16xi32>], vector<16xf32>,
        %parallel_loop3A_149 = arith.constant 1 : i32
        %parallel_loop3A_150 = vector.broadcast %parallel_loop3A_149 : i32 to vector<16xi32>
        %parallel_loop3A_151 = arith.addi %parallel_loop3A_146, %parallel_loop3A_150 : vector<16xi32>
        %parallel_loop3A_152 = arith.constant 31 : i32
        %parallel_loop3A_153 = vector.broadcast %parallel_loop3A_152 : i32 to vector<16xi32>
        %parallel_loop3A_154 = arith.andi %parallel_loop3A_151, %parallel_loop3A_153 : vector<16xi32>
        %parallel_loop3A_155 = arith.addi %parallel_loop3A_130, %parallel_loop3A_154 : vector<16xi32>
        %parallel_loop3A_156 = tpu.vector_load_idx %arg6[%parallel_loop3A_155] : memref<32768xf32, #tpu.memory_space<vmem>>[vector<16xi32>], vector<16xf32>,
        %parallel_loop3A_157 = arith.constant 1 : i32
        %parallel_loop3A_158 = vector.broadcast %parallel_loop3A_157 : i32 to vector<16xi32>
        %parallel_loop3A_159 = arith.addi %parallel_loop3A_154, %parallel_loop3A_158 : vector<16xi32>
        %parallel_loop3A_160 = arith.constant 31 : i32
        %parallel_loop3A_161 = vector.broadcast %parallel_loop3A_160 : i32 to vector<16xi32>
        %parallel_loop3A_162 = arith.andi %parallel_loop3A_159, %parallel_loop3A_161 : vector<16xi32>
        %parallel_loop3A_163 = arith.addi %parallel_loop3A_130, %parallel_loop3A_162 : vector<16xi32>
        %parallel_loop3A_164 = tpu.vector_load_idx %arg6[%parallel_loop3A_163] : memref<32768xf32, #tpu.memory_space<vmem>>[vector<16xi32>], vector<16xf32>,
        %parallel_loop3A_165 = arith.constant 1 : i32
        %parallel_loop3A_166 = vector.broadcast %parallel_loop3A_165 : i32 to vector<16xi32>
        %parallel_loop3A_167 = arith.addi %parallel_loop3A_162, %parallel_loop3A_166 : vector<16xi32>
        %parallel_loop3A_168 = arith.constant 31 : i32
        %parallel_loop3A_169 = vector.broadcast %parallel_loop3A_168 : i32 to vector<16xi32>
        %parallel_loop3A_170 = arith.andi %parallel_loop3A_167, %parallel_loop3A_169 : vector<16xi32>
        %parallel_loop3A_171 = arith.addi %parallel_loop3A_130, %parallel_loop3A_170 : vector<16xi32>
        %parallel_loop3A_172 = tpu.vector_load_idx %arg6[%parallel_loop3A_171] : memref<32768xf32, #tpu.memory_space<vmem>>[vector<16xi32>], vector<16xf32>,
        %parallel_loop3A_173 = arith.constant 1 : i32
        %parallel_loop3A_174 = vector.broadcast %parallel_loop3A_173 : i32 to vector<16xi32>
        %parallel_loop3A_175 = arith.addi %parallel_loop3A_170, %parallel_loop3A_174 : vector<16xi32>
        %parallel_loop3A_176 = arith.constant 31 : i32
        %parallel_loop3A_177 = vector.broadcast %parallel_loop3A_176 : i32 to vector<16xi32>
        %parallel_loop3A_178 = arith.andi %parallel_loop3A_175, %parallel_loop3A_177 : vector<16xi32>
        %parallel_loop3A_179 = arith.addi %parallel_loop3A_130, %parallel_loop3A_178 : vector<16xi32>
        %parallel_loop3A_180 = tpu.vector_load_idx %arg6[%parallel_loop3A_179] : memref<32768xf32, #tpu.memory_space<vmem>>[vector<16xi32>], vector<16xf32>,
        %parallel_loop3A_181 = arith.constant 1 : i32
        %parallel_loop3A_182 = vector.broadcast %parallel_loop3A_181 : i32 to vector<16xi32>
        %parallel_loop3A_183 = arith.addi %parallel_loop3A_178, %parallel_loop3A_182 : vector<16xi32>
        %parallel_loop3A_184 = arith.constant 31 : i32
        %parallel_loop3A_185 = vector.broadcast %parallel_loop3A_184 : i32 to vector<16xi32>
        %parallel_loop3A_186 = arith.andi %parallel_loop3A_183, %parallel_loop3A_185 : vector<16xi32>
        %parallel_loop3A_187 = arith.addi %parallel_loop3A_130, %parallel_loop3A_186 : vector<16xi32>
        %parallel_loop3A_188 = tpu.vector_load_idx %arg6[%parallel_loop3A_187] : memref<32768xf32, #tpu.memory_space<vmem>>[vector<16xi32>], vector<16xf32>,
        %parallel_loop3A_189 = arith.constant 1 : i32
        %parallel_loop3A_190 = vector.broadcast %parallel_loop3A_189 : i32 to vector<16xi32>
        %parallel_loop3A_191 = arith.addi %parallel_loop3A_186, %parallel_loop3A_190 : vector<16xi32>
        %parallel_loop3A_192 = arith.constant 31 : i32
        %parallel_loop3A_193 = vector.broadcast %parallel_loop3A_192 : i32 to vector<16xi32>
        %parallel_loop3A_194 = arith.andi %parallel_loop3A_191, %parallel_loop3A_193 : vector<16xi32>
        %parallel_loop3A_195 = arith.addi %parallel_loop3A_130, %parallel_loop3A_194 : vector<16xi32>
        %parallel_loop3A_196 = tpu.vector_load_idx %arg6[%parallel_loop3A_195] : memref<32768xf32, #tpu.memory_space<vmem>>[vector<16xi32>], vector<16xf32>,
        %parallel_loop3A_197 = arith.constant 1 : i32
        %parallel_loop3A_198 = vector.broadcast %parallel_loop3A_197 : i32 to vector<16xi32>
        %parallel_loop3A_199 = arith.addi %parallel_loop3A_194, %parallel_loop3A_198 : vector<16xi32>
        %parallel_loop3A_200 = arith.constant 31 : i32
        %parallel_loop3A_201 = vector.broadcast %parallel_loop3A_200 : i32 to vector<16xi32>
        %parallel_loop3A_202 = arith.andi %parallel_loop3A_199, %parallel_loop3A_201 : vector<16xi32>
        %parallel_loop3A_203 = arith.addi %parallel_loop3A_130, %parallel_loop3A_202 : vector<16xi32>
        %parallel_loop3A_204 = tpu.vector_load_idx %arg6[%parallel_loop3A_203] : memref<32768xf32, #tpu.memory_space<vmem>>[vector<16xi32>], vector<16xf32>,
        %parallel_loop3A_205 = arith.constant 1 : i32
        %parallel_loop3A_206 = vector.broadcast %parallel_loop3A_205 : i32 to vector<16xi32>
        %parallel_loop3A_207 = arith.addi %parallel_loop3A_202, %parallel_loop3A_206 : vector<16xi32>
        %parallel_loop3A_208 = arith.constant 31 : i32
        %parallel_loop3A_209 = vector.broadcast %parallel_loop3A_208 : i32 to vector<16xi32>
        %parallel_loop3A_210 = arith.andi %parallel_loop3A_207, %parallel_loop3A_209 : vector<16xi32>
        %parallel_loop3A_211 = arith.addi %parallel_loop3A_130, %parallel_loop3A_210 : vector<16xi32>
        %parallel_loop3A_212 = tpu.vector_load_idx %arg6[%parallel_loop3A_211] : memref<32768xf32, #tpu.memory_space<vmem>>[vector<16xi32>], vector<16xf32>,
        %parallel_loop3A_213 = arith.constant 1 : i32
        %parallel_loop3A_214 = vector.broadcast %parallel_loop3A_213 : i32 to vector<16xi32>
        %parallel_loop3A_215 = arith.addi %parallel_loop3A_210, %parallel_loop3A_214 : vector<16xi32>
        %parallel_loop3A_216 = arith.constant 31 : i32
        %parallel_loop3A_217 = vector.broadcast %parallel_loop3A_216 : i32 to vector<16xi32>
        %parallel_loop3A_218 = arith.andi %parallel_loop3A_215, %parallel_loop3A_217 : vector<16xi32>
        %parallel_loop3A_219 = arith.addi %parallel_loop3A_130, %parallel_loop3A_218 : vector<16xi32>
        %parallel_loop3A_220 = tpu.vector_load_idx %arg6[%parallel_loop3A_219] : memref<32768xf32, #tpu.memory_space<vmem>>[vector<16xi32>], vector<16xf32>,
        %parallel_loop3A_221 = arith.constant 1 : i32
        %parallel_loop3A_222 = vector.broadcast %parallel_loop3A_221 : i32 to vector<16xi32>
        %parallel_loop3A_223 = arith.addi %parallel_loop3A_218, %parallel_loop3A_222 : vector<16xi32>
        %parallel_loop3A_224 = arith.constant 31 : i32
        %parallel_loop3A_225 = vector.broadcast %parallel_loop3A_224 : i32 to vector<16xi32>
        %parallel_loop3A_226 = arith.andi %parallel_loop3A_223, %parallel_loop3A_225 : vector<16xi32>
        %parallel_loop3A_227 = arith.addi %parallel_loop3A_130, %parallel_loop3A_226 : vector<16xi32>
        %parallel_loop3A_228 = tpu.vector_load_idx %arg6[%parallel_loop3A_227] : memref<32768xf32, #tpu.memory_space<vmem>>[vector<16xi32>], vector<16xf32>,
        %parallel_loop3A_229 = arith.constant 1 : i32
        %parallel_loop3A_230 = vector.broadcast %parallel_loop3A_229 : i32 to vector<16xi32>
        %parallel_loop3A_231 = arith.addi %parallel_loop3A_226, %parallel_loop3A_230 : vector<16xi32>
        %parallel_loop3A_232 = arith.constant 31 : i32
        %parallel_loop3A_233 = vector.broadcast %parallel_loop3A_232 : i32 to vector<16xi32>
        %parallel_loop3A_234 = arith.andi %parallel_loop3A_231, %parallel_loop3A_233 : vector<16xi32>
        %parallel_loop3A_235 = arith.addi %parallel_loop3A_130, %parallel_loop3A_234 : vector<16xi32>
        %parallel_loop3A_236 = tpu.vector_load_idx %arg6[%parallel_loop3A_235] : memref<32768xf32, #tpu.memory_space<vmem>>[vector<16xi32>], vector<16xf32>,
        %parallel_loop3A_237 = arith.constant 1 : i32
        %parallel_loop3A_238 = vector.broadcast %parallel_loop3A_237 : i32 to vector<16xi32>
        %parallel_loop3A_239 = arith.addi %parallel_loop3A_234, %parallel_loop3A_238 : vector<16xi32>
        %parallel_loop3A_240 = arith.constant 31 : i32
        %parallel_loop3A_241 = vector.broadcast %parallel_loop3A_240 : i32 to vector<16xi32>
        %parallel_loop3A_242 = arith.andi %parallel_loop3A_239, %parallel_loop3A_241 : vector<16xi32>
        %parallel_loop3A_243 = arith.addi %parallel_loop3A_130, %parallel_loop3A_242 : vector<16xi32>
        %parallel_loop3A_244 = tpu.vector_load_idx %arg6[%parallel_loop3A_243] : memref<32768xf32, #tpu.memory_space<vmem>>[vector<16xi32>], vector<16xf32>,
        %parallel_loop3A_245 = arith.constant 1 : i32
        %parallel_loop3A_246 = vector.broadcast %parallel_loop3A_245 : i32 to vector<16xi32>
        %parallel_loop3A_247 = arith.addi %parallel_loop3A_242, %parallel_loop3A_246 : vector<16xi32>
        %parallel_loop3A_248 = arith.constant 31 : i32
        %parallel_loop3A_249 = vector.broadcast %parallel_loop3A_248 : i32 to vector<16xi32>
        %parallel_loop3A_250 = arith.andi %parallel_loop3A_247, %parallel_loop3A_249 : vector<16xi32>
        %parallel_loop3A_251 = arith.addi %parallel_loop3A_130, %parallel_loop3A_250 : vector<16xi32>
        %parallel_loop3A_252 = tpu.vector_load_idx %arg6[%parallel_loop3A_251] : memref<32768xf32, #tpu.memory_space<vmem>>[vector<16xi32>], vector<16xf32>,
        %parallel_loop3A_253 = arith.constant 1 : i32
        %parallel_loop3A_254 = vector.broadcast %parallel_loop3A_253 : i32 to vector<16xi32>
        %parallel_loop3A_255 = arith.addi %parallel_loop3A_250, %parallel_loop3A_254 : vector<16xi32>
        %parallel_loop3A_256 = arith.constant 31 : i32
        %parallel_loop3A_257 = vector.broadcast %parallel_loop3A_256 : i32 to vector<16xi32>
        %parallel_loop3A_258 = arith.andi %parallel_loop3A_255, %parallel_loop3A_257 : vector<16xi32>
        %parallel_loop3A_259 = arith.addi %parallel_loop3A_130, %parallel_loop3A_258 : vector<16xi32>
        %parallel_loop3A_260 = tpu.vector_load_idx %arg6[%parallel_loop3A_259] : memref<32768xf32, #tpu.memory_space<vmem>>[vector<16xi32>], vector<16xf32>,
        %parallel_loop3A_261 = arith.constant 1 : i32
        %parallel_loop3A_262 = vector.broadcast %parallel_loop3A_261 : i32 to vector<16xi32>
        %parallel_loop3A_263 = arith.addi %parallel_loop3A_258, %parallel_loop3A_262 : vector<16xi32>
        %parallel_loop3A_264 = arith.constant 31 : i32
        %parallel_loop3A_265 = vector.broadcast %parallel_loop3A_264 : i32 to vector<16xi32>
        %parallel_loop3A_266 = arith.andi %parallel_loop3A_263, %parallel_loop3A_265 : vector<16xi32>
        %parallel_loop3A_267 = arith.addi %parallel_loop3A_130, %parallel_loop3A_266 : vector<16xi32>
        %parallel_loop3A_268 = tpu.vector_load_idx %arg6[%parallel_loop3A_267] : memref<32768xf32, #tpu.memory_space<vmem>>[vector<16xi32>], vector<16xf32>,
        %parallel_loop3A_269 = arith.constant 1 : i32
        %parallel_loop3A_270 = vector.broadcast %parallel_loop3A_269 : i32 to vector<16xi32>
        %parallel_loop3A_271 = arith.addi %parallel_loop3A_266, %parallel_loop3A_270 : vector<16xi32>
        %parallel_loop3A_272 = arith.constant 31 : i32
        %parallel_loop3A_273 = vector.broadcast %parallel_loop3A_272 : i32 to vector<16xi32>
        %parallel_loop3A_274 = arith.andi %parallel_loop3A_271, %parallel_loop3A_273 : vector<16xi32>
        %parallel_loop3A_275 = arith.addi %parallel_loop3A_130, %parallel_loop3A_274 : vector<16xi32>
        %parallel_loop3A_276 = tpu.vector_load_idx %arg6[%parallel_loop3A_275] : memref<32768xf32, #tpu.memory_space<vmem>>[vector<16xi32>], vector<16xf32>,
        %parallel_loop3A_277 = arith.constant 1 : i32
        %parallel_loop3A_278 = vector.broadcast %parallel_loop3A_277 : i32 to vector<16xi32>
        %parallel_loop3A_279 = arith.addi %parallel_loop3A_274, %parallel_loop3A_278 : vector<16xi32>
        %parallel_loop3A_280 = arith.constant 31 : i32
        %parallel_loop3A_281 = vector.broadcast %parallel_loop3A_280 : i32 to vector<16xi32>
        %parallel_loop3A_282 = arith.andi %parallel_loop3A_279, %parallel_loop3A_281 : vector<16xi32>
        %parallel_loop3A_283 = arith.addi %parallel_loop3A_130, %parallel_loop3A_282 : vector<16xi32>
        %parallel_loop3A_284 = tpu.vector_load_idx %arg6[%parallel_loop3A_283] : memref<32768xf32, #tpu.memory_space<vmem>>[vector<16xi32>], vector<16xf32>,
        %parallel_loop3A_285 = arith.constant 1 : i32
        %parallel_loop3A_286 = vector.broadcast %parallel_loop3A_285 : i32 to vector<16xi32>
        %parallel_loop3A_287 = arith.addi %parallel_loop3A_282, %parallel_loop3A_286 : vector<16xi32>
        %parallel_loop3A_288 = arith.constant 31 : i32
        %parallel_loop3A_289 = vector.broadcast %parallel_loop3A_288 : i32 to vector<16xi32>
        %parallel_loop3A_290 = arith.andi %parallel_loop3A_287, %parallel_loop3A_289 : vector<16xi32>
        %parallel_loop3A_291 = arith.addi %parallel_loop3A_130, %parallel_loop3A_290 : vector<16xi32>
        %parallel_loop3A_292 = tpu.vector_load_idx %arg6[%parallel_loop3A_291] : memref<32768xf32, #tpu.memory_space<vmem>>[vector<16xi32>], vector<16xf32>,
        %parallel_loop3A_293 = arith.constant 1 : i32
        %parallel_loop3A_294 = vector.broadcast %parallel_loop3A_293 : i32 to vector<16xi32>
        %parallel_loop3A_295 = arith.addi %parallel_loop3A_290, %parallel_loop3A_294 : vector<16xi32>
        %parallel_loop3A_296 = arith.constant 31 : i32
        %parallel_loop3A_297 = vector.broadcast %parallel_loop3A_296 : i32 to vector<16xi32>
        %parallel_loop3A_298 = arith.andi %parallel_loop3A_295, %parallel_loop3A_297 : vector<16xi32>
        %parallel_loop3A_299 = arith.addi %parallel_loop3A_130, %parallel_loop3A_298 : vector<16xi32>
        %parallel_loop3A_300 = tpu.vector_load_idx %arg6[%parallel_loop3A_299] : memref<32768xf32, #tpu.memory_space<vmem>>[vector<16xi32>], vector<16xf32>,
        %parallel_loop3A_301 = arith.constant 1 : i32
        %parallel_loop3A_302 = vector.broadcast %parallel_loop3A_301 : i32 to vector<16xi32>
        %parallel_loop3A_303 = arith.addi %parallel_loop3A_298, %parallel_loop3A_302 : vector<16xi32>
        %parallel_loop3A_304 = arith.constant 31 : i32
        %parallel_loop3A_305 = vector.broadcast %parallel_loop3A_304 : i32 to vector<16xi32>
        %parallel_loop3A_306 = arith.andi %parallel_loop3A_303, %parallel_loop3A_305 : vector<16xi32>
        %parallel_loop3A_307 = arith.addi %parallel_loop3A_130, %parallel_loop3A_306 : vector<16xi32>
        %parallel_loop3A_308 = tpu.vector_load_idx %arg6[%parallel_loop3A_307] : memref<32768xf32, #tpu.memory_space<vmem>>[vector<16xi32>], vector<16xf32>,
        %parallel_loop3A_309 = arith.constant 1 : i32
        %parallel_loop3A_310 = vector.broadcast %parallel_loop3A_309 : i32 to vector<16xi32>
        %parallel_loop3A_311 = arith.addi %parallel_loop3A_306, %parallel_loop3A_310 : vector<16xi32>
        %parallel_loop3A_312 = arith.constant 31 : i32
        %parallel_loop3A_313 = vector.broadcast %parallel_loop3A_312 : i32 to vector<16xi32>
        %parallel_loop3A_314 = arith.andi %parallel_loop3A_311, %parallel_loop3A_313 : vector<16xi32>
        %parallel_loop3A_315 = arith.addi %parallel_loop3A_130, %parallel_loop3A_314 : vector<16xi32>
        %parallel_loop3A_316 = tpu.vector_load_idx %arg6[%parallel_loop3A_315] : memref<32768xf32, #tpu.memory_space<vmem>>[vector<16xi32>], vector<16xf32>,
        %parallel_loop3A_317 = arith.constant 1 : i32
        %parallel_loop3A_318 = vector.broadcast %parallel_loop3A_317 : i32 to vector<16xi32>
        %parallel_loop3A_319 = arith.addi %parallel_loop3A_314, %parallel_loop3A_318 : vector<16xi32>
        %parallel_loop3A_320 = arith.constant 31 : i32
        %parallel_loop3A_321 = vector.broadcast %parallel_loop3A_320 : i32 to vector<16xi32>
        %parallel_loop3A_322 = arith.andi %parallel_loop3A_319, %parallel_loop3A_321 : vector<16xi32>
        %parallel_loop3A_323 = arith.addi %parallel_loop3A_130, %parallel_loop3A_322 : vector<16xi32>
        %parallel_loop3A_324 = tpu.vector_load_idx %arg6[%parallel_loop3A_323] : memref<32768xf32, #tpu.memory_space<vmem>>[vector<16xi32>], vector<16xf32>,
        %parallel_loop3A_325 = arith.constant 1 : i32
        %parallel_loop3A_326 = vector.broadcast %parallel_loop3A_325 : i32 to vector<16xi32>
        %parallel_loop3A_327 = arith.addi %parallel_loop3A_322, %parallel_loop3A_326 : vector<16xi32>
        %parallel_loop3A_328 = arith.constant 31 : i32
        %parallel_loop3A_329 = vector.broadcast %parallel_loop3A_328 : i32 to vector<16xi32>
        %parallel_loop3A_330 = arith.andi %parallel_loop3A_327, %parallel_loop3A_329 : vector<16xi32>
        %parallel_loop3A_331 = arith.addi %parallel_loop3A_130, %parallel_loop3A_330 : vector<16xi32>
        %parallel_loop3A_332 = tpu.vector_load_idx %arg6[%parallel_loop3A_331] : memref<32768xf32, #tpu.memory_space<vmem>>[vector<16xi32>], vector<16xf32>,
        %parallel_loop3A_333 = arith.constant 1 : i32
        %parallel_loop3A_334 = vector.broadcast %parallel_loop3A_333 : i32 to vector<16xi32>
        %parallel_loop3A_335 = arith.addi %parallel_loop3A_330, %parallel_loop3A_334 : vector<16xi32>
        %parallel_loop3A_336 = arith.constant 31 : i32
        %parallel_loop3A_337 = vector.broadcast %parallel_loop3A_336 : i32 to vector<16xi32>
        %parallel_loop3A_338 = arith.andi %parallel_loop3A_335, %parallel_loop3A_337 : vector<16xi32>
        %parallel_loop3A_339 = arith.addi %parallel_loop3A_130, %parallel_loop3A_338 : vector<16xi32>
        %parallel_loop3A_340 = tpu.vector_load_idx %arg6[%parallel_loop3A_339] : memref<32768xf32, #tpu.memory_space<vmem>>[vector<16xi32>], vector<16xf32>,
        %parallel_loop3A_341 = arith.constant 1 : i32
        %parallel_loop3A_342 = vector.broadcast %parallel_loop3A_341 : i32 to vector<16xi32>
        %parallel_loop3A_343 = arith.addi %parallel_loop3A_338, %parallel_loop3A_342 : vector<16xi32>
        %parallel_loop3A_344 = arith.constant 31 : i32
        %parallel_loop3A_345 = vector.broadcast %parallel_loop3A_344 : i32 to vector<16xi32>
        %parallel_loop3A_346 = arith.andi %parallel_loop3A_343, %parallel_loop3A_345 : vector<16xi32>
        %parallel_loop3A_347 = arith.addi %parallel_loop3A_130, %parallel_loop3A_346 : vector<16xi32>
        %parallel_loop3A_348 = tpu.vector_load_idx %arg6[%parallel_loop3A_347] : memref<32768xf32, #tpu.memory_space<vmem>>[vector<16xi32>], vector<16xf32>,
        %parallel_loop3A_349 = arith.constant 1 : i32
        %parallel_loop3A_350 = vector.broadcast %parallel_loop3A_349 : i32 to vector<16xi32>
        %parallel_loop3A_351 = arith.addi %parallel_loop3A_346, %parallel_loop3A_350 : vector<16xi32>
        %parallel_loop3A_352 = arith.constant 31 : i32
        %parallel_loop3A_353 = vector.broadcast %parallel_loop3A_352 : i32 to vector<16xi32>
        %parallel_loop3A_354 = arith.andi %parallel_loop3A_351, %parallel_loop3A_353 : vector<16xi32>
        %parallel_loop3A_355 = arith.addi %parallel_loop3A_130, %parallel_loop3A_354 : vector<16xi32>
        %parallel_loop3A_356 = tpu.vector_load_idx %arg6[%parallel_loop3A_355] : memref<32768xf32, #tpu.memory_space<vmem>>[vector<16xi32>], vector<16xf32>,
        %parallel_loop3A_357 = arith.constant 1 : i32
        %parallel_loop3A_358 = vector.broadcast %parallel_loop3A_357 : i32 to vector<16xi32>
        %parallel_loop3A_359 = arith.addi %parallel_loop3A_354, %parallel_loop3A_358 : vector<16xi32>
        %parallel_loop3A_360 = arith.constant 31 : i32
        %parallel_loop3A_361 = vector.broadcast %parallel_loop3A_360 : i32 to vector<16xi32>
        %parallel_loop3A_362 = arith.andi %parallel_loop3A_359, %parallel_loop3A_361 : vector<16xi32>
        %parallel_loop3A_363 = arith.addi %parallel_loop3A_130, %parallel_loop3A_362 : vector<16xi32>
        %parallel_loop3A_364 = tpu.vector_load_idx %arg6[%parallel_loop3A_363] : memref<32768xf32, #tpu.memory_space<vmem>>[vector<16xi32>], vector<16xf32>,
        %parallel_loop3A_365 = arith.constant 1 : i32
        %parallel_loop3A_366 = vector.broadcast %parallel_loop3A_365 : i32 to vector<16xi32>
        %parallel_loop3A_367 = arith.addi %parallel_loop3A_362, %parallel_loop3A_366 : vector<16xi32>
        %parallel_loop3A_368 = arith.constant 31 : i32
        %parallel_loop3A_369 = vector.broadcast %parallel_loop3A_368 : i32 to vector<16xi32>
        %parallel_loop3A_370 = arith.andi %parallel_loop3A_367, %parallel_loop3A_369 : vector<16xi32>
        %parallel_loop3A_371 = arith.addi %parallel_loop3A_130, %parallel_loop3A_370 : vector<16xi32>
        %parallel_loop3A_372 = tpu.vector_load_idx %arg6[%parallel_loop3A_371] : memref<32768xf32, #tpu.memory_space<vmem>>[vector<16xi32>], vector<16xf32>,
        %parallel_loop3A_373 = arith.constant 1 : i32
        %parallel_loop3A_374 = vector.broadcast %parallel_loop3A_373 : i32 to vector<16xi32>
        %parallel_loop3A_375 = arith.addi %parallel_loop3A_370, %parallel_loop3A_374 : vector<16xi32>
        %parallel_loop3A_376 = arith.constant 31 : i32
        %parallel_loop3A_377 = vector.broadcast %parallel_loop3A_376 : i32 to vector<16xi32>
        %parallel_loop3A_378 = arith.andi %parallel_loop3A_375, %parallel_loop3A_377 : vector<16xi32>
        %parallel_loop3A_379 = arith.addi %parallel_loop3A_130, %parallel_loop3A_378 : vector<16xi32>
        %parallel_loop3A_380 = tpu.vector_load_idx %arg6[%parallel_loop3A_379] : memref<32768xf32, #tpu.memory_space<vmem>>[vector<16xi32>], vector<16xf32>,
        %parallel_loop3A_381 = arith.maximumf %parallel_loop3A_132, %parallel_loop3A_140 : vector<16xf32>
        %parallel_loop3A_382 = arith.maximumf %parallel_loop3A_148, %parallel_loop3A_156 : vector<16xf32>
        %parallel_loop3A_383 = arith.maximumf %parallel_loop3A_164, %parallel_loop3A_172 : vector<16xf32>
        %parallel_loop3A_384 = arith.maximumf %parallel_loop3A_180, %parallel_loop3A_188 : vector<16xf32>
        %parallel_loop3A_385 = arith.maximumf %parallel_loop3A_196, %parallel_loop3A_204 : vector<16xf32>
        %parallel_loop3A_386 = arith.maximumf %parallel_loop3A_212, %parallel_loop3A_220 : vector<16xf32>
        %parallel_loop3A_387 = arith.maximumf %parallel_loop3A_228, %parallel_loop3A_236 : vector<16xf32>
        %parallel_loop3A_388 = arith.maximumf %parallel_loop3A_244, %parallel_loop3A_252 : vector<16xf32>
        %parallel_loop3A_389 = arith.maximumf %parallel_loop3A_260, %parallel_loop3A_268 : vector<16xf32>
        %parallel_loop3A_390 = arith.maximumf %parallel_loop3A_276, %parallel_loop3A_284 : vector<16xf32>
        %parallel_loop3A_391 = arith.maximumf %parallel_loop3A_292, %parallel_loop3A_300 : vector<16xf32>
        %parallel_loop3A_392 = arith.maximumf %parallel_loop3A_308, %parallel_loop3A_316 : vector<16xf32>
        %parallel_loop3A_393 = arith.maximumf %parallel_loop3A_324, %parallel_loop3A_332 : vector<16xf32>
        %parallel_loop3A_394 = arith.maximumf %parallel_loop3A_340, %parallel_loop3A_348 : vector<16xf32>
        %parallel_loop3A_395 = arith.maximumf %parallel_loop3A_356, %parallel_loop3A_364 : vector<16xf32>
        %parallel_loop3A_396 = arith.maximumf %parallel_loop3A_372, %parallel_loop3A_380 : vector<16xf32>
        %parallel_loop3A_397 = arith.maximumf %parallel_loop3A_381, %parallel_loop3A_382 : vector<16xf32>
        %parallel_loop3A_398 = arith.maximumf %parallel_loop3A_383, %parallel_loop3A_384 : vector<16xf32>
        %parallel_loop3A_399 = arith.maximumf %parallel_loop3A_385, %parallel_loop3A_386 : vector<16xf32>
        %parallel_loop3A_400 = arith.maximumf %parallel_loop3A_387, %parallel_loop3A_388 : vector<16xf32>
        %parallel_loop3A_401 = arith.maximumf %parallel_loop3A_389, %parallel_loop3A_390 : vector<16xf32>
        %parallel_loop3A_402 = arith.maximumf %parallel_loop3A_391, %parallel_loop3A_392 : vector<16xf32>
        %parallel_loop3A_403 = arith.maximumf %parallel_loop3A_393, %parallel_loop3A_394 : vector<16xf32>
        %parallel_loop3A_404 = arith.maximumf %parallel_loop3A_395, %parallel_loop3A_396 : vector<16xf32>
        %parallel_loop3A_405 = arith.maximumf %parallel_loop3A_397, %parallel_loop3A_398 : vector<16xf32>
        %parallel_loop3A_406 = arith.maximumf %parallel_loop3A_399, %parallel_loop3A_400 : vector<16xf32>
        %parallel_loop3A_407 = arith.maximumf %parallel_loop3A_401, %parallel_loop3A_402 : vector<16xf32>
        %parallel_loop3A_408 = arith.maximumf %parallel_loop3A_403, %parallel_loop3A_404 : vector<16xf32>
        %parallel_loop3A_409 = arith.maximumf %parallel_loop3A_405, %parallel_loop3A_406 : vector<16xf32>
        %parallel_loop3A_410 = arith.maximumf %parallel_loop3A_407, %parallel_loop3A_408 : vector<16xf32>
        %parallel_loop3A_411 = arith.maximumf %parallel_loop3A_409, %parallel_loop3A_410 : vector<16xf32>
        %parallel_loop3A_412 = arith.constant 16 : i32
        %parallel_loop3A_413 = arith.muli %parallel_loop3A_126, %parallel_loop3A_412 : i32
        %parallel_loop3A_414 = arith.index_cast %parallel_loop3A_413 : i32 to index
        %parallel_loop3A_415 = tpu.vector_load %arg8[%parallel_loop3A_414] {strides = array<i32>} : memref<1024xi32, #tpu.memory_space<vmem>>, vector<16xi32>,
        %parallel_loop3A_416 = arith.addi %parallel_loop3A_130, %parallel_loop3A_415 : vector<16xi32>
        %parallel_loop3A_417 = tpu.vector_load_idx %arg6[%parallel_loop3A_416] : memref<32768xf32, #tpu.memory_space<vmem>>[vector<16xi32>], vector<16xf32>,
        %parallel_loop3A_418 = arith.cmpf oeq, %parallel_loop3A_417, %parallel_loop3A_411 : vector<16xf32>
        %parallel_loop3A_419 = arith.select %parallel_loop3A_418, %broadcast_in_dim3A_8, %broadcast_in_dim3A_6 : vector<16xi1>, vector<16xf32>
        %parallel_loop3A_420 = arith.constant 1.000000e+01 : f32
        %parallel_loop3A_421 = vector.broadcast %parallel_loop3A_420 : f32 to vector<16xf32>
        %parallel_loop3A_422 = arith.mulf %parallel_loop3A_411, %parallel_loop3A_421 : vector<16xf32>
        %parallel_loop3A_423 = arith.fptosi %parallel_loop3A_422 : vector<16xf32> to vector<16xi32>
        %parallel_loop3A_424 = arith.constant 9 : i32
        %parallel_loop3A_425 = vector.broadcast %parallel_loop3A_424 : i32 to vector<16xi32>
        %parallel_loop3A_426 = arith.minsi %parallel_loop3A_423, %parallel_loop3A_425 : vector<16xi32>
        %parallel_loop3A_427 = arith.constant 0.000000e+00 : f32
        %parallel_loop3A_428 = vector.broadcast %parallel_loop3A_427 : f32 to vector<16xf32>
        %parallel_loop3A_429 = arith.cmpf ogt, %parallel_loop3A_411, %parallel_loop3A_428 : vector<16xf32>
        %parallel_loop3A_430 = arith.constant 10 : i32
        %parallel_loop3A_431 = vector.broadcast %parallel_loop3A_430 : i32 to vector<16xi32>
        %parallel_loop3A_432 = arith.select %parallel_loop3A_429, %parallel_loop3A_426, %parallel_loop3A_431 : vector<16xi1>, vector<16xi32>
        %parallel_loop3A_433 = arith.constant 16 : i32
        %parallel_loop3A_434 = vector.broadcast %parallel_loop3A_433 : i32 to vector<16xi32>
        %parallel_loop3A_435 = arith.muli %parallel_loop3A_432, %parallel_loop3A_434 : vector<16xi32>
        %parallel_loop3A_436 = arith.addi %parallel_loop3A_435, %iota3A : vector<16xi32>
        tpu.vector_store_idx %arg9[%parallel_loop3A_436], %broadcast_in_dim3A_8 {add = true} : memref<528xf32, #tpu.memory_space<vmem>>[vector<16xi32>], vector<16xf32>,
        %parallel_loop3A_437 = arith.constant 176 : i32
        %parallel_loop3A_438 = vector.broadcast %parallel_loop3A_437 : i32 to vector<16xi32>
        %parallel_loop3A_439 = arith.addi %parallel_loop3A_436, %parallel_loop3A_438 : vector<16xi32>
        tpu.vector_store_idx %arg9[%parallel_loop3A_439], %parallel_loop3A_419 {add = true} : memref<528xf32, #tpu.memory_space<vmem>>[vector<16xi32>], vector<16xf32>,
        %parallel_loop3A_440 = arith.constant 352 : i32
        %parallel_loop3A_441 = vector.broadcast %parallel_loop3A_440 : i32 to vector<16xi32>
        %parallel_loop3A_442 = arith.addi %parallel_loop3A_436, %parallel_loop3A_441 : vector<16xi32>
        tpu.vector_store_idx %arg9[%parallel_loop3A_442], %parallel_loop3A_411 {add = true} : memref<528xf32, #tpu.memory_space<vmem>>[vector<16xi32>], vector<16xf32>,
      } {sc.loop_unroll_factor = 2 : i64, sc.parallel_access}
    }
    %scan3A_85 = arith.constant 32 : i32
    "tpu.region"() ({
      %run_scoped3A = tpu.sem_alloc : memref<!tpu.dma_semaphore, #tpu.memory_space<semaphore_mem>>
      %dma_start3A_86 = arith.constant 0 : i32
      %dma_start3A_87 = tpu.memref_slice %arg4[%add3A, %dma_start3A_86] : memref<32x528xf32, #tpu.memory_space<hbm>> -> memref<1x528xf32, #tpu.memory_space<hbm>>
      %dma_start3A_88 = tpu.memref_squeeze %dma_start3A_87 : memref<1x528xf32, #tpu.memory_space<hbm>> -> memref<528xf32, #tpu.memory_space<hbm>>
      %dma_start3A_89 = arith.constant 0 : i32
      %dma_start3A_90 = tpu.memref_slice %arg4[%add3A, %dma_start3A_89] : memref<32x528xf32, #tpu.memory_space<hbm>> -> memref<1x528xf32, #tpu.memory_space<hbm>>
      %dma_start3A_91 = tpu.memref_squeeze %dma_start3A_90 : memref<1x528xf32, #tpu.memory_space<hbm>> -> memref<528xf32, #tpu.memory_space<hbm>>
      tpu.enqueue_dma source(%arg9 : memref<528xf32, #tpu.memory_space<vmem>>) target(%dma_start3A_91 : memref<528xf32, #tpu.memory_space<hbm>>) target_semaphore(%run_scoped3A : memref<!tpu.dma_semaphore, #tpu.memory_space<semaphore_mem>>)
      %dma_wait3A = arith.constant 0 : i32
      %dma_wait3A_92 = tpu.memref_slice %arg4[%add3A, %dma_wait3A] : memref<32x528xf32, #tpu.memory_space<hbm>> -> memref<1x528xf32, #tpu.memory_space<hbm>>
      %dma_wait3A_93 = tpu.memref_squeeze %dma_wait3A_92 : memref<1x528xf32, #tpu.memory_space<hbm>> -> memref<528xf32, #tpu.memory_space<hbm>>
      %dma_wait3A_94 = arith.constant 0 : i32
      %dma_wait3A_95 = tpu.memref_slice %arg4[%add3A, %dma_wait3A_94] : memref<32x528xf32, #tpu.memory_space<hbm>> -> memref<1x528xf32, #tpu.memory_space<hbm>>
      %dma_wait3A_96 = tpu.memref_squeeze %dma_wait3A_95 : memref<1x528xf32, #tpu.memory_space<hbm>> -> memref<528xf32, #tpu.memory_space<hbm>>
      tpu.wait_dma2 semaphore(%run_scoped3A : memref<!tpu.dma_semaphore, #tpu.memory_space<semaphore_mem>>) src(%arg9 : memref<528xf32, #tpu.memory_space<vmem>>) dst(%dma_wait3A_96 : memref<528xf32, #tpu.memory_space<hbm>>)
      tpu.yield
    }) : () -> ()
    return
  }
}

</mosaic_0001>

<sc_bundles>
// kernel: kernel.3.cloned.1.call-start
scs
__scs_entry_jumppad:
0x0: {  	(pc) =	sbr.rel $0x88, $3  }
0x1: {  	(tag) =	ssettag $0x0;
	lr =	simm.s32 $0x1  }
0x2: {  	[smem:$0x3F9F] =	sst lr;
	_ =	strace $0xD0000000  }
0x3: {  	_ = 	snop  }
0x4: {  	_ = 	snop  }
0x5: {  	_ = 	snop  }
0x6: {  	_ = 	snop  }
0x7: {  	_ = 	snop  }
__scs_overlays_trampoline_lowered:
0x8: {  	[smem:$0x3FAE] =	sst s0  }
0x9: {  	[smem:$0x3FAF] =	sst s1  }
0xa: {  	[smem:$0x3FB0] =	sst s2  }
0xb: {  	[smem:$0x3FB1] =	sst s3  }
0xc: {  	[smem:$0x3FB2] =	sst s4  }
0xd: {  	[smem:$0x3FB3] =	sst s5  }
0xe: {  	[smem:$0x3FB4] =	sst s6  }
0xf: {  	[smem:$0x3FB5] =	sst s7  }
0x10: {  	[smem:$0x3FB6] =	sst s8  }
0x11: {  	[smem:$0x3FB7] =	sst s9;
	s0 =	simm.s32 @!p0 $0x0  }
0x12: {  	s1 =	sld [smem:$0x3F9D];
	s0 =	simm.s32 @p0 $0x1  }
0x13: {  	[smem:$0x3FB8] =	sst s0;
	s0 =	simm.s32 @!p1 $0x0  }
0x14: {  	s2 =	sld [smem:$0x3F9C];
	s0 =	simm.s32 @p1 $0x1  }
0x15: {  	[smem:$0x3FB9] =	sst s0;
	s0 =	simm.s32 @!p2 $0x0  }
0x16: {  	s3 =	sld [smem:$0x3FDB];
	s0 =	simm.s32 @p2 $0x1  }
0x17: {  	s4 =	simm.s32 $0x1BF5;
	[smem:$0x3FBB] =	sst s0  }
0x18: {  	s0 =	sld [smem:$0x3F9E];
	_ =	swait.ge [sflag:s4], $0x0  }
0x19: {  	s7 =	sld [smem:$0x3F9F]  }
0x1a: {  	s8 =	sadd.s32 $0xFFFFE003, lr  }
0x1b: {  	s9 =	sadd.s32 $0xFFFFFEF7, lr;
	s5 =	simm.s32 $0xFFFFFFFF;
	p2 =	slt.u32 s8, $0xFFFFF086  }
0x1c: {  	p1 =	slt.u32 s9, $0xF7A;
	s5 =	simm.s32 @!p2 $0x0  }
0x1d: {  	s5 =	simm.s32 @p1 $0x1;
	p0 =	seq.s32 s7, s2  }
0x1e: {  	s7 =	smul.u32 @!p0 $0xF7A, s2;
	p2 =	seq.s32 @!p0 s5, $0x0  }
0x1f: {  	s9 =	smul.u32 $0xF7A, s1;
	s8 =	simm.s32 @!p0 $0x1BF5;
	p2 =	por !p2, p0  }
0x20: {  	[sflag:s8] =	ssyncset.s32 @!p0 $0xFFFFF086;
	s6 =	sadd.s32 @!p0 s3, s7;
	s7 =	simm.s32 @!p0 $0x108  }
0x21: {  	s3 =	sadd.s32 s3, s9;
	s6 =	sadd.s32 @!p0 $0x88, s6;
	s7 =	simm.s32 @p2 $0x1082  }
0x22: {  	[simem:s7], [sflag:s8] =	dma.local @!p0 [hbm:s6], $0xF7A  }
0x23: {  	s9 =	sor.u32 $0xD0000000, s2;
	s6 =	simm.s32 $0x108;
	_ =	swait.ge @!p0 [sflag:s8], $0x0  }
0x24: {  	s3 =	sadd.s32 $0x88, s3;
	s6 =	simm.s32 @!p1 $0x1082;
	[sflag:s4] =	ssyncset.s32 $0xFFFFF086  }
0x25: {  	[simem:s6], [sflag:s4] =	dma.local [hbm:s3], $0xF7A  }
0x26: {  	[smem:$0x3F9F] =	sst s1;
	(tag) =	ssettag s2;
	_ =	strace s9  }
0x27: {  	s1 =	sld [smem:$0x3FAF]  }
0x28: {  	s2 =	sld [smem:$0x3FB0]  }
0x29: {  	s4 =	sld [smem:$0x3FB2]  }
0x2a: {  	p0 =	seq.s32 s5, $0x0;
	s5 =	sld [smem:$0x3FB3]  }
0x2b: {  	s6 =	sld [smem:$0x3FB4]  }
0x2c: {  	s7 =	sld [smem:$0x3FB5]  }
0x2d: {  	s3 =	simm.s32 $0x108;
	s8 =	sld [smem:$0x3FB6]  }
0x2e: {  	s3 =	simm.s32 @!p0 $0x1082;
	s9 =	sld [smem:$0x3FB7]  }
0x2f: {  	lr =	sadd.s32 s0, s3;
	s0 =	sld [smem:$0x3FAE]  }
0x30: {  	s3 =	sld [smem:$0x3FB1]  }
0x31: {  	[smem:$0x3FBA] =	sst s10  }
0x32: {  	s10 =	sld [smem:$0x3FB8];
	_ =	sdelay $0x3  }
0x33: {  	p0 =	seq.s32 s10, $0x1;
	s10 =	sld [smem:$0x3FBA];
	_ =	sdelay $0x3  }
0x34: {  	[smem:$0x3FBA] =	sst s10  }
0x35: {  	s10 =	sld [smem:$0x3FB9];
	_ =	sdelay $0x3  }
0x36: {  	p1 =	seq.s32 s10, $0x1;
	s10 =	sld [smem:$0x3FBA];
	_ =	sdelay $0x3  }
0x37: {  	[smem:$0x3FBA] =	sst s10  }
0x38: {  	s10 =	sld [smem:$0x3FBB]  }
0x39: {  	_ = 	snop;
	(pc) =	sbr.ind lr, $3  }
0x3a: {  	_ = 	snop  }
0x3b: {  	_ = 	snop  }
0x3c: {  	p2 =	seq.s32 s10, $0x1;
	s10 =	sld [smem:$0x3FBA]  }
0x3d: {  	_ =	shalt  }
0x3e: {  	_ =	shalt  }
0x3f: {  	_ =	shalt  }
0x40: {  	_ =	shalt  }
0x41: {  	_ =	shalt  }
0x42: {  	_ =	shalt  }
0x43: {  	_ =	shalt  }
0x44: {  	_ =	shalt  }
0x45: {  	_ =	shalt  }
0x46: {  	_ =	shalt  }
0x47: {  	_ =	shalt  }
0x48: {  	_ =	shalt  }
0x49: {  	_ =	shalt  }
0x4a: {  	_ =	shalt  }
0x4b: {  	_ =	shalt  }
0x4c: {  	_ =	shalt  }
0x4d: {  	_ =	shalt  }
0x4e: {  	_ =	shalt  }
0x4f: {  	_ =	shalt  }
0x50: {  	_ =	shalt  }
0x51: {  	_ =	shalt  }
0x52: {  	_ =	shalt  }
0x53: {  	_ =	shalt  }
0x54: {  	_ =	shalt  }
0x55: {  	_ =	shalt  }
0x56: {  	_ =	shalt  }
0x57: {  	_ =	shalt  }
0x58: {  	_ =	shalt  }
0x59: {  	_ =	shalt  }
0x5a: {  	_ =	shalt  }
0x5b: {  	_ =	shalt  }
0x5c: {  	_ =	shalt  }
0x5d: {  	_ =	shalt  }
0x5e: {  	_ =	shalt  }
0x5f: {  	_ =	shalt  }
0x60: {  	_ =	shalt  }
0x61: {  	_ =	shalt  }
0x62: {  	_ =	shalt  }
0x63: {  	_ =	shalt  }
0x64: {  	_ =	shalt  }
0x65: {  	_ =	shalt  }
0x66: {  	_ =	shalt  }
0x67: {  	_ =	shalt  }
0x68: {  	_ =	shalt  }
0x69: {  	_ =	shalt  }
0x6a: {  	_ =	shalt  }
0x6b: {  	_ =	shalt  }
0x6c: {  	_ =	shalt  }
0x6d: {  	_ =	shalt  }
0x6e: {  	_ =	shalt  }
0x6f: {  	_ =	shalt  }
0x70: {  	_ =	shalt  }
0x71: {  	_ =	shalt  }
0x72: {  	_ =	shalt  }
0x73: {  	_ =	shalt  }
0x74: {  	_ =	shalt  }
0x75: {  	_ =	shalt  }
0x76: {  	_ =	shalt  }
0x77: {  	_ =	shalt  }
0x78: {  	_ =	shalt  }
0x79: {  	_ =	shalt  }
0x7a: {  	_ =	shalt  }
0x7b: {  	_ =	shalt  }
0x7c: {  	_ =	shalt  }
0x7d: {  	_ =	shalt  }
0x7e: {  	_ =	shalt  }
0x7f: {  	_ =	shalt  }
0x80: {  	_ =	shalt  }
0x81: {  	_ =	shalt  }
0x82: {  	_ =	shalt  }
0x83: {  	_ =	shalt  }
0x84: {  	_ =	shalt  }
0x85: {  	_ =	shalt  }
0x86: {  	_ =	shalt  }
0x87: {  	_ =	shalt  }
.Lfunc_end0:
.L_simem_size_0:
called_computation_lowered:
.L_overlay_start_0:
0x88: {  	s2 =	sld [smem:$0x3FD9]  }
0x89: {  	s3 =	sld [smem:$0x3FFE];
	_ =	sdelay $0x1  }
0x8a: {  	s1 =	srdreg.scid  }
0x8b: {  	s0 =	sand.u32 $0x1, s1  }
0x8c: {  	s17 =	sshll.u32 s0, $0xA;
	s2 =	sadd.s32 s3, s2  }
0x8d: {  	s2 =	sadd.s32 s2, s17  }
0x8e: {  	[smem:$0x3FC6] =	sst s2  }
0x8f: {  	_ = 	snop  }
0x90: {  	s2 =	sld [smem:$0x3FC8];
	(tm) =	ssettm $0x1  }
0x91: {  	s18 =	sld [smem:$0x3FFB];
	_ =	sdelay $0x3  }
0x92: {  	_ =	strace s18  }
0x93: {  	s3 =	sld [smem:$0x3FFC];
	_ =	sdelay $0x3  }
0x94: {  	_ =	strace s3  }
0x95: {  	s3 =	sld [smem:$0x3FFD];
	_ =	sdelay $0x3  }
0x96: {  	_ =	strace s3  }
0x97: {  	_ =	strace $0x8FFFFFFF  }
0x98: {  	s19 =	sld [smem:$0x3FDB];
	_ =	sdelay $0x1  }
0x99: {  	s4 =	simm.s32 $_scs_section_size  }
0x9a: {  	s5 =	simm.s32 $_size__tile_overlayer_lowered;
	s6 =	simm.s32 $_tile_overlayer_lowered  }
0x9b: {  	s22 =	simm.s32 $0x1BFF;
	s21 =	sshll.u32 s6, $0x1;
	s3 =	sadd.s32 s4, s19  }
0x9c: {  	s7 =	simm.s32 $0x0;
	s20 =	sshll.u32 s5, $0x1;
	s5 =	sadd.s32 s21, s3  }
0x9d: {  	[timem:s7], [sflag:s22] =	dma.local [hbm:s5], s20  }
0x9e: {  	_ =	swait.ge [sflag:s22], s20  }
0x9f: {  	s4 =	ssub.s32 $0x0, s20;
	[sflag:s22] =	ssyncset.done $0x0  }
0xa0: {  	[sflag:s22] =	ssyncadd.s32 s4;
	_ =	sdelay $0x1  }
0xa1: {  	s23 =	simm.s32 $0x1B8B  }
0xa2: {  	_ =	swait.ge [sflag:s23], $0x1  }
0xa3: {  	[sflag:s23] =	ssyncset.done $0x0  }
0xa4: {  	s25 =	simm.s32 $0x1B8E;
	s24 =	sld [smem:$0x3FFE];
	[sflag:s23] =	ssyncadd.s32 $0xFFFFFFFF  }
0xa5: {  	s26 =	simm.s32 $execute0_lowered;
	[smem:$0x3FD2] =	sst s25  }
0xa6: {  	s5 =	sshll.u32 s26, $0x1;
	_ =	strace $0x80000046;
	[dreg:$0x1] =	wrdreg $0xFFFFFFFF  }
0xa7: {  	s28 =	simm.s32 $_size_execute0_lowered;
	s3 =	sadd.s32 s3, s5;
	[dreg:$0x0] =	wrdreg $0x0  }
0xa8: {  	s5 =	sshll.u32 s28, $0x1;
	[dreg:$0x2] =	wrdreg s3  }
0xa9: {  	[dreg:$0x3] =	wrdreg s5  }
0xaa: {  	[dreg:$0x4] =	wrdreg $0xC0  }
0xab: {  	_ =	task [dreg:s7], $0x5FFFF  }
0xac: {  	[dreg:$0x1] =	wrdreg $0xFFFFFFFF  }
0xad: {  	[dreg:$0x0] =	wrdreg $0x60  }
0xae: {  	[dreg:$0x2] =	wrdreg s24  }
0xaf: {  	[dreg:$0x3] =	wrdreg s2  }
0xb0: {  	[dreg:$0x4] =	wrdreg $0x9  }
0xb1: {  	_ =	task.clear_ibuf [dreg:s7], $0x5FFFF;
	_ =	strace $0x90000046  }
0xb2: {  	s29 =	simm.s32 $0x9;
	_ =	strace $0x80000048  }
0xb3: {  	_ =	swait.ge [sflag:s29], $0x1  }
0xb4: {  	[sflag:s29] =	ssyncadd.s32 $0xFFFFFFFF  }
0xb5: {  	_ =	strace $0x90000048  }
0xb6: {  	_ =	sfence  }
0xb7: {  	s30 =	sld [smem:$0x0];
	_ =	sdelay $0x2  }
0xb8: {  	s31 =	sshll.u32 s1, $0xD;
	s1 =	sshrl.u32 s1, $0x2  }
0xb9: {  	s3 =	sand.u32 $0x4000, s31;
	s1 =	sadd.s32 s1, s30  }
0xba: {  	s0 =	sor.u32 s3, s0;
	s1 =	sshll.u32 s1, $0x11  }
0xbb: {  	s0 =	sor.u32 s1, s0  }
0xbc: {  	s0 =	sadd.s32 $0x8F2B, s0  }
0xbd: {  	[sflag:s0] =	ssyncadd.remote.s32 $0x1  }
0xbe: {  	_ =	sfence.sel $0xFFFF  }
0xbf: {  	[dreg:$0x0] =	wrdreg $0xFFFFFFFF;
	(pc) =	sbr.abs _section_cstart, $3  }
0xc0: {  	[dreg:$0x1] =	wrdreg $0xFFFFFFFF  }
0xc1: {  	_ =	task.clear_ibuf [dreg:s7], $0x2FFFF;
	_ =	strace $0x9FFFFFFF  }
0xc2: {  	(tm) =	ssettm $0x7FFFFFFF  }
0xc3: {  	_ =	shalt  }
tec
execute0_lowered:
.L_overlay_start_1:
0x0: {  	(tag) =	ssettag $0x1  }
0x1: {  	v7 =	vlaneseq.u32;
	v0 =	vimm.s32 $0x74533211  }
0x2: {  	v1 =	vimm.s32 $0xF8D7B695;
	vm8 =	vcmask $0xF00;
	vm7 =	vcmask $0x1F10  }
0x3: {  	vm6 =	vcmask $0x2320;
	vm4 =	vcmask $0x2724;
	v59 =	vimm.s32 $0x75543312  }
0x4: {  	vm3 =	vcmask $0x2B28;
	v2 =	vimm.s32 $0xF9D8B796;
	vm0 =	vcmask $0x2F2C  }
0x5: {  	vm1 =	vcmask $0x3330;
	vm2 =	vcmask $0x3734;
	v62 =	vimm.s32 $0x76553413  }
0x6: {  	v3 =	vimm.s32 $0xFAD9B897;
	vm5 =	vcmask $0x3B38;
	v13 =	vimm.s32 $0x77563514  }
0x7: {  	v15 =	vimm.s32 $0xFBDAB998;
	v38 =	vimm.s32 $0x78573615;
	v39 =	vimm.s32 $0xFCDBBA99  }
0x8: {  	v43 =	vimm.s32 $0x79583716;
	v45 =	vimm.s32 $0xFDDCBB9A;
	v51 =	vimm.s32 $0x7A593817  }
0x9: {  	v55 =	vimm.s32 $0xFEDDBC9B;
	v56 =	vimm.s32 $0x7B5A3918;
	v4 =	vimm.s32 $0xFFDEBD9C  }
0xa: {  	v6 =	vimm.s32 $0xE4C3A281;
	v29 =	vmul.u32 $0x21, v7;
	v48 =	vmul.u32 $0x20, v7  }
0xb: {  	v0 =	vunpack.c.0.s8.s32 v0;
	v1 =	vunpack.c.0.s8.s32 v1;
	v2 =	vunpack.c.0.s8.s32 v2  }
0xc: {  	v3 =	vunpack.c.0.s8.s32 v3;
	v14 =	vunpack.c.0.s8.s32 v13;
	v44 =	vunpack.c.0.s8.s32 v43  }
0xd: {  	v57 =	vunpack.c.0.s8.s32 v4;
	v6 =	vunpack.c.0.s8.s32 v6;
	v30 =	vadd.s32 $0x1, v29  }
0xe: {  	v27 =	vadd.s32 $0x2, v29;
	v28 =	vadd.s32 $0x3, v29;
	v31 =	vadd.s32 $0x4, v29  }
0xf: {  	v32 =	vadd.s32 $0x5, v29;
	v33 =	vadd.s32 $0x6, v29;
	v53 =	vadd.s32 $0x7, v29  }
0x10: {  	v8 =	vadd.s32 $0x8, v29;
	v46 =	vadd.s32 $0x9, v29;
	v54 =	vadd.s32 $0xA, v29  }
0x11: {  	v49 =	vadd.s32 $0xB, v29;
	v37 =	vadd.s32 $0xC, v29;
	v0 =	vand.u32 $0xFF, v0  }
0x12: {  	v1 =	vand.u32 $0xFF, v1;
	v60 =	vadd.s32 $0xD, v29;
	v58 =	vadd.s32 $0xE, v29  }
0x13: {  	v61 =	vadd.s32 $0xF, v29;
	v34 =	vadd.s32 $0x10, v29;
	v0 =	vnsel vm8, $0x1E0, v0  }
0x14: {  	v2 =	vand.u32 $0xFF, v2;
	v0 =	vsel vm7, v1, v0;
	v1 =	vunpack.c.0.s8.s32 v59  }
0x15: {  	v12 =	vand.u32 $0xFF, v3;
	v3 =	vunpack.c.0.s8.s32 v15;
	v0 =	vsel vm6, $0x119, v0  }
0x16: {  	v15 =	vimm.s32 $0x7D5C3B1A;
	v0 =	vsel vm4, $0x13A, v0;
	v1 =	vand.u32 $0xFF, v1  }
0x17: {  	v3 =	vand.u32 $0xFF, v3;
	v0 =	vsel vm3, $0x15B, v0;
	v1 =	vnsel vm8, $0x1E1, v1  }
0x18: {  	v0 =	vsel vm0, $0x17C, v0;
	v1 =	vsel vm7, v2, v1;
	v2 =	vunpack.c.0.s8.s32 v62  }
0x19: {  	v62 =	vimm.s32 $0x7C5B3A19;
	v0 =	vsel vm1, $0x19D, v0;
	v1 =	vsel vm6, $0x11A, v1  }
0x1a: {  	v0 =	vsel vm2, $0x1BE, v0;
	v1 =	vsel vm4, $0x13B, v1;
	v5 =	vand.u32 $0xFF, v2  }
0x1b: {  	v2 =	vand.u32 $0xFF, v14;
	v1 =	vsel vm3, $0x15C, v1;
	v19 =	vsel vm5, $0x1DF, v0  }
0x1c: {  	v2 =	vnsel vm8, $0x1E3, v2;
	v63 =	vsel vm0, $0x17D, v1;
	v1 =	vnsel vm8, $0x1E2, v5  }
0x1d: {  	v36 =	vsel vm7, v3, v2;
	v2 =	vunpack.c.0.s8.s32 v38;
	v3 =	vunpack.c.0.s8.s32 v39  }
0x1e: {  	v39 =	vimm.s32 $0xE2C1A09F;
	v5 =	vimm.s32 $0xE3C2A180;
	v1 =	vsel vm7, v12, v1  }
0x1f: {  	v0 =	vsel vm1, $0x19E, v63;
	v63 =	vimm.s32 $0xE0DFBE9D;
	v43 =	vunpack.c.0.s8.s32 v5  }
0x20: {  	v1 =	vsel vm6, $0x11B, v1;
	v0 =	vsel vm2, $0x1BF, v0;
	v41 =	vand.u32 $0xFF, v2  }
0x21: {  	v42 =	vand.u32 $0xFF, v3;
	v3 =	vunpack.c.0.s8.s32 v45;
	v2 =	vand.u32 $0xFF, v44  }
0x22: {  	v44 =	vimm.s32 $0x605F3E1D;
	v1 =	vsel vm4, $0x13C, v1;
	v20 =	vsel vm5, $0x1C0, v0  }
0x23: {  	v2 =	vnsel vm8, $0x1E5, v2;
	v5 =	vunpack.c.0.s8.s32 v44;
	v1 =	vsel vm3, $0x15D, v1  }
0x24: {  	v3 =	vand.u32 $0xFF, v3;
	v35 =	vsel vm0, $0x17E, v1;
	v1 =	vsel vm6, $0x11C, v36  }
0x25: {  	v50 =	vsel vm7, v3, v2;
	v2 =	vunpack.c.0.s8.s32 v51;
	v3 =	vunpack.c.0.s8.s32 v56  }
0x26: {  	v36 =	vimm.s32 $0x7E5D3C1B;
	v45 =	vand.u32 $0xFF, v5;
	v56 =	vimm.s32 $0x6241201F  }
0x27: {  	v0 =	vsel vm1, $0x19F, v35;
	v1 =	vsel vm4, $0x13D, v1;
	v35 =	vimm.s32 $0xE1C0BF9E  }
0x28: {  	v5 =	vunpack.c.0.s8.s32 v56;
	v0 =	vsel vm2, $0x1A0, v0;
	v1 =	vsel vm3, $0x15E, v1  }
0x29: {  	v2 =	vand.u32 $0xFF, v2;
	v59 =	vand.u32 $0xFF, v3;
	v3 =	vunpack.c.0.s8.s32 v63  }
0x2a: {  	v63 =	vor.u32 $0xA0, v7;
	v21 =	vsel vm5, $0x1C1, v0;
	v40 =	vsel vm0, $0x17F, v1  }
0x2b: {  	v1 =	vnsel vm8, $0x1E4, v41;
	v2 =	vnsel vm8, $0x1E6, v2;
	v41 =	vunpack.c.0.s8.s32 v39  }
0x2c: {  	v5 =	vand.u32 $0xFF, v5;
	v1 =	vsel vm7, v42, v1;
	v0 =	vsel vm1, $0x180, v40  }
0x2d: {  	v3 =	vand.u32 $0xFF, v3;
	v42 =	vimm.s32 $0x7F5E3D1C;
	v1 =	vsel vm6, $0x11D, v1  }
0x2e: {  	v0 =	vsel vm2, $0x1A1, v0;
	v4 =	vunpack.c.0.s8.s32 v42;
	v1 =	vsel vm4, $0x13E, v1  }
0x2f: {  	v5 =	vnsel vm8, $0x1EE, v5;
	v22 =	vsel vm5, $0x1C2, v0;
	v1 =	vsel vm3, $0x15F, v1  }
0x30: {  	v4 =	vand.u32 $0xFF, v4;
	v47 =	vsel vm0, $0x160, v1;
	v1 =	vsel vm6, $0x11E, v50  }
0x31: {  	v4 =	vnsel vm8, $0x1EB, v4;
	v0 =	vsel vm1, $0x181, v47;
	v1 =	vsel vm4, $0x13F, v1  }
0x32: {  	v47 =	vand.u32 $0xFF, v6;
	v6 =	vimm.s32 $0x61403F1E;
	v0 =	vsel vm2, $0x1A2, v0  }
0x33: {  	v52 =	vsel vm3, $0x140, v1;
	v1 =	vunpack.c.0.s8.s32 v55;
	v50 =	vunpack.c.0.s8.s32 v6  }
0x34: {  	s8 =	rddreg [dreg:$0x0];
	v6 =	vimm.s32 $0xE5C4A382;
	v23 =	vsel vm5, $0x1C3, v0;
	v0 =	vsel vm0, $0x161, v52  }
0x35: {  	s1 =	rddreg [dreg:$0x1];
	s2 =	simm.s32 $0x0;
	v6 =	vunpack.c.0.s8.s32 v6;
	v0 =	vsel vm1, $0x182, v0;
	v1 =	vand.u32 $0xFF, v1  }
0x36: {  	[smem:$0x7FF] =	sst s2;
	[tilespmem:$0x1FDE0] =	vst v58;
	v52 =	vand.u32 $0xFF, v50;
	v0 =	vsel vm2, $0x1A3, v0;
	v1 =	vsel vm7, v1, v2  }
0x37: {  	s0 =	rddreg [dreg:$0x2];
	_ =	strace $0x80000047;
	[tilespmem:$0x1FDF0] =	vst v29;
	v2 =	vand.u32 $0xFF, v57;
	v55 =	vand.u32 $0xFF, v6;
	v6 =	vimm.s32 $0xE6C5A483  }
0x38: {  	[tilespmem:$0x1FE00] =	vst v30;
	v24 =	vsel vm5, $0x1C4, v0;
	v58 =	vsel vm6, $0x11F, v1;
	v1 =	vnsel vm8, $0x1E7, v59  }
0x39: {  	[tilespmem:$0x1FE10] =	vst v46;
	v6 =	vunpack.c.0.s8.s32 v6;
	v0 =	vsel vm4, $0x120, v58;
	v1 =	vsel vm7, v2, v1  }
0x3a: {  	[tilespmem:$0x1FE20] =	vst v49;
	v2 =	vunpack.c.0.s8.s32 v62;
	v0 =	vsel vm3, $0x141, v0;
	v1 =	vsel vm6, $0x100, v1  }
0x3b: {  	[tilespmem:$0x1FE30] =	vst v37;
	v59 =	vand.u32 $0xFF, v6;
	v0 =	vsel vm0, $0x162, v0;
	v1 =	vsel vm4, $0x121, v1  }
0x3c: {  	[tilespmem:$0x1FE40] =	vst v60;
	v2 =	vand.u32 $0xFF, v2;
	v0 =	vsel vm1, $0x183, v0;
	v1 =	vsel vm3, $0x142, v1  }
0x3d: {  	[tilespmem:$0x1FE60] =	vst v61;
	v2 =	vnsel vm8, $0x1E8, v2;
	v1 =	vsel vm0, $0x163, v1;
	v0 =	vsel vm2, $0x1A4, v0  }
0x3e: {  	[tilespmem:$0x1FE70] =	vst v34;
	v2 =	vsel vm7, v3, v2;
	v3 =	vunpack.c.0.s8.s32 v36;
	v1 =	vsel vm1, $0x184, v1  }
0x3f: {  	[tilespmem:$0x1FF70] =	vst v48;
	v26 =	vsel vm5, $0x1C5, v0;
	v13 =	vsel vm6, $0x101, v2;
	v2 =	vunpack.c.0.s8.s32 v35  }
0x40: {  	[tilespmem:$0x1FF80] =	vst v54;
	v12 =	vsel vm2, $0x1A5, v1;
	v14 =	vsel vm4, $0x122, v13;
	v1 =	vunpack.c.0.s8.s32 v15  }
0x41: {  	[tilespmem:$0x1FF90] =	vst v53;
	v40 =	vand.u32 $0xFF, v3;
	v3 =	vand.u32 $0xFF, v41;
	v0 =	vsel vm3, $0x143, v14  }
0x42: {  	[tilespmem:$0x1FFA0] =	vst v27;
	v38 =	vsel vm5, $0x1C6, v12;
	v0 =	vsel vm0, $0x164, v0;
	v1 =	vand.u32 $0xFF, v1  }
0x43: {  	[tilespmem:$0x1FFB0] =	vst v28;
	v2 =	vand.u32 $0xFF, v2;
	v0 =	vsel vm1, $0x185, v0;
	v1 =	vnsel vm8, $0x1E9, v1  }
0x44: {  	[tilespmem:$0x1FFC0] =	vst v31;
	v1 =	vsel vm7, v2, v1;
	v2 =	vnsel vm8, $0x1EA, v40;
	v0 =	vsel vm2, $0x1A6, v0  }
0x45: {  	[tilespmem:$0x1FFD0] =	vst v32;
	v1 =	vsel vm6, $0x102, v1;
	v2 =	vsel vm7, v3, v2;
	v3 =	vand.u32 $0xFF, v43  }
0x46: {  	[tilespmem:$0x1FFE0] =	vst v33;
	v35 =	vsel vm5, $0x1C7, v0;
	v3 =	vsel vm7, v3, v4;
	v4 =	vnsel vm8, $0x1EC, v45  }
0x47: {  	[tilespmem:$0x1FFF0] =	vst v8;
	v1 =	vsel vm4, $0x123, v1;
	v2 =	vsel vm6, $0x103, v2;
	v4 =	vsel vm7, v47, v4  }
0x48: {  	[tilespmem:$0x1FE80] =	vst v19;
	v1 =	vsel vm3, $0x144, v1;
	v2 =	vsel vm4, $0x124, v2;
	v3 =	vsel vm6, $0x104, v3  }
0x49: {  	[tilespmem:$0x1FE90] =	vst v20;
	v51 =	vsel vm0, $0x165, v1;
	v1 =	vnsel vm8, $0x1ED, v52;
	v2 =	vsel vm3, $0x145, v2  }
0x4a: {  	[tilespmem:$0x1FE50] =	vst v63;
	v3 =	vsel vm4, $0x125, v3;
	v62 =	vsel vm6, $0x105, v4;
	v0 =	vsel vm1, $0x186, v51  }
0x4b: {  	[tilespmem:$0x1FEA0] =	vst v21;
	v1 =	vsel vm7, v55, v1;
	v2 =	vsel vm0, $0x166, v2;
	v3 =	vsel vm3, $0x146, v3  }
0x4c: {  	s4 =	srdreg.scid;
	s3 =	stileid.u32;
	s13 =	simm.s32 $0x10400;
	[tilespmem:$0x1FEB0] =	vst v22;
	v0 =	vsel vm2, $0x1A7, v0;
	v3 =	vsel vm0, $0x167, v3;
	v2 =	vsel vm1, $0x187, v2  }
0x4d: {  	s14 =	simm.s32 $0x1;
	s15 =	simm.s32 $0x3;
	s16 =	simm.s32 $0x10800;
	[tilespmem:$0x1FEC0] =	vst v23;
	v1 =	vsel vm6, $0x106, v1;
	v3 =	vsel vm1, $0x188, v3;
	v40 =	vsel vm5, $0x1C8, v0  }
0x4e: {  	s17 =	simm.s32 $0x2;
	s18 =	simm.s32 $0x4;
	s19 =	simm.s32 $0x80;
	[tilespmem:$0x1FED0] =	vst v24;
	v57 =	vsel vm2, $0x1A8, v2;
	v0 =	vsel vm7, v59, v5;
	v2 =	vsel vm4, $0x126, v62  }
0x4f: {  	s20 =	simm.s32 $0x400;
	s21 =	simm.s32 $0x5;
	s22 =	simm.s32 $0x0;
	[tilespmem:$0x1FEE0] =	vst v26;
	v1 =	vsel vm4, $0x127, v1;
	v58 =	vsel vm2, $0x1A9, v3;
	v41 =	vsel vm5, $0x1C9, v57  }
0x50: {  	s5 =	sand.u32 $0x1, s4;
	s4 =	sadd.s32 $0x2000000, s8;
	s7 =	sshll.u32 s3, $0x1;
	[tilespmem:$0x1FEF0] =	vst v38;
	v0 =	vsel vm6, $0x107, v0;
	v2 =	vsel vm3, $0x147, v2;
	v1 =	vsel vm3, $0x148, v1  }
0x51: {  	s28 =	sshrl.u32 s3, $0x2;
	s6 =	ssub.s32 $0x2, s5;
	s7 =	sor.u32 s5, s7;
	[tilespmem:$0x1FF00] =	vst v35;
	v42 =	vsel vm5, $0x1CA, v58;
	v0 =	vsel vm4, $0x128, v0;
	v2 =	vsel vm0, $0x168, v2  }
0x52: {  	s29 =	smul.u32 $0x1400, s28;
	s9 =	sshrl.u32 s6, $0x1;
	s30 =	sshll.u32 s7, $0x7;
	[tilespmem:$0x1FF10] =	vst v40;
	v1 =	vsel vm0, $0x169, v1;
	v0 =	vsel vm3, $0x149, v0;
	v2 =	vsel vm1, $0x189, v2  }
0x53: {  	s10 =	sshll.u32 s7, $0x10;
	s11 =	sshll.u32 s7, $0x12;
	s7 =	sshll.u32 s7, $0xD;
	[tilespmem:$0x1FF20] =	vst v41;
	v1 =	vsel vm1, $0x18A, v1;
	v0 =	vsel vm0, $0x16A, v0;
	v2 =	vsel vm2, $0x1AA, v2  }
0x54: {  	s9 =	ssub.s32 s6, s9;
	s12 =	sand.u32 $0x380, s30;
	s5 =	sadd.s32 s4, s11;
	[tilespmem:$0x1FF30] =	vst v42;
	v1 =	vsel vm2, $0x1AB, v1;
	v0 =	vsel vm1, $0x18B, v0;
	v44 =	vsel vm5, $0x1CB, v2  }
0x55: {  	s6 =	sadd.s32 s1, s7;
	s7 =	sor.u32 $0x800, s10;
	s31 =	sor.u32 s29, s12;
	v45 =	vsel vm5, $0x1CC, v1;
	v0 =	vsel vm2, $0x1AC, v0;
	[tilespmem:$0x1FF40] =	vst v44  }
0x56: {  	s10 =	sor.u32 $0x400, s10;
	s9 =	smax.u32 s9, $0x1;
	s11 =	sshrl.u32 s31, $0x3;
	[tilespmem:$0x1FF50] =	vst v45;
	v43 =	vsel vm5, $0x1CD, v0  }
0x57: {  	v25 =	vimm.f32 $0.0e+00;
	s12 =	simm.s32 $0x8000;
	s8 =	sadd.s32 s8, s11;
	s11 =	simm.s32 $0x10000;
	v62 =	vimm.f32 $1.000000000e+00;
	[tilespmem:$0x1FF60] =	vst v43  }
.LBB2_1:
0x58: {  	[tilespmem:$0x10800] =	vst v25  }
0x59: {  	[tilespmem:$0x10810] =	vst v25  }
0x5a: {  	[tilespmem:$0x10820] =	vst v25  }
0x5b: {  	[tilespmem:$0x10830] =	vst v25  }
0x5c: {  	[tilespmem:$0x10840] =	vst v25  }
0x5d: {  	[tilespmem:$0x10850] =	vst v25  }
0x5e: {  	[tilespmem:$0x10860] =	vst v25  }
0x5f: {  	[tilespmem:$0x10870] =	vst v25  }
0x60: {  	[tilespmem:$0x10880] =	vst v25  }
0x61: {  	[tilespmem:$0x10890] =	vst v25  }
0x62: {  	[tilespmem:$0x108A0] =	vst v25  }
0x63: {  	[tilespmem:$0x108B0] =	vst v25  }
0x64: {  	[tilespmem:$0x108C0] =	vst v25  }
0x65: {  	[tilespmem:$0x108D0] =	vst v25  }
0x66: {  	[tilespmem:$0x108E0] =	vst v25  }
0x67: {  	[tilespmem:$0x108F0] =	vst v25  }
0x68: {  	[tilespmem:$0x10900] =	vst v25  }
0x69: {  	[tilespmem:$0x10910] =	vst v25  }
0x6a: {  	[tilespmem:$0x10920] =	vst v25  }
0x6b: {  	[tilespmem:$0x10930] =	vst v25  }
0x6c: {  	[tilespmem:$0x10940] =	vst v25  }
0x6d: {  	[tilespmem:$0x10950] =	vst v25  }
0x6e: {  	[tilespmem:$0x10960] =	vst v25  }
0x6f: {  	[tilespmem:$0x10970] =	vst v25  }
0x70: {  	[tilespmem:$0x10980] =	vst v25  }
0x71: {  	[tilespmem:$0x10990] =	vst v25  }
0x72: {  	[tilespmem:$0x109A0] =	vst v25  }
0x73: {  	[tilespmem:$0x109B0] =	vst v25  }
0x74: {  	[tilespmem:$0x109C0] =	vst v25  }
0x75: {  	[tilespmem:$0x109D0] =	vst v25  }
0x76: {  	[tilespmem:$0x109E0] =	vst v25  }
0x77: {  	[tilespmem:$0x109F0] =	vst v25  }
0x78: {  	[tilespmem:$0x10A00] =	vst v25  }
0x79: {  	[tilespmem:s2], [sflag:$0x1] =	stream.linear.gather [hbm4b:s5+s2], $0x8000, $0x38;
	[tilespmem:$0x10A80] =	vst v63  }
0x7a: {  	s23 =	simm.s32 $0x0  }
0x7b: {  	[tilespmem:s11], [sflag:$0x3] =	stream.linear.gather [hbm4b:s6+s2], $0x400, $0x38;
	[tilespmem:$0x10A80] =	vst v63  }
.LBB2_2:
0x7c: {  	s24 =	sshll.u32 s23, $0xB  }
0x7d: {  	s25 =	sor.u32 s10, s24  }
0x7e: {  	s26 =	sshll.u32 s25, $0x2  }
0x7f: {  	s26 =	sand.u32 $0x1FFFF000, s26  }
0x80: {  	s25 =	sshrl.u32 s25, $0x3;
	s26 =	sadd.s32 s4, s26  }
0x81: {  	[tilespmem:s12], [sflag:$0x2] =	stream.linear.gather [hbm4b:s26+s2], $0x8000, $0x38;
	[tilespmem:$0x10A80] =	vst v63  }
0x82: {  	s25 =	sadd.s32 s1, s25  }
0x83: {  	[tilespmem:s13], [sflag:$0x4] =	stream.linear.gather [hbm4b:s25+s2], $0x400, $0x38;
	[tilespmem:$0x10A80] =	vst v63  }
0x84: {  	s28 =	simm.s32 $0x0;
	_ =	swait.ge [sflag:s14], $0x8000  }
0x85: {  	v0 =	vor.u32 s28, v29;
	[sflag:s14] =	ssyncset.done $0x0  }
0x86: {  	v1 =	vor.u32 s28, v30;
	[sflag:s14] =	ssyncadd.s32 $0xFFFF8000  }
0x87: {  	v2 =	vor.u32 s28, v27;
	_ =	swait.ge [sflag:s15], $0x400  }
0x88: {  	v3 =	vor.u32 s28, v28;
	[sflag:s15] =	ssyncset.done $0x0  }
0x89: {  	v4 =	vor.u32 s28, v31;
	v63 =	vld [tilespmem:$0x1FDE0];
	[sflag:s15] =	ssyncadd.s32 $0xFFFFFC00  }
0x8a: {  	v5 =	vor.u32 s28, v32;
	v0 =	vld.idx.msk [tilespmem:v0+s2+$0x0], $0xffff  }
0x8b: {  	v6 =	vor.u32 s28, v33;
	v1 =	vld.idx.msk [tilespmem:v1+s2+$0x0], $0xffff  }
0x8c: {  	v7 =	vor.u32 s28, v53;
	v2 =	vld.idx.msk [tilespmem:v2+s2+$0x0], $0xffff  }
0x8d: {  	v8 =	vor.u32 s28, v8;
	v3 =	vld.idx.msk [tilespmem:v3+s2+$0x0], $0xffff  }
0x8e: {  	v9 =	vor.u32 s28, v46;
	v4 =	vld.idx.msk [tilespmem:v4+s2+$0x0], $0xffff  }
0x8f: {  	v10 =	vor.u32 s28, v54;
	v5 =	vld.idx.msk [tilespmem:v5+s2+$0x0], $0xffff  }
0x90: {  	v11 =	vor.u32 s28, v49;
	v6 =	vld.idx.msk [tilespmem:v6+s2+$0x0], $0xffff  }
0x91: {  	v12 =	vor.u32 s28, v37;
	v7 =	vld.idx.msk [tilespmem:v7+s2+$0x0], $0xffff  }
0x92: {  	v13 =	vor.u32 s28, v60;
	v8 =	vld.idx.msk [tilespmem:v8+s2+$0x0], $0xffff  }
0x93: {  	v15 =	vor.u32 s28, v61;
	v9 =	vld.idx.msk [tilespmem:v9+s2+$0x0], $0xffff  }
0x94: {  	v16 =	vor.u32 s28, v34;
	v10 =	vld.idx.msk [tilespmem:v10+s2+$0x0], $0xffff  }
0x95: {  	v17 =	vor.u32 s28, v19;
	v11 =	vld.idx.msk [tilespmem:v11+s2+$0x0], $0xffff  }
0x96: {  	v18 =	vor.u32 s28, v20;
	v12 =	vld.idx.msk [tilespmem:v12+s2+$0x0], $0xffff  }
0x97: {  	v25 =	vmov v19;
	v19 =	vor.u32 s28, v21;
	v13 =	vld.idx.msk [tilespmem:v13+s2+$0x0], $0xffff  }
0x98: {  	v20 =	vor.u32 s28, v22;
	v15 =	vld.idx.msk [tilespmem:v15+s2+$0x0], $0xffff  }
0x99: {  	v21 =	vor.u32 s28, v23;
	v16 =	vld.idx.msk [tilespmem:v16+s2+$0x0], $0xffff  }
0x9a: {  	v22 =	vor.u32 s28, v24;
	v17 =	vld.idx.msk [tilespmem:v17+s2+$0x0], $0xffff  }
0x9b: {  	v23 =	vor.u32 s28, v26;
	v18 =	vld.idx.msk [tilespmem:v18+s2+$0x0], $0xffff  }
0x9c: {  	v24 =	vor.u32 s28, v38;
	v19 =	vld.idx.msk [tilespmem:v19+s2+$0x0], $0xffff  }
0x9d: {  	v35 =	vor.u32 s28, v35;
	v20 =	vld.idx.msk [tilespmem:v20+s2+$0x0], $0xffff  }
0x9e: {  	v57 =	vor.u32 s28, v40;
	v21 =	vld.idx.msk [tilespmem:v21+s2+$0x0], $0xffff  }
0x9f: {  	v58 =	vor.u32 s28, v41;
	s26 =	simm.s32 $0x200;
	v22 =	vld.idx.msk [tilespmem:v22+s2+$0x0], $0xffff  }
0xa0: {  	v60 =	vor.u32 s28, v43;
	v43 =	vor.u32 s26, v29;
	v23 =	vld.idx.msk [tilespmem:v23+s2+$0x0], $0xffff  }
0xa1: {  	v39 =	vor.u32 s28, v42;
	v24 =	vld.idx.msk [tilespmem:v24+s2+$0x0], $0xffff  }
0xa2: {  	v59 =	vor.u32 s28, v44;
	v35 =	vld.idx.msk [tilespmem:v35+s2+$0x0], $0xffff  }
0xa3: {  	v41 =	vor.u32 s28, v45;
	v42 =	vld.idx.msk [tilespmem:v57+s2+$0x0], $0xffff  }
0xa4: {  	v45 =	vld.idx.msk [tilespmem:v58+s2+$0x0], $0xffff  }
0xa5: {  	v43 =	vld.idx.msk [tilespmem:v43+s2+$0x0], $0xffff;
	v14 =	vor.u32 s28, v63  }
0xa6: {  	v44 =	vor.u32 s26, v30;
	v49 =	vld.idx.msk [tilespmem:v39+s2+$0x0], $0xffff  }
0xa7: {  	v52 =	vor.u32 s26, v53;
	v53 =	vld.idx.msk [tilespmem:v59+s2+$0x0], $0xffff  }
0xa8: {  	v57 =	vld.idx.msk [tilespmem:v41+s2+$0x0], $0xffff  }
0xa9: {  	v60 =	vld.idx.msk [tilespmem:v60+s2+$0x0], $0xffff  }
0xaa: {  	v14 =	vld.idx.msk [tilespmem:v14+s2+$0x0], $0xffff;
	[tilespmem:$0x1FC10] =	vst v43  }
0xab: {  	v37 =	vmax.f32 v4, v5;
	v4 =	vld.idx.msk [tilespmem:v44+s2+$0x0], $0xffff  }
0xac: {  	v46 =	vor.u32 s26, v27;
	_ =	sdelay $0x3  }
0xad: {  	[tilespmem:$0x1FC20] =	vst v4  }
0xae: {  	v0 =	vmax.f32 v0, v1;
	v1 =	vmax.f32 v2, v3;
	v3 =	vmax.f32 v6, v7;
	v7 =	vld.idx.msk [tilespmem:v46+s2+$0x0], $0xffff  }
0xaf: {  	v47 =	vor.u32 s26, v28;
	_ =	sdelay $0x3  }
0xb0: {  	[tilespmem:$0x1FC30] =	vst v7  }
0xb1: {  	v41 =	vld.idx.msk [tilespmem:v47+s2+$0x0], $0xffff  }
0xb2: {  	v38 =	vmov v48;
	v48 =	vor.u32 s26, v31;
	_ =	sdelay $0x3  }
0xb3: {  	[tilespmem:$0x1FC40] =	vst v41  }
0xb4: {  	v47 =	vld.idx.msk [tilespmem:v48+s2+$0x0], $0xffff  }
0xb5: {  	v50 =	vor.u32 s26, v32;
	_ =	sdelay $0x3  }
0xb6: {  	[tilespmem:$0x1FC50] =	vst v47  }
0xb7: {  	v39 =	vmax.f32 v16, v17;
	v16 =	vld.idx.msk [tilespmem:v50+s2+$0x0], $0xffff  }
0xb8: {  	v51 =	vor.u32 s26, v33;
	_ =	sdelay $0x3  }
0xb9: {  	[tilespmem:$0x1FC60] =	vst v16  }
0xba: {  	v49 =	vmax.f32 v49, v53;
	v53 =	vmax.f32 v37, v3;
	v3 =	vld.idx.msk [tilespmem:v51+s2+$0x0], $0xffff;
	_ =	sdelay $0x1  }
0xbb: {  	v26 =	vld [tilespmem:$0x1FFF0];
	_ =	sdelay $0x2  }
0xbc: {  	v6 =	vmax.f32 v12, v13;
	v7 =	vmax.f32 v14, v15;
	[tilespmem:$0x1FC70] =	vst v3  }
0xbd: {  	v3 =	vmax.f32 v6, v7;
	v6 =	vld.idx.msk [tilespmem:v52+s2+$0x0], $0xffff  }
0xbe: {  	v36 =	vmov v54;
	v54 =	vor.u32 s26, v26;
	v5 =	vmax.f32 v10, v11  }
0xbf: {  	v26 =	vld [tilespmem:$0x1FE10];
	v40 =	vmax.f32 v18, v19;
	v43 =	vmax.f32 v20, v21;
	v44 =	vmax.f32 v22, v23  }
0xc0: {  	v4 =	vmax.f32 v8, v9;
	v46 =	vmax.f32 v24, v35;
	v15 =	vmax.f32 v57, v60  }
0xc1: {  	v57 =	vmax.f32 v4, v5;
	v4 =	vmax.f32 v39, v40;
	v48 =	vmax.f32 v42, v45  }
0xc2: {  	v5 =	vmax.f32 v43, v44;
	v7 =	vmax.f32 v49, v15;
	[tilespmem:$0x1FC80] =	vst v6;
	v6 =	vmax.f32 v46, v48  }
0xc3: {  	v2 =	vmax.f32 v57, v3;
	v3 =	vmax.f32 v4, v5;
	v4 =	vmax.f32 v6, v7;
	v6 =	vld.idx.msk [tilespmem:v54+s2+$0x0], $0xffff  }
0xc4: {  	v55 =	vor.u32 s26, v26;
	_ =	sdelay $0x2  }
0xc5: {  	s31 =	simm.s32 $0x10010  }
0xc6: {  	v60 =	vld [tilespmem:s31+$0xFFFFFFF0];
	[tilespmem:$0x1FC90] =	vst v6  }
0xc7: {  	v11 =	vmax.f32 v3, v4;
	v4 =	vld.idx.msk [tilespmem:v55+s2+$0x0], $0xffff  }
0xc8: {  	v56 =	vor.u32 s26, v36  }
0xc9: {  	v26 =	vld [tilespmem:$0x1FE20];
	_ =	sdelay $0x2  }
0xca: {  	[tilespmem:$0x1FCA0] =	vst v4  }
0xcb: {  	v4 =	vld.idx.msk [tilespmem:v56+s2+$0x0], $0xffff  }
0xcc: {  	v58 =	vor.u32 s26, v26  }
0xcd: {  	v26 =	vld [tilespmem:$0x1FE30];
	_ =	sdelay $0x2  }
0xce: {  	[tilespmem:$0x1FCB0] =	vst v4  }
0xcf: {  	v7 =	vld.idx.msk [tilespmem:v58+s2+$0x0], $0xffff  }
0xd0: {  	v59 =	vor.u32 s26, v26  }
0xd1: {  	v5 =	vld [tilespmem:$0x1FE40];
	_ =	sdelay $0x2  }
0xd2: {  	[tilespmem:$0x1FCC0] =	vst v7  }
0xd3: {  	v37 =	vld.idx.msk [tilespmem:v59+s2+$0x0], $0xffff  }
0xd4: {  	v5 =	vor.u32 s26, v5;
	_ =	sdelay $0x3  }
0xd5: {  	[tilespmem:$0x1FCD0] =	vst v37  }
0xd6: {  	v5 =	vld.idx.msk [tilespmem:v5+s2+$0x0], $0xffff  }
0xd7: {  	v3 =	vor.u32 s26, v63;
	_ =	sdelay $0x3  }
0xd8: {  	[tilespmem:$0x1FCE0] =	vst v5  }
0xd9: {  	v3 =	vld.idx.msk [tilespmem:v3+s2+$0x0], $0xffff  }
0xda: {  	v13 =	vor.u32 s26, v61;
	_ =	sdelay $0x2  }
0xdb: {  	v0 =	vmax.f32 v0, v1  }
0xdc: {  	v0 =	vmax.f32 v0, v53;
	[tilespmem:$0x1FCF0] =	vst v3  }
0xdd: {  	v0 =	vmax.f32 v0, v2;
	v2 =	vld.idx.msk [tilespmem:v13+s2+$0x0], $0xffff  }
0xde: {  	v6 =	vor.u32 s26, v34;
	_ =	sdelay $0x3  }
0xdf: {  	[tilespmem:$0x1FD00] =	vst v2  }
0xe0: {  	v6 =	vld.idx.msk [tilespmem:v6+s2+$0x0], $0xffff  }
0xe1: {  	v7 =	vor.u32 s26, v25  }
0xe2: {  	v17 =	vmov v34;
	v34 =	vld [tilespmem:$0x1FE90];
	_ =	sdelay $0x2  }
0xe3: {  	[tilespmem:$0x1FD10] =	vst v6  }
0xe4: {  	v7 =	vld.idx.msk [tilespmem:v7+s2+$0x0], $0xffff  }
0xe5: {  	v5 =	vor.u32 s26, v34  }
0xe6: {  	v59 =	vld [tilespmem:$0x1FEA0];
	_ =	sdelay $0x2  }
0xe7: {  	v1 =	vadd.s32 s28, v60;
	[tilespmem:$0x1FD20] =	vst v7  }
0xe8: {  	v1 =	vadd.s32 v38, v1;
	v5 =	vld.idx.msk [tilespmem:v5+s2+$0x0], $0xffff  }
0xe9: {  	v3 =	vor.u32 s26, v59  }
0xea: {  	v58 =	vld [tilespmem:$0x1FEB0];
	_ =	sdelay $0x2  }
0xeb: {  	v1 =	vld.idx.msk [tilespmem:v1+s2+$0x0], $0xffff;
	[tilespmem:$0x1FD30] =	vst v5  }
0xec: {  	v3 =	vld.idx.msk [tilespmem:v3+s2+$0x0], $0xffff  }
0xed: {  	v39 =	vor.u32 s26, v58  }
0xee: {  	v26 =	vld [tilespmem:$0x1FEC0];
	v0 =	vmax.f32 v0, v11  }
0xef: {  	v4 =	vmul.f32 $1.000000000e+01, v0;
	_ =	sdelay $0x1  }
0xf0: {  	v4 =	vtrunc.f32 v4;
	[tilespmem:$0x1FD40] =	vst v3  }
0xf1: {  	v4 =	vcvt.f32.s32 v4;
	v2 =	vld.idx.msk [tilespmem:v39+s2+$0x0], $0xffff  }
0xf2: {  	v6 =	vor.u32 s26, v26;
	v5 =	vld [tilespmem:$0x1FE50]  }
0xf3: {  	v14 =	vmov v63;
	v63 =	vld [tilespmem:$0x1FED0];
	vm0 =	vlt.s32 v4, $0x9  }
0xf4: {  	v4 =	vnsel vm0, $0x9, v4  }
0xf5: {  	v40 =	vlaneseq.u32;
	v4 =	vshll.u32 v4, $0x4  }
0xf6: {  	vm4 =	vgt.f32 v0, $0.0e+00;
	v4 =	vor.u32 v40, v4;
	[tilespmem:$0x1FD50] =	vst v2  }
0xf7: {  	v4 =	vsel vm4, v4, v5;
	v5 =	vld.idx.msk [tilespmem:v6+s2+$0x0], $0xffff  }
0xf8: {  	v7 =	vor.u32 s26, v63;
	_ =	sdelay $0x3  }
0xf9: {  	[tilespmem:$0x1FD60] =	vst v5  }
0xfa: {  	v6 =	vld.idx.msk [tilespmem:v7+s2+$0x0], $0xffff;
	_ =	sdelay $0x2  }
0xfb: {  	s28 =	simm.s32 $0x400  }
0xfc: {  	v5 =	vor.u32 s28, v29  }
0xfd: {  	v42 =	vor.u32 s28, v30;
	[tilespmem:$0x1FD70] =	vst v6  }
0xfe: {  	v3 =	vadd.s32 $0xB0, v4;
	v41 =	vadd.s32 $0x160, v4;
	[tilespmem:v4+s16+$0x0] =	vst.idx.add.f32.msk $0xffff, v62;
	v4 =	vor.u32 s28, v27;
	_ =	sdelay $0x2  }
0xff: {  	v56 =	vld.idx.msk [tilespmem:v5+s2+$0x0], $0xffff  }
0x100: {  	vm5 =	veq.f32 v1, v0;
	v6 =	vimm.f32 $0.0e+00;
	v54 =	vld.idx.msk [tilespmem:v42+s2+$0x0], $0xffff  }
0x101: {  	v6 =	vsel vm5, $0x3F800000, v6;
	v44 =	vld.idx.msk [tilespmem:v4+s2+$0x0], $0xffff  }
0x102: {  	v43 =	vor.u32 s28, v31;
	[tilespmem:v3+s16+$0x0] =	vst.idx.add.f32.msk $0xffff, v6  }
0x103: {  	[tilespmem:v41+s16+$0x0] =	vst.idx.add.f32.msk $0xffff, v0  }
0x104: {  	v45 =	vld [tilespmem:$0x1FF90]  }
0x105: {  	v46 =	vld [tilespmem:$0x1FFF0]  }
0x106: {  	v51 =	vld [tilespmem:$0x1FE10];
	[tilespmem:$0x1FB90] =	vst v44  }
0x107: {  	v3 =	vor.u32 s28, v28;
	v0 =	vld.idx.msk [tilespmem:v43+s2+$0x0], $0xffff  }
0x108: {  	v6 =	vor.u32 s28, v33;
	v60 =	vld [tilespmem:$0x1FE20]  }
0x109: {  	v13 =	vld [tilespmem:$0x1FE30]  }
0x10a: {  	v42 =	vld [tilespmem:$0x1FE40]  }
0x10b: {  	v10 =	vld [tilespmem:$0x1FEE0]  }
0x10c: {  	v53 =	vld.idx.msk [tilespmem:v3+s2+$0x0], $0xffff;
	[tilespmem:$0x1FBA0] =	vst v0  }
0x10d: {  	v5 =	vor.u32 s28, v32;
	v57 =	vld.idx.msk [tilespmem:v6+s2+$0x0], $0xffff  }
0x10e: {  	v37 =	vld [tilespmem:$0x1FF20];
	v7 =	vor.u32 s28, v45  }
0x10f: {  	v39 =	vld [tilespmem:$0x1FF30];
	v47 =	vor.u32 s28, v46  }
0x110: {  	v41 =	vld [tilespmem:$0x1FF60];
	v52 =	vor.u32 s28, v51  }
0x111: {  	v55 =	vor.u32 s28, v36;
	v51 =	vld [tilespmem:$0x1FF00]  }
0x112: {  	v62 =	vor.u32 s28, v60;
	v48 =	vld.idx.msk [tilespmem:v5+s2+$0x0], $0xffff;
	[tilespmem:$0x1FBB0] =	vst v57  }
0x113: {  	v35 =	vor.u32 s28, v13;
	v43 =	vld.idx.msk [tilespmem:v7+s2+$0x0], $0xffff  }
0x114: {  	v44 =	vor.u32 s28, v42;
	v47 =	vld.idx.msk [tilespmem:v47+s2+$0x0], $0xffff  }
0x115: {  	v8 =	vmov v14;
	v14 =	vor.u32 s28, v14;
	v40 =	vld.idx.msk [tilespmem:v52+s2+$0x0], $0xffff  }
0x116: {  	v38 =	vld.idx.msk [tilespmem:v55+s2+$0x0], $0xffff  }
0x117: {  	v15 =	vor.u32 s28, v61;
	v11 =	vld.idx.msk [tilespmem:v62+s2+$0x0], $0xffff  }
0x118: {  	v16 =	vor.u32 s28, v17;
	v12 =	vld.idx.msk [tilespmem:v35+s2+$0x0], $0xffff  }
0x119: {  	v9 =	vmov v17;
	v17 =	vor.u32 s28, v25;
	v13 =	vld.idx.msk [tilespmem:v44+s2+$0x0], $0xffff  }
0x11a: {  	v18 =	vor.u32 s28, v34;
	v14 =	vld.idx.msk [tilespmem:v14+s2+$0x0], $0xffff  }
0x11b: {  	v19 =	vor.u32 s28, v59;
	v55 =	vld [tilespmem:$0x1FEF0]  }
0x11c: {  	v20 =	vor.u32 s28, v58;
	v15 =	vld.idx.msk [tilespmem:v15+s2+$0x0], $0xffff  }
0x11d: {  	v44 =	vld.idx.msk [tilespmem:v16+s2+$0x0], $0xffff  }
0x11e: {  	v17 =	vld.idx.msk [tilespmem:v17+s2+$0x0], $0xffff  }
0x11f: {  	v45 =	vor.u32 s28, v51;
	v16 =	vld.idx.msk [tilespmem:v18+s2+$0x0], $0xffff  }
0x120: {  	v19 =	vld.idx.msk [tilespmem:v19+s2+$0x0], $0xffff;
	v24 =	vor.u32 s28, v55  }
0x121: {  	v18 =	vld.idx.msk [tilespmem:v20+s2+$0x0], $0xffff  }
0x122: {  	v21 =	vor.u32 s28, v26;
	v20 =	vld [tilespmem:$0x1FF10]  }
0x123: {  	v22 =	vor.u32 s28, v63;
	v52 =	vld [tilespmem:$0x1FF40]  }
0x124: {  	v23 =	vor.u32 s28, v10;
	v35 =	vld.idx.msk [tilespmem:v45+s2+$0x0], $0xffff  }
0x125: {  	s30 =	simm.s32 $0x800;
	v49 =	vor.u32 s28, v37;
	v42 =	vld.idx.msk [tilespmem:v24+s2+$0x0], $0xffff  }
0x126: {  	v45 =	vor.u32 s30, v29;
	v24 =	vld [tilespmem:$0x1FF50]  }
0x127: {  	v21 =	vld.idx.msk [tilespmem:v21+s2+$0x0], $0xffff;
	v46 =	vor.u32 s28, v20  }
0x128: {  	v50 =	vor.u32 s28, v39;
	v22 =	vld.idx.msk [tilespmem:v22+s2+$0x0], $0xffff  }
0x129: {  	v5 =	vor.u32 s28, v41;
	v23 =	vld.idx.msk [tilespmem:v23+s2+$0x0], $0xffff  }
0x12a: {  	v7 =	vmov v61;
	v61 =	vld.idx.msk [tilespmem:v49+s2+$0x0], $0xffff;
	v57 =	vor.u32 s28, v52  }
0x12b: {  	v0 =	vld.idx.msk [tilespmem:v45+s2+$0x0], $0xffff;
	v4 =	vor.u32 s28, v24  }
0x12c: {  	v60 =	vld.idx.msk [tilespmem:v46+s2+$0x0], $0xffff;
	v46 =	vor.u32 s30, v30  }
0x12d: {  	v62 =	vld.idx.msk [tilespmem:v50+s2+$0x0], $0xffff  }
0x12e: {  	v5 =	vld.idx.msk [tilespmem:v5+s2+$0x0], $0xffff  }
0x12f: {  	v6 =	vmov v25;
	v25 =	vmov v63;
	v63 =	vld.idx.msk [tilespmem:v57+s2+$0x0], $0xffff  }
0x130: {  	v41 =	vld.idx.msk [tilespmem:v4+s2+$0x0], $0xffff;
	[tilespmem:$0x1FBC0] =	vst v0  }
0x131: {  	v1 =	vld.idx.msk [tilespmem:v46+s2+$0x0], $0xffff  }
0x132: {  	v49 =	vor.u32 s30, v27;
	_ =	sdelay $0x3  }
0x133: {  	[tilespmem:$0x1FBD0] =	vst v1  }
0x134: {  	v2 =	vld.idx.msk [tilespmem:v49+s2+$0x0], $0xffff  }
0x135: {  	v3 =	vor.u32 s30, v28;
	_ =	sdelay $0x3  }
0x136: {  	[tilespmem:$0x1FBE0] =	vst v2  }
0x137: {  	v3 =	vld.idx.msk [tilespmem:v3+s2+$0x0], $0xffff;
	_ =	sdelay $0x3  }
0x138: {  	v57 =	vld [tilespmem:$0x1FF90]  }
0x139: {  	v4 =	vor.u32 s30, v31;
	[tilespmem:$0x1FBF0] =	vst v3;
	v3 =	vld [tilespmem:$0x1FFF0];
	_ =	sdelay $0x4  }
0x13a: {  	v2 =	vor.u32 s30, v57;
	v57 =	vld.idx.msk [tilespmem:v4+s2+$0x0], $0xffff;
	v3 =	vor.u32 s30, v3  }
0x13b: {  	v50 =	vor.u32 s30, v32;
	v4 =	vld [tilespmem:$0x1FE10]  }
0x13c: {  	v52 =	vor.u32 s30, v33;
	v45 =	vld [tilespmem:$0x1FE20]  }
0x13d: {  	v18 =	vmax.f32 v18, v21;
	v21 =	vor.u32 s30, v25;
	v25 =	vld [tilespmem:$0x1FF40]  }
0x13e: {  	v46 =	vld [tilespmem:$0x1FE30]  }
0x13f: {  	v3 =	vld.idx.msk [tilespmem:v3+s2+$0x0], $0xffff  }
0x140: {  	v50 =	vld.idx.msk [tilespmem:v50+s2+$0x0], $0xffff;
	v4 =	vor.u32 s30, v4  }
0x141: {  	v36 =	vor.u32 s30, v36;
	v52 =	vld.idx.msk [tilespmem:v52+s2+$0x0], $0xffff  }
0x142: {  	v1 =	vor.u32 s30, v45;
	v49 =	vld.idx.msk [tilespmem:v2+s2+$0x0], $0xffff  }
0x143: {  	v54 =	vmax.f32 v56, v54;
	v2 =	vor.u32 s30, v46;
	v56 =	vld [tilespmem:$0x1FBF0]  }
0x144: {  	v40 =	vmax.f32 v47, v40;
	v47 =	vor.u32 s30, v59;
	[tilespmem:$0x1FC00] =	vst v3;
	v3 =	vld [tilespmem:$0x1FE40]  }
0x145: {  	v59 =	vmax.f32 v14, v15;
	v15 =	vmax.f32 v44, v17;
	v17 =	vor.u32 s30, v26;
	v45 =	vld.idx.msk [tilespmem:v4+s2+$0x0], $0xffff  }
0x146: {  	v16 =	vmax.f32 v16, v19;
	v19 =	vmax.f32 v22, v23;
	v46 =	vld.idx.msk [tilespmem:v36+s2+$0x0], $0xffff  }
0x147: {  	v22 =	vmax.f32 v42, v35;
	v35 =	vor.u32 s30, v10;
	v4 =	vor.u32 s30, v8;
	v8 =	vld.idx.msk [tilespmem:v1+s2+$0x0], $0xffff  }
0x148: {  	v11 =	vmax.f32 v38, v11;
	v38 =	vor.u32 s30, v55;
	v0 =	vor.u32 s30, v7;
	v7 =	vld.idx.msk [tilespmem:v2+s2+$0x0], $0xffff  }
0x149: {  	v12 =	vmax.f32 v12, v13;
	v44 =	vor.u32 s30, v51;
	v2 =	vor.u32 s30, v6;
	v6 =	vld [tilespmem:$0x1FB90]  }
0x14a: {  	v11 =	vmax.f32 v40, v11;
	v12 =	vmax.f32 v12, v59;
	v15 =	vmax.f32 v15, v16;
	v13 =	vld.idx.msk [tilespmem:v17+s2+$0x0], $0xffff  }
0x14b: {  	v16 =	vmax.f32 v18, v19;
	v19 =	vor.u32 s30, v37;
	v23 =	vmax.f32 v60, v61;
	v18 =	vld.idx.msk [tilespmem:v21+s2+$0x0], $0xffff  }
0x14c: {  	v42 =	vmax.f32 v62, v63;
	v62 =	vor.u32 s26, v55;
	v21 =	vmax.f32 v22, v23;
	v22 =	vld.idx.msk [tilespmem:v35+s2+$0x0], $0xffff  }
0x14d: {  	v11 =	vmax.f32 v11, v12;
	v12 =	vld.idx.msk [tilespmem:v38+s2+$0x0], $0xffff  }
0x14e: {  	v15 =	vmax.f32 v15, v16;
	v16 =	vld.idx.msk [tilespmem:v44+s2+$0x0], $0xffff  }
0x14f: {  	v44 =	vld [tilespmem:$0x1FF60]  }
0x150: {  	v1 =	vor.u32 s30, v9;
	v19 =	vld.idx.msk [tilespmem:v19+s2+$0x0], $0xffff  }
0x151: {  	v5 =	vmax.f32 v41, v5;
	v41 =	vmax.f32 v57, v50;
	v57 =	vld.idx.msk [tilespmem:v62+s2+$0x0], $0xffff  }
0x152: {  	v34 =	vor.u32 s30, v34;
	v53 =	vmax.f32 v6, v53;
	v6 =	vld [tilespmem:$0x1FBA0]  }
0x153: {  	v36 =	vld.idx.msk [tilespmem:v4+s2+$0x0], $0xffff  }
0x154: {  	v4 =	vld.idx.msk [tilespmem:v0+s2+$0x0], $0xffff  }
0x155: {  	v9 =	vor.u32 s30, v58;
	v1 =	vld.idx.msk [tilespmem:v1+s2+$0x0], $0xffff  }
0x156: {  	v17 =	vor.u32 s30, v20;
	v2 =	vld.idx.msk [tilespmem:v2+s2+$0x0], $0xffff  }
0x157: {  	v23 =	vor.u32 s30, v39;
	v0 =	vld.idx.msk [tilespmem:v34+s2+$0x0], $0xffff  }
0x158: {  	s29 =	simm.s32 $0x10030;
	v48 =	vmax.f32 v6, v48;
	v6 =	vld [tilespmem:$0x1FBB0]  }
0x159: {  	v5 =	vmax.f32 v42, v5;
	v34 =	vld [tilespmem:s29+$0xFFFFFFF0]  }
0x15a: {  	v5 =	vmax.f32 v21, v5;
	v3 =	vor.u32 s30, v3;
	v14 =	vld.idx.msk [tilespmem:v9+s2+$0x0], $0xffff  }
0x15b: {  	v38 =	vor.u32 s30, v25;
	v5 =	vmax.f32 v15, v5;
	v15 =	vld.idx.msk [tilespmem:v17+s2+$0x0], $0xffff  }
0x15c: {  	v17 =	vor.u32 s30, v44;
	v23 =	vld.idx.msk [tilespmem:v23+s2+$0x0], $0xffff  }
0x15d: {  	v35 =	vor.u32 s26, v10;
	v43 =	vmax.f32 v6, v43;
	v6 =	vld.idx.msk [tilespmem:v47+s2+$0x0], $0xffff  }
0x15e: {  	v21 =	vor.u32 s30, v24;
	v47 =	vmax.f32 v54, v53;
	v53 =	vld [tilespmem:$0x1FBE0]  }
0x15f: {  	v63 =	vmax.f32 v52, v49;
	v49 =	vor.u32 s26, v51;
	v3 =	vld.idx.msk [tilespmem:v3+s2+$0x0], $0xffff  }
0x160: {  	v38 =	vld.idx.msk [tilespmem:v38+s2+$0x0], $0xffff  }
0x161: {  	v17 =	vld.idx.msk [tilespmem:v17+s2+$0x0], $0xffff  }
0x162: {  	v50 =	vmov v55;
	v55 =	vmax.f32 v1, v2;
	v2 =	vld.idx.msk [tilespmem:v35+s2+$0x0], $0xffff  }
0x163: {  	v58 =	vmax.f32 v53, v56;
	v53 =	vld.idx.msk [tilespmem:v21+s2+$0x0], $0xffff;
	[tilespmem:$0x1FD80] =	vst v57  }
0x164: {  	v52 =	vmovc v20;
	v7 =	vmax.f32 v7, v3;
	v3 =	vor.u32 s26, v20;
	v20 =	vmax.f32 v0, v6;
	v0 =	vld.idx.msk [tilespmem:v49+s2+$0x0], $0xffff;
	_ =	sdelay $0x2  }
0x165: {  	v43 =	vmax.f32 v48, v43  }
0x166: {  	v48 =	vld [tilespmem:$0x1FBD0];
	v47 =	vmax.f32 v47, v43  }
0x167: {  	v11 =	vmax.f32 v47, v11;
	v47 =	vld [tilespmem:$0x1FC00];
	[tilespmem:$0x1FD90] =	vst v0  }
0x168: {  	v59 =	vmov v37;
	v0 =	vld.idx.msk [tilespmem:v3+s2+$0x0], $0xffff  }
0x169: {  	v54 =	vmovc v39;
	v11 =	vmax.f32 v11, v5;
	v5 =	vld [tilespmem:$0x1FBC0];
	v21 =	vmax.f32 v36, v4;
	v4 =	vor.u32 s26, v59  }
0x16a: {  	v6 =	vor.u32 s26, v54;
	v56 =	vmax.f32 v18, v22;
	v22 =	vadd.s32 s28, v34;
	s28 =	simm.s32 $0x600  }
0x16b: {  	v12 =	vmax.f32 v12, v16;
	v16 =	vor.u32 s26, v24;
	v24 =	vor.u32 s28, v29  }
0x16c: {  	v18 =	vor.u32 s26, v25  }
0x16d: {  	v9 =	vmax.f32 v47, v45;
	v45 =	vld [tilespmem:$0x1FF70];
	[tilespmem:$0x1FDA0] =	vst v0  }
0x16e: {  	v15 =	vmax.f32 v15, v19;
	v19 =	vor.u32 s26, v44;
	v5 =	vmax.f32 v5, v48;
	v3 =	vld.idx.msk [tilespmem:v4+s2+$0x0], $0xffff  }
0x16f: {  	v58 =	vmax.f32 v5, v58;
	v5 =	vld.idx.msk [tilespmem:v6+s2+$0x0], $0xffff  }
0x170: {  	v0 =	vld.idx.msk [tilespmem:v24+s2+$0x0], $0xffff  }
0x171: {  	v1 =	vmov v59;
	v59 =	vor.u32 s28, v27;
	v6 =	vld.idx.msk [tilespmem:v18+s2+$0x0], $0xffff  }
0x172: {  	v16 =	vld.idx.msk [tilespmem:v16+s2+$0x0], $0xffff  }
0x173: {  	v13 =	vmax.f32 v14, v13;
	v19 =	vld.idx.msk [tilespmem:v19+s2+$0x0], $0xffff  }
0x174: {  	s25 =	simm.s32 $0x10050;
	v23 =	vmax.f32 v23, v38;
	v42 =	vmul.f32 $1.000000000e+01, v11;
	v48 =	vmovc v10;
	v10 =	vmax.f32 v53, v17;
	v14 =	vld [tilespmem:s31+$0x0]  }
0x175: {  	v7 =	vmax.f32 v7, v21;
	v10 =	vmax.f32 v23, v10;
	v23 =	vld [tilespmem:s25+$0xFFFFFFF0];
	[tilespmem:$0x1FDB0] =	vst v0  }
0x176: {  	v17 =	vor.u32 s28, v30;
	v21 =	vadd.s32 v45, v22;
	v22 =	vtrunc.f32 v42;
	v0 =	vld.idx.msk [tilespmem:v59+s2+$0x0], $0xffff  }
0x177: {  	v8 =	vmax.f32 v46, v8;
	v22 =	vcvt.f32.s32 v22;
	v18 =	vor.u32 s28, v31  }
0x178: {  	v12 =	vmax.f32 v12, v15;
	v34 =	vmax.f32 v41, v63;
	v8 =	vmax.f32 v9, v8  }
0x179: {  	v63 =	vld [tilespmem:$0x1FE50];
	v7 =	vmax.f32 v8, v7;
	v15 =	vmax.f32 v58, v34;
	vm6 =	vlt.s32 v22, $0x9  }
0x17a: {  	v7 =	vmax.f32 v15, v7;
	v15 =	vnsel vm6, $0x9, v22;
	v22 =	vld [tilespmem:$0x1FF90]  }
0x17b: {  	v10 =	vmax.f32 v12, v10;
	v12 =	vld.idx.msk [tilespmem:v17+s2+$0x0], $0xffff;
	[tilespmem:$0x1FDC0] =	vst v0  }
0x17c: {  	v44 =	vor.u32 s28, v28;
	v20 =	vmax.f32 v55, v20;
	v13 =	vmax.f32 v13, v56;
	v0 =	vld.idx.msk [tilespmem:v18+s2+$0x0], $0xffff  }
0x17d: {  	v46 =	vmax.f32 v20, v13  }
0x17e: {  	vm7 =	vgt.f32 v11, $0.0e+00;
	v8 =	vmax.f32 v46, v10;
	v24 =	vld [tilespmem:$0x1FFF0]  }
0x17f: {  	v53 =	vlaneseq.u32;
	v7 =	vmax.f32 v7, v8;
	v15 =	vshll.u32 v15, $0x4  }
0x180: {  	v26 =	vld [tilespmem:$0x1FE10];
	v20 =	vmul.f32 $1.000000000e+01, v7;
	v15 =	vor.u32 v53, v15;
	v22 =	vor.u32 s28, v22  }
0x181: {  	v15 =	vsel vm7, v15, v63;
	v23 =	vadd.s32 s30, v23;
	v13 =	vld.idx.msk [tilespmem:v44+s2+$0x0], $0xffff;
	[tilespmem:$0x1FDD0] =	vst v0  }
0x182: {  	v20 =	vtrunc.f32 v20;
	v23 =	vadd.s32 v45, v23;
	v21 =	vld.idx.msk [tilespmem:v21+s2+$0x0], $0xffff  }
0x183: {  	v60 =	vld [tilespmem:$0x1FE40];
	v20 =	vcvt.f32.s32 v20;
	v24 =	vor.u32 s28, v24  }
0x184: {  	v56 =	vld [tilespmem:$0x1FF80];
	v42 =	vadd.s32 $0xB0, v15  }
0x185: {  	v61 =	vimm.f32 $1.000000000e+00;
	vm8 =	vlt.s32 v20, $0x9;
	v8 =	vld.idx.msk [tilespmem:v22+s2+$0x0], $0xffff  }
0x186: {  	v9 =	vmov v45;
	v20 =	vnsel vm8, $0x9, v20;
	v45 =	vadd.s32 $0x160, v15;
	[tilespmem:v15+s16+$0x0] =	vst.idx.add.f32.msk $0xffff, v61  }
0x187: {  	v15 =	vshll.u32 v20, $0x4;
	v20 =	vld.idx.msk [tilespmem:v23+s2+$0x0], $0xffff;
	v23 =	vimm.f32 $0.0e+00;
	vm9 =	veq.f32 v21, v11  }
0x188: {  	v22 =	vld.idx.msk [tilespmem:v24+s2+$0x0], $0xffff;
	v23 =	vsel vm9, $0x3F800000, v23  }
0x189: {  	v47 =	vor.u32 s28, v32;
	[tilespmem:v42+s16+$0x0] =	vst.idx.add.f32.msk $0xffff, v23  }
0x18a: {  	v49 =	vor.u32 s28, v33;
	v24 =	vld [tilespmem:$0x1FE20]  }
0x18b: {  	vm1 =	vgt.f32 v7, $0.0e+00;
	v44 =	vor.u32 s28, v56;
	v15 =	vor.u32 v53, v15;
	[tilespmem:v45+s16+$0x0] =	vst.idx.add.f32.msk $0xffff, v11  }
0x18c: {  	v43 =	vor.u32 s28, v26;
	v15 =	vsel vm1, v15, v63;
	v26 =	vld [tilespmem:$0x1FE30];
	_ =	sdelay $0x1  }
0x18d: {  	v10 =	vld.idx.msk [tilespmem:v47+s2+$0x0], $0xffff;
	v23 =	vadd.s32 $0xB0, v15  }
0x18e: {  	v17 =	vld.idx.msk [tilespmem:v49+s2+$0x0], $0xffff  }
0x18f: {  	v46 =	vadd.s32 $0x160, v15;
	v21 =	vld.idx.msk [tilespmem:v44+s2+$0x0], $0xffff  }
0x190: {  	vm10 =	veq.f32 v20, v7;
	[tilespmem:v15+s16+$0x0] =	vst.idx.add.f32.msk $0xffff, v61;
	v47 =	vor.u32 s28, v26;
	v26 =	vimm.f32 $0.0e+00  }
0x191: {  	v4 =	vld [tilespmem:$0x1FDE0];
	v49 =	vsel vm10, $0x3F800000, v26  }
0x192: {  	[tilespmem:v23+s16+$0x0] =	vst.idx.add.f32.msk $0xffff, v49  }
0x193: {  	v35 =	vld [tilespmem:$0x1FE60]  }
0x194: {  	v20 =	vor.u32 s28, v60;
	v38 =	vld [tilespmem:$0x1FE70]  }
0x195: {  	v44 =	vor.u32 s28, v48;
	[tilespmem:v46+s16+$0x0] =	vst.idx.add.f32.msk $0xffff, v7  }
0x196: {  	v26 =	vld [tilespmem:$0x1FC10]  }
0x197: {  	v54 =	vld [tilespmem:$0x1FC20]  }
0x198: {  	v18 =	vld.idx.msk [tilespmem:v43+s2+$0x0], $0xffff;
	v24 =	vor.u32 s28, v24  }
0x199: {  	v20 =	vld.idx.msk [tilespmem:v20+s2+$0x0], $0xffff  }
0x19a: {  	v44 =	vld.idx.msk [tilespmem:v44+s2+$0x0], $0xffff  }
0x19b: {  	v58 =	vld [tilespmem:$0x1FC40]  }
0x19c: {  	v57 =	vmax.f32 v26, v54;
	v26 =	vld [tilespmem:$0x1FC30]  }
0x19d: {  	v24 =	vld.idx.msk [tilespmem:v24+s2+$0x0], $0xffff  }
0x19e: {  	v55 =	vld [tilespmem:$0x1FE80]  }
0x19f: {  	v53 =	vld [tilespmem:$0x1FE90]  }
0x1a0: {  	v0 =	vld [tilespmem:$0x1FC60]  }
0x1a1: {  	v59 =	vmax.f32 v26, v58;
	v26 =	vld [tilespmem:$0x1FC50]  }
0x1a2: {  	v62 =	vld [tilespmem:$0x1FEA0]  }
0x1a3: {  	v49 =	vld [tilespmem:$0x1FC80]  }
0x1a4: {  	v15 =	vor.u32 s28, v4;
	v63 =	vld [tilespmem:$0x1FEB0]  }
0x1a5: {  	v34 =	vld [tilespmem:$0x1FD90]  }
0x1a6: {  	v36 =	vmax.f32 v26, v0;
	v26 =	vld [tilespmem:$0x1FC70]  }
0x1a7: {  	v11 =	vld.idx.msk [tilespmem:v47+s2+$0x0], $0xffff;
	v23 =	vor.u32 s28, v35  }
0x1a8: {  	v47 =	vld [tilespmem:$0x1FCC0]  }
0x1a9: {  	v15 =	vld.idx.msk [tilespmem:v15+s2+$0x0], $0xffff;
	v39 =	vor.u32 s28, v38  }
0x1aa: {  	v0 =	vld [tilespmem:$0x1FCA0]  }
0x1ab: {  	v37 =	vor.u32 s28, v53;
	v53 =	vmax.f32 v26, v49;
	v26 =	vld [tilespmem:$0x1FC90]  }
0x1ac: {  	v7 =	vor.u32 s28, v55;
	v23 =	vld.idx.msk [tilespmem:v23+s2+$0x0], $0xffff  }
0x1ad: {  	v58 =	vld [tilespmem:$0x1FEC0]  }
0x1ae: {  	v39 =	vld.idx.msk [tilespmem:v39+s2+$0x0], $0xffff;
	v40 =	vmax.f32 v57, v59;
	v54 =	vmax.f32 v36, v53  }
0x1af: {  	v42 =	vor.u32 s28, v62;
	v54 =	vmax.f32 v40, v54;
	v40 =	vld [tilespmem:$0x1FCE0]  }
0x1b0: {  	v36 =	vmax.f32 v26, v0;
	v0 =	vld [tilespmem:$0x1FCD0]  }
0x1b1: {  	v7 =	vld.idx.msk [tilespmem:v7+s2+$0x0], $0xffff  }
0x1b2: {  	v59 =	vld [tilespmem:$0x1FED0];
	v43 =	vor.u32 s28, v58  }
0x1b3: {  	v26 =	vld [tilespmem:$0x1FCB0]  }
0x1b4: {  	v42 =	vld.idx.msk [tilespmem:v42+s2+$0x0], $0xffff  }
0x1b5: {  	v46 =	vmax.f32 v0, v40;
	v0 =	vld [tilespmem:$0x1FD10]  }
0x1b6: {  	v40 =	vld [tilespmem:$0x1FD20]  }
0x1b7: {  	v43 =	vld.idx.msk [tilespmem:v43+s2+$0x0], $0xffff  }
0x1b8: {  	v53 =	vld [tilespmem:$0x1FD00];
	v49 =	vmax.f32 v26, v47;
	v47 =	vor.u32 s28, v59  }
0x1b9: {  	v41 =	vmax.f32 v36, v49;
	v49 =	vld [tilespmem:$0x1FCF0]  }
0x1ba: {  	v26 =	vld.idx.msk [tilespmem:v37+s2+$0x0], $0xffff  }
0x1bb: {  	v45 =	vor.u32 s28, v63;
	v48 =	vmax.f32 v0, v40;
	v0 =	vld [tilespmem:$0x1FD60]  }
0x1bc: {  	v40 =	vld [tilespmem:$0x1FD70]  }
0x1bd: {  	v47 =	vld.idx.msk [tilespmem:v47+s2+$0x0], $0xffff  }
0x1be: {  	v57 =	vmax.f32 v49, v53;
	v49 =	vor.u32 s28, v50;
	v50 =	vor.u32 s28, v51;
	v51 =	vld [tilespmem:$0x1FD40]  }
0x1bf: {  	v53 =	vld [tilespmem:$0x1FD50]  }
0x1c0: {  	v37 =	vmax.f32 v46, v57;
	v46 =	vld.idx.msk [tilespmem:v45+s2+$0x0], $0xffff  }
0x1c1: {  	v37 =	vmax.f32 v41, v37;
	v41 =	vld [tilespmem:$0x1FD30]  }
0x1c2: {  	v45 =	vld [tilespmem:$0x1FFF0]  }
0x1c3: {  	v2 =	vmax.f32 v40, v2;
	v40 =	vld [tilespmem:$0x1FDA0]  }
0x1c4: {  	v57 =	vld [tilespmem:$0x1FF90]  }
0x1c5: {  	v5 =	vmax.f32 v5, v6;
	v6 =	vmax.f32 v16, v19;
	v19 =	vld.idx.msk [tilespmem:v50+s2+$0x0], $0xffff  }
0x1c6: {  	v36 =	vmax.f32 v53, v0;
	v41 =	vmax.f32 v41, v51;
	v51 =	vor.u32 s28, v52;
	v52 =	vld [tilespmem:$0x1FD80]  }
0x1c7: {  	v2 =	vmax.f32 v36, v2;
	v36 =	vld [tilespmem:$0x1FF30]  }
0x1c8: {  	v53 =	vor.u32 s28, v1;
	v1 =	vmax.f32 v40, v3;
	v3 =	vor.u32 s28, v25;
	v25 =	vld.idx.msk [tilespmem:v49+s2+$0x0], $0xffff  }
0x1c9: {  	v49 =	vld [tilespmem:$0x1FE20]  }
0x1ca: {  	v40 =	vmov v4;
	v4 =	vld [tilespmem:$0x1FDB0]  }
0x1cb: {  	v0 =	vmax.f32 v52, v34;
	v34 =	vld [tilespmem:$0x1FF50]  }
0x1cc: {  	v41 =	vmax.f32 v48, v41;
	v48 =	vor.u32 s28, v36;
	v52 =	vld [tilespmem:$0x1FF60]  }
0x1cd: {  	v50 =	vmax.f32 v5, v6;
	v6 =	vld.idx.msk [tilespmem:v51+s2+$0x0], $0xffff  }
0x1ce: {  	v8 =	vmax.f32 v17, v8;
	v0 =	vmax.f32 v0, v1;
	v1 =	vadd.s32 s26, v14;
	v14 =	vld.idx.msk [tilespmem:v53+s2+$0x0], $0xffff  }
0x1cf: {  	v18 =	vmax.f32 v22, v18;
	v21 =	vmax.f32 v21, v24;
	v12 =	vmax.f32 v4, v12;
	v4 =	vld [tilespmem:$0x1FDC0]  }
0x1d0: {  	v2 =	vmax.f32 v41, v2;
	s26 =	simm.s32 $0xA00;
	v0 =	vmax.f32 v0, v50;
	v50 =	vld [tilespmem:$0x1FE30];
	v1 =	vadd.s32 v9, v1  }
0x1d1: {  	v11 =	vmax.f32 v11, v20;
	v17 =	vor.u32 s26, v27;
	v0 =	vmax.f32 v2, v0;
	v2 =	vld.idx.msk [tilespmem:v48+s2+$0x0], $0xffff  }
0x1d2: {  	v37 =	vmax.f32 v54, v37;
	v51 =	vmax.f32 v18, v21;
	v18 =	vor.u32 s26, v32;
	v48 =	vld [tilespmem:$0x1FE10]  }
0x1d3: {  	v15 =	vmax.f32 v15, v23;
	v20 =	vor.u32 s26, v33;
	v53 =	vmax.f32 v37, v0;
	v0 =	vld.idx.msk [tilespmem:v3+s2+$0x0], $0xffff  }
0x1d4: {  	v11 =	vmax.f32 v11, v15;
	v15 =	vor.u32 s26, v57;
	v54 =	vmax.f32 v4, v13;
	v4 =	vld [tilespmem:$0x1FDD0]  }
0x1d5: {  	v3 =	vor.u32 s26, v29;
	v1 =	vld.idx.msk [tilespmem:v1+s2+$0x0], $0xffff  }
0x1d6: {  	v16 =	vor.u32 s28, v34;
	v17 =	vld.idx.msk [tilespmem:v17+s2+$0x0], $0xffff  }
0x1d7: {  	v5 =	vor.u32 s28, v52;
	v18 =	vld.idx.msk [tilespmem:v18+s2+$0x0], $0xffff  }
0x1d8: {  	v20 =	vld.idx.msk [tilespmem:v20+s2+$0x0], $0xffff  }
0x1d9: {  	v41 =	vmovc v9;
	v24 =	vor.u32 s26, v56;
	v56 =	vld.idx.msk [tilespmem:v15+s2+$0x0], $0xffff;
	v9 =	vmax.f32 v12, v54;
	v12 =	vor.u32 s26, v28  }
0x1da: {  	v21 =	vor.u32 s26, v45;
	v3 =	vld.idx.msk [tilespmem:v3+s2+$0x0], $0xffff  }
0x1db: {  	v7 =	vmax.f32 v39, v7;
	v13 =	vld.idx.msk [tilespmem:v16+s2+$0x0], $0xffff  }
0x1dc: {  	v22 =	vor.u32 s26, v31;
	v54 =	vmax.f32 v26, v42;
	v5 =	vld.idx.msk [tilespmem:v5+s2+$0x0], $0xffff;
	v10 =	vmax.f32 v4, v10  }
0x1dd: {  	v7 =	vmax.f32 v7, v54;
	v54 =	vor.u32 s26, v50;
	v8 =	vmax.f32 v10, v8;
	v10 =	vld [tilespmem:s29+$0x0]  }
0x1de: {  	v6 =	vmax.f32 v6, v14;
	v4 =	vmax.f32 v25, v19;
	v12 =	vld.idx.msk [tilespmem:v12+s2+$0x0], $0xffff  }
0x1df: {  	v4 =	vmax.f32 v4, v6;
	v6 =	vld.idx.msk [tilespmem:v21+s2+$0x0], $0xffff  }
0x1e0: {  	v16 =	vor.u32 s26, v30;
	v21 =	vld.idx.msk [tilespmem:v24+s2+$0x0], $0xffff  }
0x1e1: {  	v39 =	vor.u32 s26, v48;
	v8 =	vmax.f32 v9, v8;
	v9 =	vmax.f32 v51, v11;
	v51 =	vld.idx.msk [tilespmem:v22+s2+$0x0], $0xffff  }
0x1e2: {  	v42 =	vor.u32 s26, v60;
	v0 =	vmax.f32 v2, v0;
	v2 =	vld.idx.msk [tilespmem:v54+s2+$0x0], $0xffff  }
0x1e3: {  	v22 =	vmax.f32 v46, v43;
	v46 =	vld [tilespmem:$0x1FE90]  }
0x1e4: {  	v19 =	vor.u32 s26, v49;
	v54 =	vld [tilespmem:$0x1FEE0]  }
0x1e5: {  	v23 =	vmax.f32 v47, v44;
	v43 =	vor.u32 s26, v55;
	v16 =	vld.idx.msk [tilespmem:v16+s2+$0x0], $0xffff  }
0x1e6: {  	v15 =	vmul.f32 $1.000000000e+01, v53;
	v8 =	vmax.f32 v8, v9;
	v5 =	vmax.f32 v13, v5;
	v9 =	vld.idx.msk [tilespmem:v39+s2+$0x0], $0xffff  }
0x1e7: {  	v22 =	vmax.f32 v22, v23;
	v13 =	vld.idx.msk [tilespmem:v42+s2+$0x0], $0xffff;
	v0 =	vmax.f32 v0, v5;
	v5 =	vor.u32 s26, v40  }
0x1e8: {  	v7 =	vmax.f32 v7, v22;
	v22 =	vld [tilespmem:$0x1FE50];
	v0 =	vmax.f32 v4, v0;
	v4 =	vor.u32 s26, v35  }
0x1e9: {  	v47 =	vor.u32 s26, v58;
	v15 =	vtrunc.f32 v15;
	v19 =	vld.idx.msk [tilespmem:v19+s2+$0x0], $0xffff;
	v0 =	vmax.f32 v7, v0  }
0x1ea: {  	v15 =	vcvt.f32.s32 v15;
	v7 =	vor.u32 s26, v38;
	v39 =	vmax.f32 v8, v0;
	v0 =	vld.idx.msk [tilespmem:v43+s2+$0x0], $0xffff  }
0x1eb: {  	v44 =	vmax.f32 v17, v12;
	v17 =	vor.u32 s26, v63;
	v11 =	vmax.f32 v51, v18;
	v18 =	vld [tilespmem:$0x1FEF0]  }
0x1ec: {  	v12 =	vor.u32 s26, v46;
	v5 =	vld.idx.msk [tilespmem:v5+s2+$0x0], $0xffff  }
0x1ed: {  	vm11 =	vlt.s32 v15, $0x9;
	v4 =	vld.idx.msk [tilespmem:v4+s2+$0x0], $0xffff  }
0x1ee: {  	v14 =	vmax.f32 v20, v56;
	v20 =	vlaneseq.u32;
	v15 =	vnsel vm11, $0x9, v15;
	v8 =	vld.idx.msk [tilespmem:v47+s2+$0x0], $0xffff  }
0x1ef: {  	v15 =	vshll.u32 v15, $0x4;
	v3 =	vmax.f32 v3, v16;
	v16 =	vor.u32 s26, v62;
	v7 =	vld.idx.msk [tilespmem:v7+s2+$0x0], $0xffff  }
0x1f0: {  	vm12 =	vgt.f32 v53, $0.0e+00;
	v15 =	vor.u32 v20, v15;
	v17 =	vld.idx.msk [tilespmem:v17+s2+$0x0], $0xffff  }
0x1f1: {  	v51 =	vor.u32 s26, v59;
	v11 =	vmax.f32 v11, v14;
	v55 =	vsel vm12, v15, v22;
	v12 =	vld.idx.msk [tilespmem:v12+s2+$0x0], $0xffff  }
0x1f2: {  	v6 =	vmax.f32 v6, v9;
	v2 =	vmax.f32 v2, v13;
	v4 =	vmax.f32 v5, v4;
	v5 =	vld [tilespmem:$0x1FF00]  }
0x1f3: {  	v3 =	vmax.f32 v3, v44;
	v15 =	vmax.f32 v21, v19;
	v2 =	vmax.f32 v2, v4;
	v4 =	vld [tilespmem:$0x1FF10]  }
0x1f4: {  	v3 =	vmax.f32 v3, v11;
	v11 =	vor.u32 s26, v54;
	v6 =	vmax.f32 v6, v15;
	v16 =	vld.idx.msk [tilespmem:v16+s2+$0x0], $0xffff  }
0x1f5: {  	v18 =	vor.u32 s26, v18;
	v2 =	vmax.f32 v6, v2;
	v6 =	vld [tilespmem:$0x1FF20]  }
0x1f6: {  	v15 =	vmul.f32 $1.000000000e+01, v39;
	v8 =	vmax.f32 v17, v8;
	v17 =	vor.u32 s26, v52;
	[tilespmem:v55+s16+$0x0] =	vst.idx.add.f32.msk $0xffff, v61  }
0x1f7: {  	v0 =	vmax.f32 v7, v0;
	v7 =	vld [tilespmem:$0x1FF40];
	v56 =	vor.u32 s26, v5  }
0x1f8: {  	v14 =	vld.idx.msk [tilespmem:v51+s2+$0x0], $0xffff;
	v5 =	vtrunc.f32 v15;
	v4 =	vor.u32 s26, v4  }
0x1f9: {  	v58 =	vor.u32 s26, v36;
	v37 =	vimm.f32 $0.0e+00;
	v11 =	vld.idx.msk [tilespmem:v11+s2+$0x0], $0xffff;
	v15 =	vcvt.f32.s32 v5  }
0x1fa: {  	v59 =	vld.idx.msk [tilespmem:v18+s2+$0x0], $0xffff;
	v5 =	vmax.f32 v3, v2;
	v3 =	vmax.f32 v12, v16;
	v6 =	vor.u32 s26, v6  }
0x1fb: {  	v24 =	vld.idx.msk [tilespmem:v17+s2+$0x0], $0xffff;
	v0 =	vmax.f32 v0, v3;
	v3 =	vor.u32 s26, v34;
	vm13 =	vlt.s32 v15, $0x9  }
0x1fc: {  	v63 =	vadd.s32 s28, v10;
	v7 =	vor.u32 s26, v7;
	v15 =	vnsel vm13, $0x9, v15;
	v13 =	vld.idx.msk [tilespmem:v56+s2+$0x0], $0xffff  }
0x1fd: {  	vm15 =	veq.f32 v1, v53;
	v42 =	vadd.s32 v41, v63;
	v15 =	vshll.u32 v15, $0x4;
	v18 =	vld.idx.msk [tilespmem:v4+s2+$0x0], $0xffff  }
0x1fe: {  	vm14 =	vgt.f32 v39, $0.0e+00;
	v4 =	vmax.f32 v14, v11;
	v62 =	vor.u32 v20, v15;
	v20 =	vld.idx.msk [tilespmem:v58+s2+$0x0], $0xffff  }
0x1ff: {  	v41 =	vsel vm15, $0x3F800000, v37;
	v19 =	vld.idx.msk [tilespmem:v6+s2+$0x0], $0xffff;
	v51 =	vsel vm14, v62, v22;
	v4 =	vmax.f32 v8, v4  }
0x200: {  	v35 =	vadd.s32 $0x160, v55;
	v34 =	vadd.s32 $0xB0, v55;
	v22 =	vld.idx.msk [tilespmem:v3+s2+$0x0], $0xffff;
	v16 =	vmax.f32 v0, v4  }
0x201: {  	s29 =	simm.s32 $0xE00;
	s28 =	simm.s32 $0x4;
	v21 =	vld.idx.msk [tilespmem:v7+s2+$0x0], $0xffff;
	v52 =	vadd.s32 $0xB0, v51;
	v47 =	vadd.s32 $0x160, v51;
	v23 =	vmax.f32 v59, v13  }
.LBB2_3:
0x202: {  	v25 =	vld [tilespmem:s25+$0x0]  }
0x203: {  	v26 =	vld.idx.msk [tilespmem:v42+s2+$0x0], $0xffff  }
0x204: {  	[tilespmem:v51+s16+$0x0] =	vst.idx.add.f32.msk $0xffff, v61  }
0x205: {  	v55 =	vld [tilespmem:$0x1FE80]  }
0x206: {  	v61 =	vld [tilespmem:$0x1FE90]  }
0x207: {  	v62 =	vld [tilespmem:$0x1FEA0]  }
0x208: {  	v63 =	vld [tilespmem:$0x1FEB0]  }
0x209: {  	v36 =	vld [tilespmem:$0x1FED0]  }
0x20a: {  	v54 =	vld [tilespmem:$0x1FEE0]  }
0x20b: {  	v37 =	vld [tilespmem:$0x1FEF0]  }
0x20c: {  	v1 =	vmov v47;
	[tilespmem:v34+s16+$0x0] =	vst.idx.add.f32.msk $0xffff, v41  }
0x20d: {  	s30 =	sadd.s32 $0xFFFFFE00, s29;
	[tilespmem:$0x1FAD0] =	vst v1;
	v1 =	vld [tilespmem:$0x1FE70]  }
0x20e: {  	v12 =	vor.u32 s29, v27;
	v13 =	vor.u32 s29, v30;
	v15 =	vor.u32 s30, v30;
	v30 =	vld [tilespmem:$0x1FF80]  }
0x20f: {  	v11 =	vor.u32 s29, v28;
	[tilespmem:v35+s16+$0x0] =	vst.idx.add.f32.msk $0xffff, v53  }
0x210: {  	v10 =	vor.u32 s29, v31;
	v35 =	vld [tilespmem:$0x1FF10]  }
0x211: {  	v9 =	vor.u32 s29, v32;
	v44 =	vor.u32 s29, v40;
	v53 =	vld [tilespmem:$0x1FF30]  }
0x212: {  	v8 =	vor.u32 s29, v33;
	v7 =	vor.u32 s29, v57;
	v34 =	vmovc v57;
	[tilespmem:$0x1FA80] =	vst v44;
	v44 =	vor.u32 s30, v57;
	v57 =	vld [tilespmem:$0x1FF40]  }
0x213: {  	v12 =	vld.idx.msk [tilespmem:v12+s2+$0x0], $0xffff  }
0x214: {  	v6 =	vor.u32 s29, v45;
	v11 =	vld.idx.msk [tilespmem:v11+s2+$0x0], $0xffff  }
0x215: {  	v17 =	vor.u32 s30, v27;
	v10 =	vld.idx.msk [tilespmem:v10+s2+$0x0], $0xffff  }
0x216: {  	v2 =	vmov v39;
	v39 =	vor.u32 s30, v31;
	v9 =	vld.idx.msk [tilespmem:v9+s2+$0x0], $0xffff  }
0x217: {  	v8 =	vld.idx.msk [tilespmem:v8+s2+$0x0], $0xffff  }
0x218: {  	v7 =	vld.idx.msk [tilespmem:v7+s2+$0x0], $0xffff  }
0x219: {  	v6 =	vld.idx.msk [tilespmem:v6+s2+$0x0], $0xffff  }
0x21a: {  	v0 =	vor.u32 s29, v29;
	v17 =	vld.idx.msk [tilespmem:v17+s2+$0x0], $0xffff  }
0x21b: {  	v56 =	vmov v28;
	v59 =	vor.u32 s30, v28;
	v14 =	vor.u32 s30, v29;
	v28 =	vld.idx.msk [tilespmem:v39+s2+$0x0], $0xffff  }
0x21c: {  	v29 =	vor.u32 s29, v48;
	v51 =	vor.u32 s29, v55;
	v39 =	vor.u32 s30, v48;
	v48 =	vld [tilespmem:$0x1FEC0]  }
0x21d: {  	v42 =	vor.u32 s29, v50;
	v47 =	vor.u32 s29, v1;
	[tilespmem:$0x1FAB0] =	vst v51;
	v51 =	vor.u32 s30, v50;
	v50 =	vld [tilespmem:$0x1FF20]  }
0x21e: {  	v38 =	vor.u32 s29, v49;
	[tilespmem:$0x1FAA0] =	vst v47;
	v47 =	vor.u32 s30, v49;
	v49 =	vld [tilespmem:$0x1FF00]  }
0x21f: {  	v18 =	vmax.f32 v18, v19;
	v0 =	vld.idx.msk [tilespmem:v0+s2+$0x0], $0xffff  }
0x220: {  	v18 =	vmax.f32 v23, v18;
	v23 =	vor.u32 s30, v55;
	v14 =	vld.idx.msk [tilespmem:v14+s2+$0x0], $0xffff  }
0x221: {  	[tilespmem:$0x1FA20] =	vst v29;
	v15 =	vld.idx.msk [tilespmem:v15+s2+$0x0], $0xffff  }
0x222: {  	v20 =	vmax.f32 v20, v21;
	v21 =	vmax.f32 v22, v24;
	[tilespmem:$0x1FA50] =	vst v38;
	v24 =	vor.u32 s30, v1;
	v13 =	vld.idx.msk [tilespmem:v13+s2+$0x0], $0xffff  }
0x223: {  	[tilespmem:$0x1FA60] =	vst v42;
	v38 =	vor.u32 s29, v53;
	v58 =	vld.idx.msk [tilespmem:v44+s2+$0x0], $0xffff  }
0x224: {  	v41 =	vor.u32 s30, v45;
	v43 =	vor.u32 s29, v60;
	[tilespmem:$0x1FB50] =	vst v38;
	v38 =	vld [tilespmem:$0x1FF70]  }
0x225: {  	[tilespmem:$0x1FA70] =	vst v43;
	v29 =	vor.u32 s29, v61;
	v3 =	vor.u32 s29, v30;
	v23 =	vld.idx.msk [tilespmem:v23+s2+$0x0], $0xffff  }
0x226: {  	v42 =	vor.u32 s30, v32;
	v20 =	vmax.f32 v20, v21;
	[tilespmem:$0x1FAC0] =	vst v29;
	v29 =	vor.u32 s29, v62;
	v21 =	vld.idx.msk [tilespmem:v51+s2+$0x0], $0xffff  }
0x227: {  	[tilespmem:$0x1FAE0] =	vst v29;
	v24 =	vld.idx.msk [tilespmem:v24+s2+$0x0], $0xffff  }
0x228: {  	v29 =	vor.u32 s29, v63;
	v53 =	vor.u32 s30, v53;
	[tilespmem:$0x1FA30] =	vst v3;
	v3 =	vmov v27;
	v27 =	vld.idx.msk [tilespmem:v59+s2+$0x0], $0xffff  }
0x229: {  	v43 =	vor.u32 s30, v33;
	[tilespmem:$0x1FAF0] =	vst v29;
	v29 =	vor.u32 s29, v48;
	v59 =	vld.idx.msk [tilespmem:v41+s2+$0x0], $0xffff  }
0x22a: {  	v51 =	vor.u32 s30, v48;
	[tilespmem:$0x1FB00] =	vst v29;
	v29 =	vor.u32 s29, v36;
	v22 =	vld.idx.msk [tilespmem:v47+s2+$0x0], $0xffff  }
0x22b: {  	v48 =	vor.u32 s30, v36;
	[tilespmem:$0x1FB10] =	vst v29;
	v29 =	vld.idx.msk [tilespmem:v42+s2+$0x0], $0xffff  }
0x22c: {  	v41 =	vor.u32 s30, v60;
	v42 =	vor.u32 s30, v30;
	v30 =	vor.u32 s29, v54;
	[tilespmem:$0x1FA40] =	vst v0;
	v0 =	vld [tilespmem:$0x1FE60]  }
0x22d: {  	v47 =	vor.u32 s30, v61;
	[tilespmem:$0x1FB20] =	vst v30;
	v30 =	vor.u32 s29, v37;
	v53 =	vld.idx.msk [tilespmem:v53+s2+$0x0], $0xffff  }
0x22e: {  	[tilespmem:$0x1FB30] =	vst v30;
	v30 =	vld.idx.msk [tilespmem:v43+s2+$0x0], $0xffff  }
0x22f: {  	v1 =	vld.idx.msk [tilespmem:v51+s2+$0x0], $0xffff  }
0x230: {  	v48 =	vld.idx.msk [tilespmem:v48+s2+$0x0], $0xffff  }
0x231: {  	v18 =	vmax.f32 v18, v20;
	v20 =	vadd.s32 s26, v25;
	v25 =	vld.idx.msk [tilespmem:v41+s2+$0x0], $0xffff  }
0x232: {  	v61 =	vmov v34;
	v34 =	vld.idx.msk [tilespmem:v47+s2+$0x0], $0xffff  }
0x233: {  	v14 =	vmax.f32 v14, v15;
	v19 =	vld.idx.msk [tilespmem:v42+s2+$0x0], $0xffff;
	v42 =	vadd.s32 v38, v20;
	v20 =	vor.u32 s30, v62  }
0x234: {  	v15 =	vmax.f32 v17, v27;
	v17 =	vmax.f32 v28, v29;
	v29 =	vld [tilespmem:$0x1FDF0];
	v46 =	vor.u32 s29, v0  }
0x235: {  	[tilespmem:$0x1FA90] =	vst v46;
	v46 =	vor.u32 s29, v35;
	v27 =	vmax.f32 v30, v58;
	v30 =	vld [tilespmem:$0x1FE00]  }
0x236: {  	v62 =	vor.u32 s30, v54;
	v54 =	vor.u32 s30, v57;
	[tilespmem:$0x1FB40] =	vst v46;
	v46 =	vld [tilespmem:$0x1FF50]  }
0x237: {  	v58 =	vld [tilespmem:$0x1FA90]  }
0x238: {  	v20 =	vld.idx.msk [tilespmem:v20+s2+$0x0], $0xffff  }
0x239: {  	s25 =	sadd.s32 $0x20, s25;
	v14 =	vmax.f32 v14, v15;
	v15 =	vmax.f32 v17, v27;
	v27 =	vmov v3;
	v3 =	vld [tilespmem:$0x1FA40]  }
0x23a: {  	v14 =	vmax.f32 v14, v15;
	v15 =	vld [tilespmem:s25+$0xFFFFFFF0]  }
0x23b: {  	v54 =	vld.idx.msk [tilespmem:v54+s2+$0x0], $0xffff;
	v60 =	vor.u32 s29, v46  }
0x23c: {  	[tilespmem:$0x1FB70] =	vst v60;
	v60 =	vld.idx.msk [tilespmem:v39+s2+$0x0], $0xffff;
	v39 =	vor.u32 s30, v40  }
0x23d: {  	v4 =	vmov v52;
	v0 =	vor.u32 s30, v0;
	v40 =	vmov v45;
	v45 =	vld [tilespmem:$0x1FF60]  }
0x23e: {  	v20 =	vmax.f32 v34, v20;
	v34 =	vmov v4;
	v4 =	vmax.f32 v3, v13;
	v3 =	vld [tilespmem:$0x1FA50]  }
0x23f: {  	v9 =	vmax.f32 v10, v9;
	v7 =	vmax.f32 v8, v7;
	v13 =	vld [tilespmem:$0x1FAE0]  }
0x240: {  	vm1 =	veq.f32 v26, v2;
	v16 =	vmax.f32 v16, v18;
	v7 =	vmax.f32 v9, v7;
	v9 =	vld.idx.msk [tilespmem:v58+s2+$0x0], $0xffff  }
0x241: {  	v18 =	vld.idx.msk [tilespmem:v39+s2+$0x0], $0xffff;
	v39 =	vmax.f32 v5, v16;
	v16 =	vor.u32 s30, v63;
	v63 =	vor.u32 s30, v37  }
0x242: {  	v52 =	vor.u32 s29, v57;
	v44 =	vor.u32 s29, v50;
	v43 =	vor.u32 s29, v49;
	v5 =	vld.idx.msk [tilespmem:v0+s2+$0x0], $0xffff  }
0x243: {  	v0 =	vor.u32 s30, v49;
	v49 =	vor.u32 s30, v50;
	v50 =	vld.idx.msk [tilespmem:v62+s2+$0x0], $0xffff;
	v26 =	vmul.f32 $1.000000000e+01, v39  }
0x244: {  	[tilespmem:$0x1FB60] =	vst v52;
	v52 =	vor.u32 s29, v45;
	v57 =	vor.u32 s30, v45;
	v45 =	vmov v40;
	v40 =	vld [tilespmem:$0x1FDE0]  }
0x245: {  	v28 =	vmax.f32 v59, v60;
	v60 =	vld [tilespmem:$0x1FE40];
	v26 =	vtrunc.f32 v26  }
0x246: {  	v26 =	vcvt.f32.s32 v26;
	v36 =	vld.idx.msk [tilespmem:v63+s2+$0x0], $0xffff  }
0x247: {  	v63 =	vld [tilespmem:$0x1FE50]  }
0x248: {  	v37 =	vor.u32 s30, v35;
	v62 =	vld [tilespmem:$0x1FA20];
	vm12 =	vlt.s32 v26, $0x9  }
0x249: {  	v19 =	vmax.f32 v19, v22;
	v59 =	vld [tilespmem:$0x1FAB0];
	v26 =	vnsel vm12, $0x9, v26  }
0x24a: {  	v35 =	vlaneseq.u32;
	v17 =	vmax.f32 v28, v19;
	v28 =	vmovc v56;
	v56 =	vld [tilespmem:$0x1FA80];
	v26 =	vshll.u32 v26, $0x4  }
0x24b: {  	vm0 =	vgt.f32 v39, $0.0e+00;
	v16 =	vld.idx.msk [tilespmem:v16+s2+$0x0], $0xffff;
	v26 =	vor.u32 v35, v26  }
0x24c: {  	v0 =	vld.idx.msk [tilespmem:v0+s2+$0x0], $0xffff;
	v51 =	vsel vm0, v26, v63;
	v26 =	vor.u32 s30, v46  }
0x24d: {  	v37 =	vld.idx.msk [tilespmem:v37+s2+$0x0], $0xffff  }
0x24e: {  	v49 =	vld.idx.msk [tilespmem:v49+s2+$0x0], $0xffff  }
0x24f: {  	v55 =	vld.idx.msk [tilespmem:v57+s2+$0x0], $0xffff  }
0x250: {  	v5 =	vmax.f32 v18, v5;
	v18 =	vmax.f32 v24, v23;
	v23 =	vmax.f32 v53, v54;
	v54 =	vld [tilespmem:$0x1FA70]  }
0x251: {  	v26 =	vld.idx.msk [tilespmem:v26+s2+$0x0], $0xffff  }
0x252: {  	v53 =	vmov v2;
	v2 =	vld.idx.msk [tilespmem:v62+s2+$0x0], $0xffff  }
0x253: {  	v21 =	vmax.f32 v21, v25;
	v0 =	vmax.f32 v36, v0;
	v36 =	vld [tilespmem:$0x1FA30]  }
0x254: {  	v5 =	vmax.f32 v21, v5;
	v18 =	vmax.f32 v18, v20;
	v46 =	vld [tilespmem:$0x1FA60]  }
0x255: {  	v19 =	vld.idx.msk [tilespmem:v44+s2+$0x0], $0xffff;
	v5 =	vmax.f32 v17, v5;
	v1 =	vmax.f32 v16, v1;
	v16 =	vmax.f32 v48, v50  }
0x256: {  	v3 =	vld.idx.msk [tilespmem:v3+s2+$0x0], $0xffff;
	v22 =	vmax.f32 v37, v49;
	v1 =	vmax.f32 v1, v16;
	v24 =	vmax.f32 v26, v55  }
0x257: {  	v0 =	vmax.f32 v0, v22;
	v2 =	vmax.f32 v6, v2;
	v6 =	vld [tilespmem:$0x1FAA0];
	v16 =	vmax.f32 v23, v24  }
0x258: {  	v5 =	vmax.f32 v14, v5;
	v14 =	vld [tilespmem:$0x1FAF0];
	v1 =	vmax.f32 v18, v1;
	v0 =	vmax.f32 v0, v16  }
0x259: {  	v10 =	vld.idx.msk [tilespmem:v56+s2+$0x0], $0xffff;
	v0 =	vmax.f32 v1, v0  }
0x25a: {  	v8 =	vld.idx.msk [tilespmem:v54+s2+$0x0], $0xffff;
	v0 =	vmax.f32 v5, v0;
	v5 =	vmax.f32 v12, v11  }
0x25b: {  	v1 =	vld.idx.msk [tilespmem:v36+s2+$0x0], $0xffff;
	v4 =	vmax.f32 v4, v5;
	v5 =	vadd.s32 s30, v15  }
0x25c: {  	v11 =	vld.idx.msk [tilespmem:v46+s2+$0x0], $0xffff;
	v5 =	vadd.s32 v38, v5  }
0x25d: {  	v48 =	vld [tilespmem:$0x1FE10]  }
0x25e: {  	v49 =	vld [tilespmem:$0x1FE20]  }
0x25f: {  	v6 =	vld.idx.msk [tilespmem:v6+s2+$0x0], $0xffff  }
0x260: {  	v9 =	vmax.f32 v10, v9;
	v12 =	vld.idx.msk [tilespmem:v59+s2+$0x0], $0xffff  }
0x261: {  	v37 =	vmul.f32 $1.000000000e+01, v0;
	v1 =	vmax.f32 v1, v3;
	v62 =	vld.idx.msk [tilespmem:v5+s2+$0x0], $0xffff;
	v5 =	vmax.f32 v11, v8  }
0x262: {  	v46 =	vld [tilespmem:$0x1FB10];
	v1 =	vmax.f32 v2, v1;
	v5 =	vmax.f32 v5, v9  }
0x263: {  	v55 =	vtrunc.f32 v37;
	v1 =	vmax.f32 v1, v5;
	v5 =	vld [tilespmem:$0x1FB20]  }
0x264: {  	v59 =	vld [tilespmem:$0x1FB60];
	v4 =	vmax.f32 v4, v7;
	v7 =	vcvt.f32.s32 v55  }
0x265: {  	v37 =	vld [tilespmem:$0x1FB00]  }
0x266: {  	v55 =	vld [tilespmem:$0x1FB30];
	vm13 =	vlt.s32 v7, $0x9  }
0x267: {  	v3 =	vnsel vm13, $0x9, v7;
	v7 =	vld [tilespmem:$0x1FAC0]  }
0x268: {  	v8 =	vld.idx.msk [tilespmem:v13+s2+$0x0], $0xffff  }
0x269: {  	v11 =	vld.idx.msk [tilespmem:v14+s2+$0x0], $0xffff  }
0x26a: {  	v3 =	vshll.u32 v3, $0x4;
	v14 =	vld.idx.msk [tilespmem:v46+s2+$0x0], $0xffff  }
0x26b: {  	vm14 =	vgt.f32 v0, $0.0e+00;
	v3 =	vor.u32 v35, v3;
	v54 =	vld.idx.msk [tilespmem:v5+s2+$0x0], $0xffff  }
0x26c: {  	[tilespmem:$0x1FB80] =	vst v52;
	v3 =	vsel vm14, v3, v63;
	v5 =	vmax.f32 v4, v1;
	v4 =	vld [tilespmem:$0x1FB40]  }
0x26d: {  	v63 =	vld [tilespmem:$0x1FB80];
	v36 =	vadd.s32 $0xB0, v3  }
0x26e: {  	v13 =	vld.idx.msk [tilespmem:v37+s2+$0x0], $0xffff;
	v38 =	vadd.s32 $0x160, v3  }
0x26f: {  	vm15 =	veq.f32 v62, v0;
	v62 =	vld [tilespmem:$0x1FB70]  }
0x270: {  	v25 =	vimm.f32 $0.0e+00;
	v57 =	vmov v61;
	v61 =	vimm.f32 $1.000000000e+00;
	v7 =	vld.idx.msk [tilespmem:v7+s2+$0x0], $0xffff  }
0x271: {  	v2 =	vsel vm15, $0x3F800000, v25;
	[tilespmem:v3+s16+$0x0] =	vst.idx.add.f32.msk $0xffff, v61  }
0x272: {  	[tilespmem:v36+s16+$0x0] =	vst.idx.add.f32.msk $0xffff, v2  }
0x273: {  	[tilespmem:v38+s16+$0x0] =	vst.idx.add.f32.msk $0xffff, v0  }
0x274: {  	v58 =	vmax.f32 v11, v13;
	v18 =	vld.idx.msk [tilespmem:v4+s2+$0x0], $0xffff;
	v4 =	vmax.f32 v14, v54  }
0x275: {  	v0 =	vmax.f32 v58, v4;
	v4 =	vld [tilespmem:$0x1FB50]  }
0x276: {  	v50 =	vld [tilespmem:$0x1FE30]  }
0x277: {  	s28 =	sadd.s32 $0x2, s28;
	v6 =	vmax.f32 v6, v12;
	v1 =	vld.idx.msk [tilespmem:v55+s2+$0x0], $0xffff;
	v3 =	vmax.f32 v7, v8  }
0x278: {  	p0 =	slt.u32 s28, $0x3E;
	v56 =	vmax.f32 v6, v3;
	v3 =	vld.idx.msk [tilespmem:v43+s2+$0x0], $0xffff  }
.Ltmp0:
0x279: {  	v21 =	vld.idx.msk [tilespmem:v59+s2+$0x0], $0xffff;
	(pc) =	sbr.rel @p0 .LBB2_3-.Ltmp0, $4  }
0x27a: {  	v35 =	vld [tilespmem:$0x1FAD0]  }
0x27b: {  	v41 =	vimm.f32 $0.0e+00;
	v24 =	vld.idx.msk [tilespmem:v63+s2+$0x0], $0xffff  }
0x27c: {  	v41 =	vsel vm1, $0x3F800000, v41;
	v52 =	vadd.s32 $0xB0, v51;
	v22 =	vld.idx.msk [tilespmem:v62+s2+$0x0], $0xffff  }
0x27d: {  	s26 =	smov.u32 s29;
	s29 =	sadd.s32 $0x400, s29;
	v47 =	vadd.s32 $0x160, v51;
	v23 =	vmax.f32 v1, v3;
	v16 =	vmax.f32 v56, v0;
	v20 =	vld.idx.msk [tilespmem:v4+s2+$0x0], $0xffff  }
0x27e: {  	_ =	sdelay $0x3  }
0x27f: {  	v0 =	vmax.f32 v18, v19;
	v2 =	vmax.f32 v22, v24;
	v1 =	vmax.f32 v20, v21  }
0x280: {  	v0 =	vmax.f32 v23, v0;
	v1 =	vmax.f32 v1, v2  }
0x281: {  	v0 =	vmax.f32 v0, v1  }
0x282: {  	v0 =	vmax.f32 v16, v0  }
0x283: {  	v0 =	vmax.f32 v5, v0  }
0x284: {  	v38 =	vmul.f32 $1.000000000e+01, v0  }
0x285: {  	v37 =	vld [tilespmem:s25+$0x0]  }
0x286: {  	v3 =	vld [tilespmem:$0x1FF70];
	v2 =	vtrunc.f32 v38  }
0x287: {  	v2 =	vcvt.f32.s32 v2;
	_ =	sdelay $0x1  }
0x288: {  	vm0 =	vlt.s32 v2, $0x9  }
0x289: {  	v1 =	vadd.s32 s26, v37;
	v2 =	vnsel vm0, $0x9, v2  }
0x28a: {  	v4 =	vlaneseq.u32;
	v1 =	vadd.s32 v3, v1;
	v2 =	vshll.u32 v2, $0x4  }
0x28b: {  	v2 =	vor.u32 v4, v2;
	v4 =	vld [tilespmem:$0x1FE50]  }
0x28c: {  	v3 =	vld.idx.msk [tilespmem:v42+s2+$0x0], $0xffff;
	_ =	sdelay $0x2  }
0x28d: {  	vm12 =	vgt.f32 v0, $0.0e+00;
	v1 =	vld.idx.msk [tilespmem:v1+s2+$0x0], $0xffff  }
0x28e: {  	[tilespmem:v51+s16+$0x0] =	vst.idx.add.f32.msk $0xffff, v61;
	v2 =	vsel vm12, v2, v4  }
0x28f: {  	vm13 =	veq.f32 v3, v39;
	[tilespmem:v34+s16+$0x0] =	vst.idx.add.f32.msk $0xffff, v41;
	v4 =	vadd.s32 $0xB0, v2  }
0x290: {  	v5 =	vsel vm13, $0x3F800000, v25;
	[tilespmem:v35+s16+$0x0] =	vst.idx.add.f32.msk $0xffff, v53;
	v3 =	vadd.s32 $0x160, v2  }
0x291: {  	p0 =	seq.s32 s23, $0x1F;
	[tilespmem:v52+s16+$0x0] =	vst.idx.add.f32.msk $0xffff, v5  }
0x292: {  	s24 =	sadd.s32 @!p0 s24, s7;
	vm14 =	veq.f32 v1, v0;
	[tilespmem:v47+s16+$0x0] =	vst.idx.add.f32.msk $0xffff, v39  }
0x293: {  	s25 =	sshll.u32 @!p0 s24, $0x2;
	v1 =	vsel vm14, $0x3F800000, v25;
	[tilespmem:v2+s16+$0x0] =	vst.idx.add.f32.msk $0xffff, v61  }
0x294: {  	s25 =	sand.u32 @!p0 $0x1FFFE000, s25;
	[tilespmem:v4+s16+$0x0] =	vst.idx.add.f32.msk $0xffff, v1  }
0x295: {  	s24 =	sshrl.u32 @!p0 s24, $0x3;
	s25 =	sadd.s32 @!p0 s4, s25;
	s26 =	simm.s32 @!p0 $0x0;
	[tilespmem:v3+s16+$0x0] =	vst.idx.add.f32.msk $0xffff, v0  }
0x296: {  	[tilespmem:s26], [sflag:$0x1] =	stream.linear.gather @!p0 [hbm4b:s25+s26], $0x8000, $0x38;
	[tilespmem:$0x10A80] =	vst v63  }
0x297: {  	s24 =	sadd.s32 @!p0 s1, s24;
	s25 =	simm.s32 @!p0 $0x10000  }
0x298: {  	[tilespmem:s25], [sflag:$0x3] =	stream.linear.gather @!p0 [hbm4b:s24+s26], $0x400, $0x38;
	[tilespmem:$0x10A80] =	vst v63  }
0x299: {  	_ =	swait.ge [sflag:s17], $0x8000  }
0x29a: {  	[sflag:s17] =	ssyncset.done $0x0  }
0x29b: {  	[sflag:s17] =	ssyncadd.s32 $0xFFFF8000  }
0x29c: {  	_ =	swait.ge [sflag:s18], $0x400  }
0x29d: {  	v62 =	vld [tilespmem:$0x1FF80]  }
0x29e: {  	v56 =	vld [tilespmem:$0x1FE60]  }
0x29f: {  	v41 =	vld [tilespmem:$0x1FE70]  }
0x2a0: {  	v37 =	vld [tilespmem:$0x1FE80]  }
0x2a1: {  	v58 =	vld [tilespmem:$0x1FE90]  }
0x2a2: {  	v54 =	vld [tilespmem:$0x1FEA0]  }
0x2a3: {  	v63 =	vld [tilespmem:$0x1FEB0]  }
0x2a4: {  	v21 =	vld [tilespmem:$0x1FEC0]  }
0x2a5: {  	v22 =	vld [tilespmem:$0x1FED0]  }
0x2a6: {  	v23 =	vld [tilespmem:$0x1FEE0]  }
0x2a7: {  	v24 =	vld [tilespmem:$0x1FEF0]  }
0x2a8: {  	v25 =	vld [tilespmem:$0x1FF00]  }
0x2a9: {  	s29 =	simm.s32 $0x0;
	v26 =	vld [tilespmem:$0x1FF10]  }
0x2aa: {  	v44 =	vor.u32 s29, v27;
	v52 =	vmov v27;
	v27 =	vld [tilespmem:$0x1FF20]  }
0x2ab: {  	v53 =	vmov v28;
	v3 =	vor.u32 s29, v28;
	v28 =	vld [tilespmem:$0x1FF30]  }
0x2ac: {  	v42 =	vor.u32 s29, v29;
	v29 =	vld [tilespmem:$0x1FF40]  }
0x2ad: {  	v43 =	vor.u32 s29, v30;
	v30 =	vld [tilespmem:$0x1FF50]  }
0x2ae: {  	v59 =	vmov v31;
	v4 =	vor.u32 s29, v31;
	v31 =	vld [tilespmem:$0x1FF60]  }
0x2af: {  	[sflag:s18] =	ssyncset.done $0x0;
	v47 =	vld [tilespmem:$0x1FDF0]  }
0x2b0: {  	v11 =	vor.u32 s29, v49;
	v49 =	vld [tilespmem:$0x1FE00];
	[sflag:s18] =	ssyncadd.s32 $0xFFFFFC00  }
0x2b1: {  	v5 =	vor.u32 s29, v32;
	v0 =	vld.idx.msk [tilespmem:v42+s12+$0x0], $0xffff  }
0x2b2: {  	v6 =	vor.u32 s29, v33;
	v1 =	vld.idx.msk [tilespmem:v43+s12+$0x0], $0xffff  }
0x2b3: {  	v7 =	vor.u32 s29, v57;
	v2 =	vld.idx.msk [tilespmem:v44+s12+$0x0], $0xffff  }
0x2b4: {  	v8 =	vor.u32 s29, v45;
	v3 =	vld.idx.msk [tilespmem:v3+s12+$0x0], $0xffff  }
0x2b5: {  	v9 =	vor.u32 s29, v48;
	v4 =	vld.idx.msk [tilespmem:v4+s12+$0x0], $0xffff  }
0x2b6: {  	v5 =	vld.idx.msk [tilespmem:v5+s12+$0x0], $0xffff  }
0x2b7: {  	v12 =	vor.u32 s29, v50;
	v6 =	vld.idx.msk [tilespmem:v6+s12+$0x0], $0xffff  }
0x2b8: {  	v13 =	vor.u32 s29, v60;
	v7 =	vld.idx.msk [tilespmem:v7+s12+$0x0], $0xffff  }
0x2b9: {  	v14 =	vor.u32 s29, v40;
	v8 =	vld.idx.msk [tilespmem:v8+s12+$0x0], $0xffff  }
0x2ba: {  	v9 =	vld.idx.msk [tilespmem:v9+s12+$0x0], $0xffff;
	v10 =	vor.u32 s29, v62  }
0x2bb: {  	v11 =	vld.idx.msk [tilespmem:v11+s12+$0x0], $0xffff;
	v15 =	vor.u32 s29, v56  }
0x2bc: {  	v12 =	vld.idx.msk [tilespmem:v12+s12+$0x0], $0xffff;
	v16 =	vor.u32 s29, v41  }
0x2bd: {  	v13 =	vld.idx.msk [tilespmem:v13+s12+$0x0], $0xffff;
	v17 =	vor.u32 s29, v37  }
0x2be: {  	v14 =	vld.idx.msk [tilespmem:v14+s12+$0x0], $0xffff;
	v18 =	vor.u32 s29, v58  }
0x2bf: {  	v19 =	vor.u32 s29, v54;
	v10 =	vld.idx.msk [tilespmem:v10+s12+$0x0], $0xffff  }
0x2c0: {  	v20 =	vor.u32 s29, v63;
	v15 =	vld.idx.msk [tilespmem:v15+s12+$0x0], $0xffff  }
0x2c1: {  	v21 =	vor.u32 s29, v21;
	v16 =	vld.idx.msk [tilespmem:v16+s12+$0x0], $0xffff  }
0x2c2: {  	v22 =	vor.u32 s29, v22;
	v17 =	vld.idx.msk [tilespmem:v17+s12+$0x0], $0xffff  }
0x2c3: {  	v23 =	vor.u32 s29, v23;
	v18 =	vld.idx.msk [tilespmem:v18+s12+$0x0], $0xffff  }
0x2c4: {  	v24 =	vor.u32 s29, v24;
	v19 =	vld.idx.msk [tilespmem:v19+s12+$0x0], $0xffff  }
0x2c5: {  	v25 =	vor.u32 s29, v25;
	v20 =	vld.idx.msk [tilespmem:v20+s12+$0x0], $0xffff  }
0x2c6: {  	s25 =	simm.s32 $0x200;
	v26 =	vor.u32 s29, v26;
	v21 =	vld.idx.msk [tilespmem:v21+s12+$0x0], $0xffff  }
0x2c7: {  	v55 =	vmov v32;
	v32 =	vor.u32 s25, v47;
	v22 =	vld.idx.msk [tilespmem:v22+s12+$0x0], $0xffff  }
0x2c8: {  	v27 =	vor.u32 s29, v27;
	v23 =	vld.idx.msk [tilespmem:v23+s12+$0x0], $0xffff  }
0x2c9: {  	v28 =	vor.u32 s29, v28;
	v24 =	vld.idx.msk [tilespmem:v24+s12+$0x0], $0xffff  }
0x2ca: {  	v29 =	vor.u32 s29, v29;
	v25 =	vld.idx.msk [tilespmem:v25+s12+$0x0], $0xffff  }
0x2cb: {  	v30 =	vor.u32 s29, v30;
	v26 =	vld.idx.msk [tilespmem:v26+s12+$0x0], $0xffff  }
0x2cc: {  	v31 =	vor.u32 s29, v31;
	v32 =	vld.idx.msk [tilespmem:v32+s12+$0x0], $0xffff  }
0x2cd: {  	v46 =	vmov v57;
	v57 =	vmov v33;
	v33 =	vor.u32 s25, v49;
	v27 =	vld.idx.msk [tilespmem:v27+s12+$0x0], $0xffff  }
0x2ce: {  	v28 =	vld.idx.msk [tilespmem:v28+s12+$0x0], $0xffff  }
0x2cf: {  	v29 =	vld.idx.msk [tilespmem:v29+s12+$0x0], $0xffff  }
0x2d0: {  	v30 =	vld.idx.msk [tilespmem:v30+s12+$0x0], $0xffff  }
0x2d1: {  	v38 =	vmov v46;
	v31 =	vld.idx.msk [tilespmem:v31+s12+$0x0], $0xffff;
	[tilespmem:$0x1F880] =	vst v32  }
0x2d2: {  	v44 =	vor.u32 s25, v38;
	v38 =	vmax.f32 v4, v5;
	v4 =	vld.idx.msk [tilespmem:v33+s12+$0x0], $0xffff  }
0x2d3: {  	v39 =	vor.u32 s25, v52;
	_ =	sdelay $0x3  }
0x2d4: {  	[tilespmem:$0x1F890] =	vst v4  }
0x2d5: {  	v0 =	vmax.f32 v0, v1;
	v1 =	vmax.f32 v2, v3;
	v3 =	vmax.f32 v6, v7;
	v7 =	vld.idx.msk [tilespmem:v39+s12+$0x0], $0xffff  }
0x2d6: {  	v35 =	vor.u32 s25, v53;
	_ =	sdelay $0x3  }
0x2d7: {  	[tilespmem:$0x1F8A0] =	vst v7  }
0x2d8: {  	v39 =	vld.idx.msk [tilespmem:v35+s12+$0x0], $0xffff  }
0x2d9: {  	v36 =	vor.u32 s25, v59;
	_ =	sdelay $0x3  }
0x2da: {  	[tilespmem:$0x1F8B0] =	vst v39  }
0x2db: {  	v33 =	vld.idx.msk [tilespmem:v36+s12+$0x0], $0xffff  }
0x2dc: {  	v42 =	vor.u32 s25, v55;
	_ =	sdelay $0x3  }
0x2dd: {  	[tilespmem:$0x1F8C0] =	vst v33  }
0x2de: {  	v4 =	vmax.f32 v8, v9;
	v8 =	vmax.f32 v16, v17;
	v16 =	vld.idx.msk [tilespmem:v42+s12+$0x0], $0xffff  }
0x2df: {  	v43 =	vor.u32 s25, v57;
	_ =	sdelay $0x3  }
0x2e0: {  	[tilespmem:$0x1F8D0] =	vst v16  }
0x2e1: {  	v38 =	vmax.f32 v38, v3;
	v3 =	vld.idx.msk [tilespmem:v43+s12+$0x0], $0xffff;
	_ =	sdelay $0x1  }
0x2e2: {  	v51 =	vld [tilespmem:$0x1FE20];
	_ =	sdelay $0x2  }
0x2e3: {  	v6 =	vmax.f32 v12, v13;
	v7 =	vmax.f32 v14, v15;
	[tilespmem:$0x1F8E0] =	vst v3  }
0x2e4: {  	v34 =	vmovc v45;
	v45 =	vor.u32 s25, v45;
	v46 =	vor.u32 s25, v48;
	v3 =	vmax.f32 v6, v7;
	v6 =	vld.idx.msk [tilespmem:v44+s12+$0x0], $0xffff  }
0x2e5: {  	v49 =	vor.u32 s25, v51;
	v51 =	vor.u32 s25, v50;
	v5 =	vmax.f32 v10, v11  }
0x2e6: {  	v48 =	vmax.f32 v20, v21;
	v50 =	vmax.f32 v22, v23;
	v32 =	vmax.f32 v24, v25  }
0x2e7: {  	v9 =	vmax.f32 v18, v19;
	v15 =	vmax.f32 v30, v31;
	v35 =	vmax.f32 v26, v27  }
0x2e8: {  	v39 =	vmax.f32 v4, v5;
	v4 =	vmax.f32 v8, v9;
	v36 =	vmax.f32 v28, v29  }
0x2e9: {  	v5 =	vmax.f32 v48, v50;
	v7 =	vmax.f32 v36, v15;
	[tilespmem:$0x1F8F0] =	vst v6;
	v6 =	vmax.f32 v32, v35  }
0x2ea: {  	v2 =	vmax.f32 v39, v3;
	v3 =	vmax.f32 v4, v5;
	v4 =	vmax.f32 v6, v7;
	v6 =	vld.idx.msk [tilespmem:v45+s12+$0x0], $0xffff;
	_ =	sdelay $0x3  }
0x2eb: {  	s24 =	simm.s32 $0x10410  }
0x2ec: {  	v42 =	vld [tilespmem:s24+$0xFFFFFFF0];
	[tilespmem:$0x1F900] =	vst v6  }
0x2ed: {  	v43 =	vmax.f32 v3, v4;
	v4 =	vld.idx.msk [tilespmem:v46+s12+$0x0], $0xffff  }
0x2ee: {  	v47 =	vor.u32 s25, v62;
	_ =	sdelay $0x3  }
0x2ef: {  	[tilespmem:$0x1F910] =	vst v4  }
0x2f0: {  	v4 =	vld.idx.msk [tilespmem:v47+s12+$0x0], $0xffff;
	_ =	sdelay $0x4  }
0x2f1: {  	[tilespmem:$0x1F920] =	vst v4  }
0x2f2: {  	v7 =	vld.idx.msk [tilespmem:v49+s12+$0x0], $0xffff;
	_ =	sdelay $0x4  }
0x2f3: {  	[tilespmem:$0x1F930] =	vst v7  }
0x2f4: {  	v45 =	vld.idx.msk [tilespmem:v51+s12+$0x0], $0xffff  }
0x2f5: {  	v5 =	vor.u32 s25, v60;
	_ =	sdelay $0x3  }
0x2f6: {  	[tilespmem:$0x1F940] =	vst v45  }
0x2f7: {  	v5 =	vld.idx.msk [tilespmem:v5+s12+$0x0], $0xffff  }
0x2f8: {  	v3 =	vor.u32 s25, v40;
	_ =	sdelay $0x3  }
0x2f9: {  	[tilespmem:$0x1F950] =	vst v5  }
0x2fa: {  	v3 =	vld.idx.msk [tilespmem:v3+s12+$0x0], $0xffff  }
0x2fb: {  	v44 =	vor.u32 s25, v56;
	_ =	sdelay $0x2  }
0x2fc: {  	v0 =	vmax.f32 v0, v1  }
0x2fd: {  	v0 =	vmax.f32 v0, v38;
	[tilespmem:$0x1F960] =	vst v3  }
0x2fe: {  	v0 =	vmax.f32 v0, v2;
	v2 =	vld.idx.msk [tilespmem:v44+s12+$0x0], $0xffff  }
0x2ff: {  	v6 =	vor.u32 s25, v41;
	_ =	sdelay $0x3  }
0x300: {  	[tilespmem:$0x1F970] =	vst v2  }
0x301: {  	v6 =	vld.idx.msk [tilespmem:v6+s12+$0x0], $0xffff  }
0x302: {  	v7 =	vor.u32 s25, v37  }
0x303: {  	v5 =	vld [tilespmem:$0x1FF70];
	_ =	sdelay $0x2  }
0x304: {  	[tilespmem:$0x1F980] =	vst v6  }
0x305: {  	v1 =	vadd.s32 s29, v42;
	v7 =	vld.idx.msk [tilespmem:v7+s12+$0x0], $0xffff  }
0x306: {  	v1 =	vadd.s32 v5, v1;
	v5 =	vor.u32 s25, v58;
	_ =	sdelay $0x3  }
0x307: {  	[tilespmem:$0x1F990] =	vst v7  }
0x308: {  	v5 =	vld.idx.msk [tilespmem:v5+s12+$0x0], $0xffff  }
0x309: {  	v3 =	vor.u32 s25, v54;
	_ =	sdelay $0x3  }
0x30a: {  	v1 =	vld.idx.msk [tilespmem:v1+s12+$0x0], $0xffff;
	[tilespmem:$0x1F9A0] =	vst v5  }
0x30b: {  	v3 =	vld.idx.msk [tilespmem:v3+s12+$0x0], $0xffff  }
0x30c: {  	v46 =	vor.u32 s25, v63  }
0x30d: {  	v0 =	vmax.f32 v0, v43;
	v51 =	vld [tilespmem:$0x1FEC0]  }
0x30e: {  	v4 =	vmul.f32 $1.000000000e+01, v0;
	_ =	sdelay $0x1  }
0x30f: {  	v4 =	vtrunc.f32 v4;
	[tilespmem:$0x1F9B0] =	vst v3  }
0x310: {  	v4 =	vcvt.f32.s32 v4;
	v2 =	vld.idx.msk [tilespmem:v46+s12+$0x0], $0xffff  }
0x311: {  	v6 =	vor.u32 s25, v51;
	v5 =	vld [tilespmem:$0x1FE50]  }
0x312: {  	v50 =	vld [tilespmem:$0x1FED0];
	vm15 =	vlt.s32 v4, $0x9  }
0x313: {  	v4 =	vnsel vm15, $0x9, v4  }
0x314: {  	v47 =	vlaneseq.u32;
	v4 =	vshll.u32 v4, $0x4  }
0x315: {  	vm4 =	vgt.f32 v0, $0.0e+00;
	v4 =	vor.u32 v47, v4;
	[tilespmem:$0x1F9C0] =	vst v2  }
0x316: {  	v4 =	vsel vm4, v4, v5;
	v5 =	vld.idx.msk [tilespmem:v6+s12+$0x0], $0xffff  }
0x317: {  	v7 =	vor.u32 s25, v50;
	_ =	sdelay $0x3  }
0x318: {  	[tilespmem:$0x1F9D0] =	vst v5  }
0x319: {  	v6 =	vld.idx.msk [tilespmem:v7+s12+$0x0], $0xffff;
	_ =	sdelay $0x2  }
0x31a: {  	v49 =	vld [tilespmem:$0x1FE00];
	_ =	sdelay $0x1  }
0x31b: {  	s30 =	simm.s32 $0x400;
	v5 =	vld [tilespmem:$0x1FDF0];
	[tilespmem:$0x1F9E0] =	vst v6  }
0x31c: {  	v3 =	vadd.s32 $0xB0, v4;
	v48 =	vadd.s32 $0x160, v4;
	[tilespmem:v4+s16+$0x0] =	vst.idx.add.f32.msk $0xffff, v61;
	v4 =	vor.u32 s30, v52;
	_ =	sdelay $0x1  }
0x31d: {  	vm5 =	veq.f32 v1, v0;
	v1 =	vor.u32 s30, v49;
	_ =	sdelay $0x2  }
0x31e: {  	v5 =	vor.u32 s30, v5;
	v60 =	vld.idx.msk [tilespmem:v4+s12+$0x0], $0xffff  }
0x31f: {  	v20 =	vmov v54;
	v54 =	vor.u32 s30, v59;
	v6 =	vimm.f32 $0.0e+00  }
0x320: {  	v6 =	vsel vm5, $0x3F800000, v6;
	v43 =	vld.idx.msk [tilespmem:v1+s12+$0x0], $0xffff  }
0x321: {  	[tilespmem:v3+s16+$0x0] =	vst.idx.add.f32.msk $0xffff, v6  }
0x322: {  	[tilespmem:v48+s16+$0x0] =	vst.idx.add.f32.msk $0xffff, v0  }
0x323: {  	v45 =	vld.idx.msk [tilespmem:v5+s12+$0x0], $0xffff;
	[tilespmem:$0x1F820] =	vst v60  }
0x324: {  	v3 =	vor.u32 s30, v53;
	v0 =	vld.idx.msk [tilespmem:v54+s12+$0x0], $0xffff  }
0x325: {  	v6 =	vor.u32 s30, v57;
	v32 =	vld [tilespmem:$0x1FE10]  }
0x326: {  	v46 =	vld [tilespmem:$0x1FE20]  }
0x327: {  	v48 =	vld [tilespmem:$0x1FE30]  }
0x328: {  	v2 =	vmov v55;
	v5 =	vor.u32 s30, v55;
	v55 =	vld [tilespmem:$0x1FE40]  }
0x329: {  	v42 =	vld.idx.msk [tilespmem:v3+s12+$0x0], $0xffff;
	[tilespmem:$0x1F830] =	vst v0  }
0x32a: {  	v44 =	vld.idx.msk [tilespmem:v6+s12+$0x0], $0xffff  }
0x32b: {  	v61 =	vor.u32 s30, v34;
	v4 =	vld [tilespmem:$0x1FF90]  }
0x32c: {  	v39 =	vld [tilespmem:$0x1FF10]  }
0x32d: {  	v38 =	vld [tilespmem:$0x1FF20]  }
0x32e: {  	v47 =	vor.u32 s30, v46;
	v46 =	vld [tilespmem:$0x1FF30]  }
0x32f: {  	v15 =	vmov v40;
	v40 =	vld.idx.msk [tilespmem:v5+s12+$0x0], $0xffff;
	[tilespmem:$0x1F840] =	vst v44  }
0x330: {  	v7 =	vor.u32 s30, v4;
	v54 =	vld.idx.msk [tilespmem:v61+s12+$0x0], $0xffff  }
0x331: {  	v33 =	vor.u32 s30, v32;
	v49 =	vor.u32 s30, v48;
	v48 =	vld [tilespmem:$0x1FE00]  }
0x332: {  	v1 =	vmov v34;
	v34 =	vor.u32 s30, v62;
	v3 =	vmov v62;
	v62 =	vld [tilespmem:$0x1FDF0]  }
0x333: {  	v16 =	vor.u32 s30, v41;
	v6 =	vmov v41;
	v41 =	vld [tilespmem:$0x1FEF0]  }
0x334: {  	v44 =	vld [tilespmem:$0x1FEE0]  }
0x335: {  	v18 =	vmov v37;
	v60 =	vor.u32 s30, v55;
	v37 =	vld.idx.msk [tilespmem:v7+s12+$0x0], $0xffff;
	[tilespmem:$0x1F850] =	vst v54  }
0x336: {  	v61 =	vor.u32 s30, v15;
	v9 =	vld.idx.msk [tilespmem:v33+s12+$0x0], $0xffff  }
0x337: {  	v10 =	vld.idx.msk [tilespmem:v34+s12+$0x0], $0xffff  }
0x338: {  	v17 =	vor.u32 s30, v18;
	v11 =	vld.idx.msk [tilespmem:v47+s12+$0x0], $0xffff  }
0x339: {  	v5 =	vmov v18;
	v18 =	vor.u32 s30, v58;
	v12 =	vld.idx.msk [tilespmem:v49+s12+$0x0], $0xffff  }
0x33a: {  	v19 =	vor.u32 s30, v20;
	v13 =	vld.idx.msk [tilespmem:v60+s12+$0x0], $0xffff  }
0x33b: {  	v7 =	vmov v20;
	v20 =	vor.u32 s30, v63;
	v14 =	vld.idx.msk [tilespmem:v61+s12+$0x0], $0xffff  }
0x33c: {  	v55 =	vld.idx.msk [tilespmem:v16+s12+$0x0], $0xffff  }
0x33d: {  	v21 =	vor.u32 s30, v51;
	v17 =	vld.idx.msk [tilespmem:v17+s12+$0x0], $0xffff  }
0x33e: {  	v22 =	vor.u32 s30, v50;
	v16 =	vld.idx.msk [tilespmem:v18+s12+$0x0], $0xffff  }
0x33f: {  	v24 =	vor.u32 s30, v41;
	v19 =	vld.idx.msk [tilespmem:v19+s12+$0x0], $0xffff  }
0x340: {  	v18 =	vld.idx.msk [tilespmem:v20+s12+$0x0], $0xffff  }
0x341: {  	v20 =	vld [tilespmem:$0x1FF00]  }
0x342: {  	v21 =	vld.idx.msk [tilespmem:v21+s12+$0x0], $0xffff  }
0x343: {  	v26 =	vor.u32 s30, v39;
	v22 =	vld.idx.msk [tilespmem:v22+s12+$0x0], $0xffff  }
0x344: {  	v35 =	vmov v52;
	v27 =	vor.u32 s30, v38;
	v52 =	vld.idx.msk [tilespmem:v24+s12+$0x0], $0xffff  }
0x345: {  	s29 =	simm.s32 $0x800;
	v28 =	vor.u32 s30, v46;
	v24 =	vld [tilespmem:$0x1FF40]  }
0x346: {  	v8 =	vmov v63;
	v63 =	vor.u32 s29, v62;
	v47 =	vld [tilespmem:$0x1FF50]  }
0x347: {  	v23 =	vor.u32 s30, v44;
	v49 =	vld [tilespmem:$0x1FF60]  }
0x348: {  	v54 =	vmov v15;
	v15 =	vor.u32 s30, v56;
	v26 =	vld.idx.msk [tilespmem:v26+s12+$0x0], $0xffff  }
0x349: {  	v27 =	vld.idx.msk [tilespmem:v27+s12+$0x0], $0xffff;
	v25 =	vor.u32 s30, v20  }
0x34a: {  	v28 =	vld.idx.msk [tilespmem:v28+s12+$0x0], $0xffff;
	v29 =	vor.u32 s30, v24  }
0x34b: {  	v63 =	vld.idx.msk [tilespmem:v63+s12+$0x0], $0xffff;
	v30 =	vor.u32 s30, v47  }
0x34c: {  	v23 =	vld.idx.msk [tilespmem:v23+s12+$0x0], $0xffff;
	v31 =	vor.u32 s30, v49  }
0x34d: {  	v34 =	vor.u32 s29, v35;
	v15 =	vld.idx.msk [tilespmem:v15+s12+$0x0], $0xffff  }
0x34e: {  	v25 =	vld.idx.msk [tilespmem:v25+s12+$0x0], $0xffff  }
0x34f: {  	v29 =	vld.idx.msk [tilespmem:v29+s12+$0x0], $0xffff  }
0x350: {  	v30 =	vld.idx.msk [tilespmem:v30+s12+$0x0], $0xffff  }
0x351: {  	v36 =	vmov v53;
	v53 =	vmov v58;
	v58 =	vor.u32 s29, v48;
	v31 =	vld.idx.msk [tilespmem:v31+s12+$0x0], $0xffff;
	[tilespmem:$0x1F860] =	vst v63  }
0x352: {  	v0 =	vld.idx.msk [tilespmem:v34+s12+$0x0], $0xffff  }
0x353: {  	v48 =	vmov v35;
	v35 =	vor.u32 s29, v36  }
0x354: {  	v32 =	vor.u32 s29, v4;
	v4 =	vld [tilespmem:$0x1FE40];
	v36 =	vor.u32 s29, v59  }
0x355: {  	v60 =	vor.u32 s29, v2;
	v33 =	vor.u32 s29, v1;
	v1 =	vor.u32 s29, v3;
	v3 =	vld [tilespmem:$0x1FE30]  }
0x356: {  	v61 =	vor.u32 s29, v57;
	v58 =	vld.idx.msk [tilespmem:v58+s12+$0x0], $0xffff  }
0x357: {  	v34 =	vld [tilespmem:$0x1FE10];
	[tilespmem:$0x1F870] =	vst v0  }
0x358: {  	v57 =	vld.idx.msk [tilespmem:v35+s12+$0x0], $0xffff  }
0x359: {  	v36 =	vld.idx.msk [tilespmem:v36+s12+$0x0], $0xffff  }
0x35a: {  	v3 =	vor.u32 s29, v3;
	v60 =	vld.idx.msk [tilespmem:v60+s12+$0x0], $0xffff  }
0x35b: {  	v4 =	vor.u32 s29, v4;
	v61 =	vld.idx.msk [tilespmem:v61+s12+$0x0], $0xffff  }
0x35c: {  	v35 =	vld [tilespmem:$0x1FE20]  }
0x35d: {  	v43 =	vmax.f32 v45, v43;
	v45 =	vor.u32 s29, v53;
	v62 =	vld.idx.msk [tilespmem:v32+s12+$0x0], $0xffff  }
0x35e: {  	v10 =	vmax.f32 v10, v11;
	v11 =	vor.u32 s29, v7;
	v63 =	vld.idx.msk [tilespmem:v33+s12+$0x0], $0xffff  }
0x35f: {  	v12 =	vmax.f32 v12, v13;
	v13 =	vmax.f32 v14, v15;
	v14 =	vor.u32 s29, v8;
	v32 =	vld.idx.msk [tilespmem:v3+s12+$0x0], $0xffff  }
0x360: {  	v15 =	vmax.f32 v55, v17;
	v17 =	vor.u32 s29, v51;
	v4 =	vld.idx.msk [tilespmem:v4+s12+$0x0], $0xffff  }
0x361: {  	v18 =	vmax.f32 v18, v21;
	v21 =	vor.u32 s29, v50;
	v3 =	vor.u32 s29, v5;
	v5 =	vld [tilespmem:$0x1F820]  }
0x362: {  	v16 =	vmax.f32 v16, v19;
	v19 =	vmax.f32 v22, v23;
	v45 =	vld.idx.msk [tilespmem:v45+s12+$0x0], $0xffff  }
0x363: {  	v15 =	vmax.f32 v15, v16;
	v16 =	vmax.f32 v18, v19;
	v18 =	vor.u32 s29, v38;
	v11 =	vld.idx.msk [tilespmem:v11+s12+$0x0], $0xffff  }
0x364: {  	v22 =	vmax.f32 v52, v25;
	v25 =	vor.u32 s29, v44;
	v14 =	vld.idx.msk [tilespmem:v14+s12+$0x0], $0xffff  }
0x365: {  	v23 =	vmax.f32 v26, v27;
	v27 =	vmax.f32 v30, v31;
	v31 =	vor.u32 s29, v20;
	v55 =	vld.idx.msk [tilespmem:v17+s12+$0x0], $0xffff  }
0x366: {  	v0 =	vor.u32 s29, v34;
	v17 =	vld.idx.msk [tilespmem:v21+s12+$0x0], $0xffff  }
0x367: {  	v42 =	vmax.f32 v5, v42;
	v5 =	vld [tilespmem:$0x1F830]  }
0x368: {  	v26 =	vmax.f32 v28, v29;
	v18 =	vld.idx.msk [tilespmem:v18+s12+$0x0], $0xffff  }
0x369: {  	v19 =	vmax.f32 v22, v23;
	v23 =	vor.u32 s29, v46;
	v21 =	vmax.f32 v26, v27;
	v22 =	vld.idx.msk [tilespmem:v25+s12+$0x0], $0xffff  }
0x36a: {  	v15 =	vmax.f32 v15, v16;
	v16 =	vmax.f32 v19, v21;
	v19 =	vld.idx.msk [tilespmem:v31+s12+$0x0], $0xffff  }
0x36b: {  	v34 =	vld.idx.msk [tilespmem:v0+s12+$0x0], $0xffff  }
0x36c: {  	s28 =	simm.s32 $0x10430;
	v40 =	vmax.f32 v5, v40;
	v5 =	vld [tilespmem:$0x1F840]  }
0x36d: {  	v26 =	vor.u32 s29, v24;
	v0 =	vor.u32 s29, v54;
	v54 =	vld [tilespmem:s28+$0xFFFFFFF0]  }
0x36e: {  	v15 =	vmax.f32 v15, v16;
	v16 =	vor.u32 s29, v49;
	v23 =	vld.idx.msk [tilespmem:v23+s12+$0x0], $0xffff  }
0x36f: {  	v2 =	vor.u32 s29, v35;
	v35 =	vld.idx.msk [tilespmem:v1+s12+$0x0], $0xffff  }
0x370: {  	v3 =	vld.idx.msk [tilespmem:v3+s12+$0x0], $0xffff  }
0x371: {  	v37 =	vmax.f32 v5, v37;
	v5 =	vld [tilespmem:$0x1F850]  }
0x372: {  	v1 =	vor.u32 s29, v56;
	v26 =	vld.idx.msk [tilespmem:v26+s12+$0x0], $0xffff  }
0x373: {  	v29 =	vmax.f32 v43, v42;
	v43 =	vor.u32 s29, v39;
	v16 =	vld.idx.msk [tilespmem:v16+s12+$0x0], $0xffff  }
0x374: {  	v33 =	vld.idx.msk [tilespmem:v2+s12+$0x0], $0xffff;
	v2 =	vor.u32 s29, v6;
	v30 =	vmax.f32 v40, v37  }
0x375: {  	v0 =	vld.idx.msk [tilespmem:v0+s12+$0x0], $0xffff;
	v25 =	vmax.f32 v29, v30;
	v29 =	vor.u32 s25, v41  }
0x376: {  	v9 =	vmax.f32 v5, v9;
	v5 =	vld [tilespmem:$0x1F860]  }
0x377: {  	v1 =	vld.idx.msk [tilespmem:v1+s12+$0x0], $0xffff  }
0x378: {  	v28 =	vor.u32 s29, v41;
	v52 =	vmax.f32 v12, v13;
	v13 =	vld.idx.msk [tilespmem:v43+s12+$0x0], $0xffff;
	v9 =	vmax.f32 v9, v10  }
0x379: {  	v21 =	vor.u32 s29, v47;
	v12 =	vmax.f32 v14, v55;
	v2 =	vld.idx.msk [tilespmem:v2+s12+$0x0], $0xffff;
	v9 =	vmax.f32 v9, v52  }
0x37a: {  	v7 =	vmax.f32 v63, v34;
	v55 =	vld.idx.msk [tilespmem:v29+s12+$0x0], $0xffff;
	v9 =	vmax.f32 v25, v9;
	v25 =	vor.u32 s25, v44  }
0x37b: {  	v50 =	vmax.f32 v35, v33;
	v9 =	vmax.f32 v9, v15;
	v15 =	vmax.f32 v5, v58;
	v5 =	vld [tilespmem:$0x1F870]  }
0x37c: {  	v32 =	vmax.f32 v32, v4;
	v4 =	vor.u32 s25, v39;
	v7 =	vmax.f32 v7, v50;
	v50 =	vld [tilespmem:$0x1FFE0]  }
0x37d: {  	v10 =	vld.idx.msk [tilespmem:v28+s12+$0x0], $0xffff  }
0x37e: {  	v28 =	vmax.f32 v36, v60;
	v60 =	vld [tilespmem:$0x1FF70]  }
0x37f: {  	v56 =	vmov v53;
	v53 =	vmov v51;
	v51 =	vmax.f32 v2, v3;
	v2 =	vld.idx.msk [tilespmem:v25+s12+$0x0], $0xffff  }
0x380: {  	v27 =	vmax.f32 v5, v57;
	v5 =	vld.idx.msk [tilespmem:v21+s12+$0x0], $0xffff;
	[tilespmem:$0x1F9F0] =	vst v55  }
0x381: {  	v3 =	vld.idx.msk [tilespmem:v4+s12+$0x0], $0xffff  }
0x382: {  	v31 =	vor.u32 s25, v20;
	v11 =	vmax.f32 v45, v11;
	v4 =	vld [tilespmem:$0x1FDF0]  }
0x383: {  	v11 =	vmax.f32 v51, v11;
	v51 =	vld [tilespmem:$0x1FFD0];
	v10 =	vmax.f32 v10, v19;
	v19 =	vor.u32 s25, v47  }
0x384: {  	v13 =	vmax.f32 v13, v18;
	v18 =	vor.u32 s25, v49;
	v37 =	vmov v44;
	v44 =	vld [tilespmem:$0x1FFF0]  }
0x385: {  	s31 =	simm.s32 $0x600;
	v17 =	vmax.f32 v17, v22;
	v58 =	vld [tilespmem:$0x1FFB0]  }
0x386: {  	v22 =	vadd.s32 s30, v54;
	v54 =	vmovc v48;
	v6 =	vor.u32 s25, v38;
	v57 =	vor.u32 s31, v48;
	v48 =	vld [tilespmem:$0x1FF90]  }
0x387: {  	v40 =	vmovc v20;
	v20 =	vor.u32 s25, v24;
	v21 =	vmax.f32 v0, v1;
	v1 =	vld.idx.msk [tilespmem:v31+s12+$0x0], $0xffff;
	v24 =	vor.u32 s31, v4  }
0x388: {  	v19 =	vld.idx.msk [tilespmem:v19+s12+$0x0], $0xffff  }
0x389: {  	v18 =	vld.idx.msk [tilespmem:v18+s12+$0x0], $0xffff  }
0x38a: {  	v16 =	vmax.f32 v5, v16;
	v5 =	vld [tilespmem:$0x1FE00]  }
0x38b: {  	v4 =	vld.idx.msk [tilespmem:v6+s12+$0x0], $0xffff  }
0x38c: {  	v12 =	vmax.f32 v12, v17;
	v23 =	vmax.f32 v23, v26;
	v52 =	vor.u32 s25, v46;
	v63 =	vld.idx.msk [tilespmem:v24+s12+$0x0], $0xffff  }
0x38d: {  	v30 =	vmax.f32 v61, v62;
	v6 =	vld.idx.msk [tilespmem:v20+s12+$0x0], $0xffff;
	v20 =	vmax.f32 v32, v21;
	v21 =	vor.u32 s31, v59  }
0x38e: {  	v26 =	vmax.f32 v28, v30;
	v15 =	vmax.f32 v15, v27;
	v27 =	vmul.f32 $1.000000000e+01, v9;
	v17 =	vld [tilespmem:s24+$0x0]  }
0x38f: {  	s24 =	simm.s32 $0x10450;
	v15 =	vmax.f32 v15, v26;
	v26 =	vld [tilespmem:$0x1FE10]  }
0x390: {  	v27 =	vtrunc.f32 v27;
	v61 =	vmax.f32 v23, v16;
	v16 =	vld [tilespmem:s24+$0xFFFFFFF0];
	v25 =	vor.u32 s31, v5  }
0x391: {  	v33 =	vor.u32 s31, v50;
	v27 =	vcvt.f32.s32 v27;
	v5 =	vld.idx.msk [tilespmem:v52+s12+$0x0], $0xffff;
	[tilespmem:$0x1FA00] =	vst v63  }
0x392: {  	v11 =	vmax.f32 v11, v12;
	v29 =	vlaneseq.u32;
	v8 =	vor.u32 s31, v58;
	v34 =	vld.idx.msk [tilespmem:v21+s12+$0x0], $0xffff  }
0x393: {  	v22 =	vadd.s32 v60, v22;
	v10 =	vmax.f32 v10, v13;
	vm6 =	vlt.s32 v27, $0x9;
	v52 =	vld [tilespmem:$0x1FF80]  }
0x394: {  	v32 =	vor.u32 s31, v51;
	v7 =	vmax.f32 v7, v20;
	v10 =	vmax.f32 v10, v61;
	v21 =	vld [tilespmem:$0x1FE50]  }
0x395: {  	v23 =	vor.u32 s31, v48;
	v7 =	vmax.f32 v15, v7;
	v10 =	vmax.f32 v11, v10;
	v12 =	vld.idx.msk [tilespmem:v25+s12+$0x0], $0xffff  }
0x396: {  	v15 =	vnsel vm6, $0x9, v27;
	v7 =	vmax.f32 v7, v10;
	v16 =	vadd.s32 s29, v16;
	v14 =	vld.idx.msk [tilespmem:v57+s12+$0x0], $0xffff  }
0x397: {  	v15 =	vshll.u32 v15, $0x4;
	v20 =	vmul.f32 $1.000000000e+01, v7;
	v16 =	vadd.s32 v60, v16;
	v13 =	vld.idx.msk [tilespmem:v8+s12+$0x0], $0xffff;
	[tilespmem:$0x1FA10] =	vst v34  }
0x398: {  	vm7 =	vgt.f32 v9, $0.0e+00;
	v15 =	vor.u32 v29, v15;
	v24 =	vor.u32 s31, v44;
	v22 =	vld.idx.msk [tilespmem:v22+s12+$0x0], $0xffff  }
0x399: {  	v20 =	vtrunc.f32 v20;
	v15 =	vsel vm7, v15, v21;
	v11 =	vld.idx.msk [tilespmem:v32+s12+$0x0], $0xffff  }
0x39a: {  	v26 =	vor.u32 s31, v26;
	v20 =	vcvt.f32.s32 v20;
	v63 =	vld.idx.msk [tilespmem:v33+s12+$0x0], $0xffff  }
0x39b: {  	v27 =	vor.u32 s31, v52;
	v10 =	vld.idx.msk [tilespmem:v23+s12+$0x0], $0xffff  }
0x39c: {  	vm8 =	vlt.s32 v20, $0x9;
	v25 =	vadd.s32 $0xB0, v15;
	v16 =	vld.idx.msk [tilespmem:v16+s12+$0x0], $0xffff  }
0x39d: {  	v62 =	vimm.f32 $1.000000000e+00;
	v20 =	vnsel vm8, $0x9, v20;
	v23 =	vld.idx.msk [tilespmem:v24+s12+$0x0], $0xffff  }
0x39e: {  	vm1 =	vgt.f32 v7, $0.0e+00;
	v28 =	vadd.s32 $0x160, v15;
	[tilespmem:v15+s16+$0x0] =	vst.idx.add.f32.msk $0xffff, v62;
	v15 =	vshll.u32 v20, $0x4  }
0x39f: {  	v20 =	vld.idx.msk [tilespmem:v26+s12+$0x0], $0xffff;
	vm9 =	veq.f32 v22, v9;
	v15 =	vor.u32 v29, v15;
	v22 =	vimm.f32 $0.0e+00  }
0x3a0: {  	v22 =	vsel vm9, $0x3F800000, v22;
	v15 =	vsel vm1, v15, v21;
	v21 =	vld.idx.msk [tilespmem:v27+s12+$0x0], $0xffff  }
0x3a1: {  	[tilespmem:v25+s16+$0x0] =	vst.idx.add.f32.msk $0xffff, v22  }
0x3a2: {  	v24 =	vld [tilespmem:$0x1FE20]  }
0x3a3: {  	v22 =	vadd.s32 $0xB0, v15;
	[tilespmem:v28+s16+$0x0] =	vst.idx.add.f32.msk $0xffff, v9  }
0x3a4: {  	v26 =	vld [tilespmem:$0x1FE30]  }
0x3a5: {  	vm10 =	veq.f32 v16, v7;
	v16 =	vld [tilespmem:$0x1FE40]  }
0x3a6: {  	v35 =	vadd.s32 $0x160, v15;
	v28 =	vimm.f32 $0.0e+00;
	[tilespmem:v15+s16+$0x0] =	vst.idx.add.f32.msk $0xffff, v62  }
0x3a7: {  	v28 =	vsel vm10, $0x3F800000, v28;
	v25 =	vld [tilespmem:$0x1FDE0]  }
0x3a8: {  	[tilespmem:v22+s16+$0x0] =	vst.idx.add.f32.msk $0xffff, v28  }
0x3a9: {  	v47 =	vld [tilespmem:$0x1FE60]  }
0x3aa: {  	v55 =	vld [tilespmem:$0x1FE70]  }
0x3ab: {  	[tilespmem:v35+s16+$0x0] =	vst.idx.add.f32.msk $0xffff, v7  }
0x3ac: {  	v58 =	vld [tilespmem:$0x1FE80]  }
0x3ad: {  	v29 =	vld [tilespmem:$0x1F880]  }
0x3ae: {  	v30 =	vld [tilespmem:$0x1F890]  }
0x3af: {  	v31 =	vld [tilespmem:$0x1F8B0]  }
0x3b0: {  	v59 =	vld [tilespmem:$0x1FEA0]  }
0x3b1: {  	v36 =	vld [tilespmem:$0x1F8C0]  }
0x3b2: {  	v0 =	vmov v38;
	v38 =	vld [tilespmem:$0x1F8D0]  }
0x3b3: {  	v42 =	vmov v41;
	v41 =	vmov v39;
	v39 =	vld [tilespmem:$0x1F8E0]  }
0x3b4: {  	v43 =	vld [tilespmem:$0x1F8F0]  }
0x3b5: {  	v57 =	vld [tilespmem:$0x1FEB0]  }
0x3b6: {  	v45 =	vmov v46;
	v46 =	vld [tilespmem:$0x1F900]  }
0x3b7: {  	v24 =	vor.u32 s31, v24;
	v49 =	vld [tilespmem:$0x1F910]  }
0x3b8: {  	v8 =	vmov v60;
	v26 =	vor.u32 s31, v26;
	v60 =	vld [tilespmem:$0x1F920]  }
0x3b9: {  	v61 =	vld [tilespmem:$0x1F930]  }
0x3ba: {  	v16 =	vor.u32 s31, v16;
	v27 =	vld [tilespmem:$0x1FED0]  }
0x3bb: {  	v20 =	vmax.f32 v23, v20;
	v23 =	vld [tilespmem:$0x1FFC0]  }
0x3bc: {  	v24 =	vld.idx.msk [tilespmem:v24+s12+$0x0], $0xffff  }
0x3bd: {  	v9 =	vld.idx.msk [tilespmem:v26+s12+$0x0], $0xffff  }
0x3be: {  	v29 =	vmax.f32 v29, v30;
	v30 =	vld [tilespmem:$0x1F8A0]  }
0x3bf: {  	v16 =	vld.idx.msk [tilespmem:v16+s12+$0x0], $0xffff  }
0x3c0: {  	v33 =	vmax.f32 v39, v43;
	v43 =	vld [tilespmem:$0x1F940]  }
0x3c1: {  	v15 =	vor.u32 s31, v25;
	v35 =	vmax.f32 v60, v61;
	v60 =	vld [tilespmem:$0x1F960]  }
0x3c2: {  	v22 =	vor.u32 s31, v47;
	v28 =	vor.u32 s31, v55;
	v7 =	vor.u32 s31, v58;
	v61 =	vld [tilespmem:$0x1F970]  }
0x3c3: {  	v32 =	vmax.f32 v36, v38;
	v38 =	vor.u32 s31, v42;
	v42 =	vld [tilespmem:$0x1F980];
	v30 =	vmax.f32 v30, v31  }
0x3c4: {  	v29 =	vmax.f32 v29, v30;
	v30 =	vmax.f32 v32, v33;
	v33 =	vmax.f32 v46, v49;
	v49 =	vld [tilespmem:$0x1F950]  }
0x3c5: {  	v39 =	vor.u32 s31, v40;
	v40 =	vor.u32 s31, v41;
	v41 =	vld [tilespmem:$0x1F9C0]  }
0x3c6: {  	v15 =	vld.idx.msk [tilespmem:v15+s12+$0x0], $0xffff  }
0x3c7: {  	v26 =	vor.u32 s31, v56;
	v34 =	vor.u32 s31, v57;
	v22 =	vld.idx.msk [tilespmem:v22+s12+$0x0], $0xffff  }
0x3c8: {  	v36 =	vor.u32 s31, v27;
	v28 =	vld.idx.msk [tilespmem:v28+s12+$0x0], $0xffff;
	v29 =	vmax.f32 v29, v30;
	v30 =	vmax.f32 v33, v35  }
0x3c9: {  	v7 =	vld.idx.msk [tilespmem:v7+s12+$0x0], $0xffff;
	v33 =	vor.u32 s31, v37;
	v37 =	vmax.f32 v60, v61;
	v35 =	vmax.f32 v43, v49  }
0x3ca: {  	v61 =	vld [tilespmem:$0x1F9B0];
	v35 =	vmax.f32 v35, v37  }
0x3cb: {  	v30 =	vmax.f32 v30, v35;
	v35 =	vld [tilespmem:$0x1F9A0]  }
0x3cc: {  	v26 =	vld.idx.msk [tilespmem:v26+s12+$0x0], $0xffff  }
0x3cd: {  	v34 =	vld.idx.msk [tilespmem:v34+s12+$0x0], $0xffff  }
0x3ce: {  	v36 =	vld.idx.msk [tilespmem:v36+s12+$0x0], $0xffff  }
0x3cf: {  	v5 =	vmax.f32 v5, v6;
	v6 =	vmax.f32 v19, v18;
	v31 =	vor.u32 s31, v59;
	v19 =	vld.idx.msk [tilespmem:v39+s12+$0x0], $0xffff  }
0x3d0: {  	v35 =	vmax.f32 v35, v61;
	v61 =	vld [tilespmem:$0x1F9D0]  }
0x3d1: {  	v39 =	vld [tilespmem:$0x1FF60]  }
0x3d2: {  	v46 =	vld [tilespmem:$0x1FE10]  }
0x3d3: {  	v32 =	vor.u32 s31, v53;
	v60 =	vld [tilespmem:$0x1F990]  }
0x3d4: {  	v31 =	vld.idx.msk [tilespmem:v31+s12+$0x0], $0xffff  }
0x3d5: {  	v41 =	vmax.f32 v41, v61;
	v61 =	vld [tilespmem:$0x1F9E0]  }
0x3d6: {  	v49 =	vld [tilespmem:$0x1FE20]  }
0x3d7: {  	v43 =	vld [tilespmem:$0x1FE30]  }
0x3d8: {  	v32 =	vld.idx.msk [tilespmem:v32+s12+$0x0], $0xffff  }
0x3d9: {  	v37 =	vmax.f32 v42, v60;
	v60 =	vld [tilespmem:$0x1FE40]  }
0x3da: {  	v2 =	vmax.f32 v61, v2;
	v61 =	vmax.f32 v3, v4;
	v4 =	vld.idx.msk [tilespmem:v38+s12+$0x0], $0xffff  }
0x3db: {  	v2 =	vmax.f32 v41, v2;
	v41 =	vld [tilespmem:$0x1F9F0]  }
0x3dc: {  	v35 =	vmax.f32 v37, v35;
	v38 =	vld [tilespmem:$0x1FF50]  }
0x3dd: {  	v2 =	vmax.f32 v35, v2;
	v35 =	vld [tilespmem:$0x1FA00]  }
0x3de: {  	v42 =	vor.u32 s31, v0;
	v33 =	vld.idx.msk [tilespmem:v33+s12+$0x0], $0xffff  }
0x3df: {  	v29 =	vmax.f32 v29, v30;
	v30 =	vld [tilespmem:$0x1FE00];
	v37 =	vor.u32 s31, v45  }
0x3e0: {  	v0 =	vmax.f32 v41, v1;
	v41 =	vld [tilespmem:$0x1FF40]  }
0x3e1: {  	v0 =	vmax.f32 v0, v61;
	v61 =	vmax.f32 v5, v6;
	v6 =	vld.idx.msk [tilespmem:v40+s12+$0x0], $0xffff  }
0x3e2: {  	v21 =	vmax.f32 v21, v24;
	v18 =	vor.u32 s31, v38;
	v12 =	vmax.f32 v35, v12;
	v35 =	vld [tilespmem:$0x1FFB0]  }
0x3e3: {  	v5 =	vor.u32 s31, v39;
	v0 =	vmax.f32 v0, v61;
	v61 =	vadd.s32 s25, v17;
	v17 =	vld.idx.msk [tilespmem:v42+s12+$0x0], $0xffff  }
0x3e4: {  	v40 =	vmax.f32 v14, v13;
	s25 =	simm.s32 $0xA00;
	v0 =	vmax.f32 v2, v0;
	v1 =	vadd.s32 v8, v61;
	v2 =	vld.idx.msk [tilespmem:v37+s12+$0x0], $0xffff  }
0x3e5: {  	v42 =	vmovc v8;
	v8 =	vmax.f32 v12, v40;
	v40 =	vmax.f32 v20, v21;
	v21 =	vor.u32 s25, v44;
	v44 =	vld [tilespmem:$0x1FEE0]  }
0x3e6: {  	v14 =	vor.u32 s25, v30;
	v61 =	vmax.f32 v29, v0;
	v29 =	vld [tilespmem:$0x1FDF0]  }
0x3e7: {  	v23 =	vor.u32 s25, v23;
	v13 =	vld.idx.msk [tilespmem:v18+s12+$0x0], $0xffff  }
0x3e8: {  	v20 =	vor.u32 s25, v51;
	v18 =	vld [tilespmem:$0x1FA10]  }
0x3e9: {  	v9 =	vmax.f32 v9, v16;
	v15 =	vmax.f32 v15, v22;
	v16 =	vor.u32 s25, v50;
	v5 =	vld.idx.msk [tilespmem:v5+s12+$0x0], $0xffff  }
0x3ea: {  	v9 =	vmax.f32 v9, v15;
	v15 =	vor.u32 s25, v48;
	v1 =	vld.idx.msk [tilespmem:v1+s12+$0x0], $0xffff  }
0x3eb: {  	v14 =	vld.idx.msk [tilespmem:v14+s12+$0x0], $0xffff  }
0x3ec: {  	v24 =	vor.u32 s25, v52;
	v51 =	vld.idx.msk [tilespmem:v23+s12+$0x0], $0xffff  }
0x3ed: {  	v3 =	vor.u32 s31, v41;
	v20 =	vld.idx.msk [tilespmem:v20+s12+$0x0], $0xffff  }
0x3ee: {  	v4 =	vmax.f32 v4, v19;
	v19 =	vor.u32 s25, v49;
	v16 =	vld.idx.msk [tilespmem:v16+s12+$0x0], $0xffff  }
0x3ef: {  	v6 =	vmax.f32 v6, v17;
	v15 =	vld.idx.msk [tilespmem:v15+s12+$0x0], $0xffff  }
0x3f0: {  	v10 =	vmax.f32 v63, v10;
	v4 =	vmax.f32 v4, v6;
	v6 =	vld.idx.msk [tilespmem:v21+s12+$0x0], $0xffff  }
0x3f1: {  	v7 =	vmax.f32 v28, v7;
	v22 =	vmax.f32 v34, v32;
	v12 =	vor.u32 s25, v35;
	v21 =	vld.idx.msk [tilespmem:v24+s12+$0x0], $0xffff  }
0x3f2: {  	v48 =	vmax.f32 v26, v31;
	v50 =	vor.u32 s25, v46;
	v63 =	vor.u32 s25, v60;
	v0 =	vld.idx.msk [tilespmem:v3+s12+$0x0], $0xffff  }
0x3f3: {  	v7 =	vmax.f32 v7, v48;
	v23 =	vmax.f32 v36, v33;
	v19 =	vld.idx.msk [tilespmem:v19+s12+$0x0], $0xffff;
	v11 =	vmax.f32 v18, v11  }
0x3f4: {  	v18 =	vor.u32 s25, v54;
	v22 =	vmax.f32 v22, v23;
	v10 =	vmax.f32 v11, v10;
	v11 =	vld [tilespmem:s28+$0x0]  }
0x3f5: {  	v9 =	vmax.f32 v40, v9;
	v3 =	vor.u32 s25, v29;
	v7 =	vmax.f32 v7, v22;
	v22 =	vld [tilespmem:$0x1FE50]  }
0x3f6: {  	v54 =	vmovc v52;
	v52 =	vor.u32 s25, v43;
	v8 =	vmax.f32 v8, v10;
	v12 =	vld.idx.msk [tilespmem:v12+s12+$0x0], $0xffff;
	v5 =	vmax.f32 v13, v5  }
0x3f7: {  	v13 =	vld.idx.msk [tilespmem:v63+s12+$0x0], $0xffff;
	v15 =	vmax.f32 v16, v15;
	v16 =	vor.u32 s25, v57;
	v0 =	vmax.f32 v2, v0  }
0x3f8: {  	v8 =	vmax.f32 v8, v9;
	v9 =	vld.idx.msk [tilespmem:v50+s12+$0x0], $0xffff;
	v0 =	vmax.f32 v0, v5;
	v5 =	vor.u32 s25, v25  }
0x3f9: {  	v17 =	vmul.f32 $1.000000000e+01, v61;
	v18 =	vld.idx.msk [tilespmem:v18+s12+$0x0], $0xffff;
	v0 =	vmax.f32 v4, v0;
	v4 =	vor.u32 s25, v47  }
0x3fa: {  	v32 =	vor.u32 s25, v58;
	v3 =	vld.idx.msk [tilespmem:v3+s12+$0x0], $0xffff  }
0x3fb: {  	v34 =	vor.u32 s25, v56;
	v17 =	vtrunc.f32 v17;
	v2 =	vld.idx.msk [tilespmem:v52+s12+$0x0], $0xffff  }
0x3fc: {  	vm12 =	vgt.f32 v61, $0.0e+00;
	v17 =	vcvt.f32.s32 v17;
	v16 =	vld.idx.msk [tilespmem:v16+s12+$0x0], $0xffff  }
0x3fd: {  	v36 =	vor.u32 s25, v59;
	v0 =	vmax.f32 v7, v0;
	v7 =	vor.u32 s25, v55;
	v5 =	vld.idx.msk [tilespmem:v5+s12+$0x0], $0xffff  }
0x3fe: {  	v37 =	vmovc v43;
	v43 =	vor.u32 s25, v53;
	vm11 =	vlt.s32 v17, $0x9;
	v10 =	vmax.f32 v51, v20;
	v4 =	vld.idx.msk [tilespmem:v4+s12+$0x0], $0xffff  }
0x3ff: {  	v17 =	vnsel vm11, $0x9, v17;
	v20 =	vlaneseq.u32;
	v40 =	vmax.f32 v8, v0;
	v0 =	vld.idx.msk [tilespmem:v32+s12+$0x0], $0xffff  }
0x400: {  	v17 =	vshll.u32 v17, $0x4;
	v10 =	vmax.f32 v10, v15;
	v33 =	vmax.f32 v18, v12;
	v12 =	vld.idx.msk [tilespmem:v34+s12+$0x0], $0xffff  }
0x401: {  	v15 =	vor.u32 s25, v27;
	v17 =	vor.u32 v20, v17;
	v6 =	vmax.f32 v6, v9;
	v18 =	vld [tilespmem:$0x1FEF0]  }
0x402: {  	v47 =	vsel vm12, v17, v22;
	v17 =	vmax.f32 v21, v19;
	v3 =	vmax.f32 v3, v14;
	v7 =	vld.idx.msk [tilespmem:v7+s12+$0x0], $0xffff  }
0x403: {  	v2 =	vmax.f32 v2, v13;
	v3 =	vmax.f32 v3, v33;
	v4 =	vmax.f32 v5, v4;
	v5 =	vld [tilespmem:$0x1FF00]  }
0x404: {  	v3 =	vmax.f32 v3, v10;
	v10 =	vor.u32 s25, v44;
	v2 =	vmax.f32 v2, v4;
	v4 =	vld [tilespmem:$0x1FF10]  }
0x405: {  	v6 =	vmax.f32 v6, v17;
	v14 =	vld.idx.msk [tilespmem:v36+s12+$0x0], $0xffff  }
0x406: {  	v18 =	vor.u32 s25, v18;
	v2 =	vmax.f32 v6, v2;
	v6 =	vld [tilespmem:$0x1FF20]  }
0x407: {  	v8 =	vld.idx.msk [tilespmem:v43+s12+$0x0], $0xffff;
	v17 =	vmul.f32 $1.000000000e+01, v40;
	v0 =	vmax.f32 v7, v0;
	v7 =	vor.u32 s25, v41  }
0x408: {  	v15 =	vld.idx.msk [tilespmem:v15+s12+$0x0], $0xffff;
	v55 =	vor.u32 s25, v5  }
0x409: {  	v56 =	vor.u32 s25, v45;
	v10 =	vld.idx.msk [tilespmem:v10+s12+$0x0], $0xffff;
	v5 =	vtrunc.f32 v17;
	v4 =	vor.u32 s25, v4  }
0x40a: {  	v35 =	vimm.f32 $0.0e+00;
	vm15 =	veq.f32 v1, v61;
	[tilespmem:v47+s16+$0x0] =	vst.idx.add.f32.msk $0xffff, v62;
	v17 =	vcvt.f32.s32 v5  }
0x40b: {  	v57 =	vld.idx.msk [tilespmem:v18+s12+$0x0], $0xffff;
	v5 =	vmax.f32 v3, v2;
	v3 =	vmax.f32 v12, v14;
	v6 =	vor.u32 s25, v6  }
0x40c: {  	v21 =	vld.idx.msk [tilespmem:v7+s12+$0x0], $0xffff;
	v0 =	vmax.f32 v0, v3;
	v3 =	vor.u32 s25, v38;
	vm13 =	vlt.s32 v17, $0x9  }
0x40d: {  	v63 =	vadd.s32 s31, v11;
	v58 =	vnsel vm13, $0x9, v17;
	v17 =	vor.u32 s25, v39;
	v13 =	vld.idx.msk [tilespmem:v55+s12+$0x0], $0xffff  }
0x40e: {  	v48 =	vmovc v42;
	v42 =	vadd.s32 v42, v63;
	vm14 =	vgt.f32 v40, $0.0e+00;
	v14 =	vshll.u32 v58, $0x4;
	v18 =	vld.idx.msk [tilespmem:v4+s12+$0x0], $0xffff  }
0x40f: {  	v8 =	vmax.f32 v16, v8;
	v4 =	vmax.f32 v15, v10;
	v59 =	vor.u32 v20, v14;
	v20 =	vld.idx.msk [tilespmem:v56+s12+$0x0], $0xffff  }
0x410: {  	v41 =	vsel vm15, $0x3F800000, v35;
	v38 =	vadd.s32 $0xB0, v47;
	v19 =	vld.idx.msk [tilespmem:v6+s12+$0x0], $0xffff;
	v4 =	vmax.f32 v8, v4  }
0x411: {  	v39 =	vadd.s32 $0x160, v47;
	v51 =	vsel vm14, v59, v22;
	v22 =	vld.idx.msk [tilespmem:v3+s12+$0x0], $0xffff;
	v16 =	vmax.f32 v0, v4  }
0x412: {  	s26 =	simm.s32 $0x4;
	s28 =	simm.s32 $0xE00;
	v52 =	vadd.s32 $0xB0, v51;
	v50 =	vadd.s32 $0x160, v51;
	v24 =	vld.idx.msk [tilespmem:v17+s12+$0x0], $0xffff;
	v23 =	vmax.f32 v57, v13  }
.LBB2_5:
0x413: {  	v1 =	vld [tilespmem:$0x1FFA0]  }
0x414: {  	v25 =	vld [tilespmem:s24+$0x0]  }
0x415: {  	v2 =	vld [tilespmem:$0x1FFB0]  }
0x416: {  	v3 =	vld [tilespmem:$0x1FFC0]  }
0x417: {  	v26 =	vld.idx.msk [tilespmem:v42+s12+$0x0], $0xffff  }
0x418: {  	v4 =	vld [tilespmem:$0x1FFD0]  }
0x419: {  	[tilespmem:v51+s16+$0x0] =	vst.idx.add.f32.msk $0xffff, v62  }
0x41a: {  	v31 =	vld [tilespmem:$0x1FF90]  }
0x41b: {  	v32 =	vld [tilespmem:$0x1FFF0]  }
0x41c: {  	v42 =	vld [tilespmem:$0x1FDE0]  }
0x41d: {  	v51 =	vld [tilespmem:$0x1FEA0]  }
0x41e: {  	v35 =	vld [tilespmem:$0x1FF10]  }
0x41f: {  	v47 =	vld [tilespmem:$0x1FF30]  }
0x420: {  	[tilespmem:v38+s16+$0x0] =	vst.idx.add.f32.msk $0xffff, v41  }
0x421: {  	s29 =	sadd.s32 $0xFFFFFE00, s28;
	v38 =	vmov v52;
	v52 =	vld [tilespmem:$0x1FEB0]  }
0x422: {  	v58 =	vor.u32 s28, v54;
	v6 =	vmov v54;
	v34 =	vor.u32 s29, v54;
	v54 =	vld [tilespmem:$0x1FEE0]  }
0x423: {  	[tilespmem:v39+s16+$0x0] =	vst.idx.add.f32.msk $0xffff, v61  }
0x424: {  	v13 =	vor.u32 s28, v30;
	v15 =	vor.u32 s29, v30;
	v30 =	vld [tilespmem:$0x1FFE0]  }
0x425: {  	v55 =	vor.u32 s28, v46;
	v33 =	vor.u32 s29, v46;
	v46 =	vld [tilespmem:$0x1FEC0]  }
0x426: {  	v45 =	vor.u32 s28, v49;
	v36 =	vor.u32 s29, v49;
	v49 =	vld [tilespmem:$0x1FF00]  }
0x427: {  	v61 =	vmovc v40;
	v0 =	vor.u32 s28, v29;
	v59 =	vor.u32 s28, v37;
	v40 =	vor.u32 s29, v37;
	v37 =	vld [tilespmem:$0x1FF20]  }
0x428: {  	v14 =	vor.u32 s29, v29;
	v12 =	vor.u32 s28, v1;
	v17 =	vor.u32 s29, v1;
	v1 =	vld [tilespmem:$0x1FE70]  }
0x429: {  	v11 =	vor.u32 s28, v2;
	v27 =	vor.u32 s29, v2;
	v53 =	vor.u32 s28, v42;
	v2 =	vld [tilespmem:$0x1FE80]  }
0x42a: {  	[tilespmem:$0x1F710] =	vst v53;
	v53 =	vld [tilespmem:$0x1FEF0]  }
0x42b: {  	v18 =	vmax.f32 v18, v19;
	v19 =	vld.idx.msk [tilespmem:v34+s12+$0x0], $0xffff  }
0x42c: {  	v44 =	vld.idx.msk [tilespmem:v0+s12+$0x0], $0xffff  }
0x42d: {  	v14 =	vld.idx.msk [tilespmem:v14+s12+$0x0], $0xffff  }
0x42e: {  	v41 =	vor.u32 s29, v60;
	v15 =	vld.idx.msk [tilespmem:v15+s12+$0x0], $0xffff  }
0x42f: {  	v0 =	vld [tilespmem:$0x1FE60]  }
0x430: {  	v33 =	vld.idx.msk [tilespmem:v33+s12+$0x0], $0xffff  }
0x431: {  	v20 =	vmax.f32 v20, v21;
	v21 =	vmax.f32 v22, v24;
	v10 =	vor.u32 s28, v3;
	v22 =	vld.idx.msk [tilespmem:v36+s12+$0x0], $0xffff  }
0x432: {  	v28 =	vor.u32 s29, v3;
	v18 =	vmax.f32 v23, v18;
	v20 =	vmax.f32 v20, v21;
	v21 =	vld.idx.msk [tilespmem:v40+s12+$0x0], $0xffff  }
0x433: {  	v18 =	vmax.f32 v18, v20;
	v20 =	vadd.s32 s25, v25;
	v25 =	vld.idx.msk [tilespmem:v41+s12+$0x0], $0xffff;
	v3 =	vor.u32 s28, v2  }
0x434: {  	[tilespmem:$0x1F730] =	vst v3;
	v3 =	vld [tilespmem:$0x1FE90]  }
0x435: {  	v13 =	vld.idx.msk [tilespmem:v13+s12+$0x0], $0xffff  }
0x436: {  	v55 =	vld.idx.msk [tilespmem:v55+s12+$0x0], $0xffff  }
0x437: {  	v29 =	vor.u32 s29, v4;
	v59 =	vld.idx.msk [tilespmem:v59+s12+$0x0], $0xffff;
	v56 =	vor.u32 s28, v1  }
0x438: {  	v9 =	vor.u32 s28, v4;
	v7 =	vor.u32 s28, v31;
	v31 =	vor.u32 s29, v31;
	[tilespmem:$0x1F720] =	vst v56;
	v56 =	vld [tilespmem:$0x1FED0]  }
0x439: {  	v43 =	vor.u32 s28, v32;
	v32 =	vor.u32 s29, v32;
	v17 =	vld.idx.msk [tilespmem:v17+s12+$0x0], $0xffff;
	v4 =	vor.u32 s28, v3  }
0x43a: {  	v39 =	vmov v50;
	v50 =	vor.u32 s29, v42;
	v27 =	vld.idx.msk [tilespmem:v27+s12+$0x0], $0xffff;
	[tilespmem:$0x1F740] =	vst v4;
	v4 =	vor.u32 s28, v51  }
0x43b: {  	v28 =	vld.idx.msk [tilespmem:v28+s12+$0x0], $0xffff;
	[tilespmem:$0x1F750] =	vst v4;
	v4 =	vor.u32 s28, v52  }
0x43c: {  	v29 =	vld.idx.msk [tilespmem:v29+s12+$0x0], $0xffff;
	[tilespmem:$0x1F760] =	vst v4;
	v4 =	vor.u32 s28, v46  }
0x43d: {  	v31 =	vld.idx.msk [tilespmem:v31+s12+$0x0], $0xffff;
	[tilespmem:$0x1F770] =	vst v4;
	v4 =	vor.u32 s28, v56  }
0x43e: {  	v32 =	vld.idx.msk [tilespmem:v32+s12+$0x0], $0xffff;
	[tilespmem:$0x1F780] =	vst v4;
	v4 =	vor.u32 s28, v54  }
0x43f: {  	v16 =	vmax.f32 v16, v18;
	v18 =	vld.idx.msk [tilespmem:v50+s12+$0x0], $0xffff;
	[tilespmem:$0x1F790] =	vst v4;
	v4 =	vor.u32 s28, v53  }
0x440: {  	v12 =	vld.idx.msk [tilespmem:v12+s12+$0x0], $0xffff;
	[tilespmem:$0x1F7A0] =	vst v4;
	v4 =	vor.u32 s28, v49  }
0x441: {  	v8 =	vor.u32 s28, v30;
	v30 =	vor.u32 s29, v30;
	v11 =	vld.idx.msk [tilespmem:v11+s12+$0x0], $0xffff;
	[tilespmem:$0x1F7B0] =	vst v4;
	v4 =	vor.u32 s28, v35  }
0x442: {  	v40 =	vmax.f32 v5, v16;
	v16 =	vor.u32 s29, v52;
	v10 =	vld.idx.msk [tilespmem:v10+s12+$0x0], $0xffff;
	[tilespmem:$0x1F7C0] =	vst v4;
	v4 =	vor.u32 s28, v37  }
0x443: {  	v34 =	vor.u32 s29, v46;
	v9 =	vld.idx.msk [tilespmem:v9+s12+$0x0], $0xffff;
	[tilespmem:$0x1F7D0] =	vst v4;
	v4 =	vor.u32 s28, v47  }
0x444: {  	[tilespmem:$0x1F7E0] =	vst v4;
	v4 =	vld [tilespmem:$0x1FF40]  }
0x445: {  	v7 =	vld.idx.msk [tilespmem:v7+s12+$0x0], $0xffff  }
0x446: {  	v24 =	vor.u32 s29, v1;
	v30 =	vld.idx.msk [tilespmem:v30+s12+$0x0], $0xffff  }
0x447: {  	v23 =	vor.u32 s29, v2;
	v16 =	vld.idx.msk [tilespmem:v16+s12+$0x0], $0xffff  }
0x448: {  	v1 =	vor.u32 s29, v35;
	v34 =	vld.idx.msk [tilespmem:v34+s12+$0x0], $0xffff  }
0x449: {  	v8 =	vld.idx.msk [tilespmem:v8+s12+$0x0], $0xffff;
	v57 =	vor.u32 s28, v4  }
0x44a: {  	v62 =	vor.u32 s28, v60;
	[tilespmem:$0x1F7F0] =	vst v57;
	v57 =	vld [tilespmem:$0x1FF50]  }
0x44b: {  	v24 =	vld.idx.msk [tilespmem:v24+s12+$0x0], $0xffff  }
0x44c: {  	v63 =	vor.u32 s28, v0;
	v0 =	vor.u32 s29, v0;
	v23 =	vld.idx.msk [tilespmem:v23+s12+$0x0], $0xffff  }
0x44d: {  	vm1 =	veq.f32 v26, v61;
	v26 =	vmul.f32 $1.000000000e+01, v40;
	v1 =	vld.idx.msk [tilespmem:v1+s12+$0x0], $0xffff  }
0x44e: {  	v14 =	vmax.f32 v14, v15;
	v15 =	vmax.f32 v17, v27;
	v17 =	vmax.f32 v28, v29;
	v29 =	vld [tilespmem:$0x1FDF0]  }
0x44f: {  	v28 =	vmax.f32 v32, v33;
	v32 =	vld.idx.msk [tilespmem:v62+s12+$0x0], $0xffff;
	v36 =	vor.u32 s29, v3;
	v60 =	vor.u32 s28, v57  }
0x450: {  	v50 =	vor.u32 s29, v56;
	[tilespmem:$0x1F800] =	vst v60;
	v60 =	vld [tilespmem:$0x1FF60]  }
0x451: {  	v26 =	vtrunc.f32 v26;
	v5 =	vld.idx.msk [tilespmem:v0+s12+$0x0], $0xffff;
	v56 =	vor.u32 s29, v53  }
0x452: {  	v26 =	vcvt.f32.s32 v26;
	v27 =	vmax.f32 v30, v31;
	v30 =	vld [tilespmem:$0x1FE00]  }
0x453: {  	v46 =	vor.u32 s29, v54;
	v16 =	vmax.f32 v16, v34;
	v34 =	vld [tilespmem:$0x1F710]  }
0x454: {  	v19 =	vmax.f32 v19, v22;
	vm12 =	vlt.s32 v26, $0x9;
	v0 =	vor.u32 s29, v49;
	v36 =	vld.idx.msk [tilespmem:v36+s12+$0x0], $0xffff  }
0x455: {  	v21 =	vmax.f32 v21, v25;
	v26 =	vnsel vm12, $0x9, v26;
	v3 =	vmovc v48;
	v2 =	vld.idx.msk [tilespmem:v50+s12+$0x0], $0xffff;
	v42 =	vor.u32 s28, v60  }
0x456: {  	v14 =	vmax.f32 v14, v15;
	v37 =	vor.u32 s29, v37;
	[tilespmem:$0x1F810] =	vst v42;
	v42 =	vadd.s32 v48, v20;
	v48 =	vld.idx.msk [tilespmem:v56+s12+$0x0], $0xffff  }
0x457: {  	v26 =	vshll.u32 v26, $0x4;
	v5 =	vmax.f32 v18, v5;
	v47 =	vor.u32 s29, v47;
	v56 =	vld [tilespmem:$0x1FE50]  }
0x458: {  	v15 =	vmax.f32 v17, v27;
	v17 =	vmax.f32 v28, v19;
	v46 =	vld.idx.msk [tilespmem:v46+s12+$0x0], $0xffff;
	v5 =	vmax.f32 v21, v5  }
0x459: {  	v14 =	vmax.f32 v14, v15;
	v0 =	vld.idx.msk [tilespmem:v0+s12+$0x0], $0xffff;
	v5 =	vmax.f32 v17, v5;
	v49 =	vor.u32 s29, v4  }
0x45a: {  	v35 =	vlaneseq.u32;
	v5 =	vmax.f32 v14, v5;
	v14 =	vld [tilespmem:$0x1F780];
	v60 =	vor.u32 s29, v60  }
0x45b: {  	vm0 =	vgt.f32 v40, $0.0e+00;
	v26 =	vor.u32 v35, v26;
	v37 =	vld.idx.msk [tilespmem:v37+s12+$0x0], $0xffff;
	v20 =	vor.u32 s29, v51  }
0x45c: {  	v47 =	vld.idx.msk [tilespmem:v47+s12+$0x0], $0xffff;
	v51 =	vsel vm0, v26, v56;
	v26 =	vor.u32 s29, v57  }
0x45d: {  	v4 =	vmax.f32 v44, v13;
	v44 =	vld [tilespmem:$0x1F750]  }
0x45e: {  	v49 =	vld.idx.msk [tilespmem:v49+s12+$0x0], $0xffff  }
0x45f: {  	v53 =	vld.idx.msk [tilespmem:v60+s12+$0x0], $0xffff  }
0x460: {  	v20 =	vld.idx.msk [tilespmem:v20+s12+$0x0], $0xffff  }
0x461: {  	v26 =	vld.idx.msk [tilespmem:v26+s12+$0x0], $0xffff  }
0x462: {  	s24 =	sadd.s32 $0x20, s24;
	v54 =	vmov v6;
	v6 =	vld.idx.msk [tilespmem:v43+s12+$0x0], $0xffff  }
0x463: {  	v15 =	vld [tilespmem:s24+$0xFFFFFFF0]  }
0x464: {  	v9 =	vmax.f32 v10, v9;
	v18 =	vmax.f32 v24, v23;
	v10 =	vld.idx.msk [tilespmem:v34+s12+$0x0], $0xffff;
	v2 =	vmax.f32 v2, v46  }
0x465: {  	v46 =	vld [tilespmem:$0x1FE10];
	v2 =	vmax.f32 v16, v2;
	v1 =	vmax.f32 v1, v37;
	v22 =	vmax.f32 v47, v49  }
0x466: {  	v13 =	vld [tilespmem:$0x1F770];
	v0 =	vmax.f32 v48, v0;
	v20 =	vmax.f32 v36, v20;
	v23 =	vmax.f32 v26, v53  }
0x467: {  	v37 =	vld [tilespmem:$0x1FE30];
	v0 =	vmax.f32 v0, v1;
	v18 =	vmax.f32 v18, v20;
	v53 =	vmax.f32 v22, v23  }
0x468: {  	v14 =	vld.idx.msk [tilespmem:v14+s12+$0x0], $0xffff;
	v2 =	vmax.f32 v18, v2;
	v0 =	vmax.f32 v0, v53  }
0x469: {  	v7 =	vmax.f32 v8, v7;
	v8 =	vld.idx.msk [tilespmem:v44+s12+$0x0], $0xffff;
	v0 =	vmax.f32 v2, v0  }
0x46a: {  	v57 =	vld.idx.msk [tilespmem:v58+s12+$0x0], $0xffff;
	v0 =	vmax.f32 v5, v0;
	v5 =	vmax.f32 v12, v11  }
0x46b: {  	v48 =	vmov v3;
	v36 =	vld.idx.msk [tilespmem:v63+s12+$0x0], $0xffff;
	v4 =	vmax.f32 v4, v5;
	v5 =	vadd.s32 s29, v15  }
0x46c: {  	v3 =	vld.idx.msk [tilespmem:v45+s12+$0x0], $0xffff;
	v58 =	vmul.f32 $1.000000000e+01, v0;
	v5 =	vadd.s32 v48, v5  }
0x46d: {  	v1 =	vmax.f32 v6, v55;
	v6 =	vld [tilespmem:$0x1F720]  }
0x46e: {  	v7 =	vmax.f32 v9, v7;
	v12 =	vld [tilespmem:$0x1F730];
	v33 =	vtrunc.f32 v58  }
0x46f: {  	v13 =	vld.idx.msk [tilespmem:v13+s12+$0x0], $0xffff;
	v4 =	vmax.f32 v4, v7;
	v7 =	vcvt.f32.s32 v33  }
0x470: {  	v45 =	vld [tilespmem:$0x1F760];
	v9 =	vmax.f32 v10, v36  }
0x471: {  	v2 =	vmax.f32 v57, v3;
	vm13 =	vlt.s32 v7, $0x9;
	v43 =	vld.idx.msk [tilespmem:v5+s12+$0x0], $0xffff;
	v5 =	vmax.f32 v59, v32  }
0x472: {  	v1 =	vmax.f32 v1, v2;
	v3 =	vnsel vm13, $0x9, v7;
	v7 =	vld [tilespmem:$0x1F740];
	v5 =	vmax.f32 v5, v9  }
0x473: {  	v1 =	vmax.f32 v1, v5;
	v5 =	vld [tilespmem:$0x1F790]  }
0x474: {  	v49 =	vld [tilespmem:$0x1FE20]  }
0x475: {  	v6 =	vld.idx.msk [tilespmem:v6+s12+$0x0], $0xffff  }
0x476: {  	v12 =	vld.idx.msk [tilespmem:v12+s12+$0x0], $0xffff  }
0x477: {  	v55 =	vld [tilespmem:$0x1F7A0]  }
0x478: {  	v63 =	vld [tilespmem:$0x1F810];
	v3 =	vshll.u32 v3, $0x4  }
0x479: {  	v11 =	vld.idx.msk [tilespmem:v45+s12+$0x0], $0xffff;
	vm14 =	vgt.f32 v0, $0.0e+00;
	v3 =	vor.u32 v35, v3  }
0x47a: {  	v3 =	vsel vm14, v3, v56;
	v7 =	vld.idx.msk [tilespmem:v7+s12+$0x0], $0xffff  }
0x47b: {  	v6 =	vmax.f32 v6, v12;
	v12 =	vld.idx.msk [tilespmem:v5+s12+$0x0], $0xffff  }
0x47c: {  	v47 =	vadd.s32 $0xB0, v3;
	v5 =	vmax.f32 v4, v1;
	v4 =	vld [tilespmem:$0x1F7C0]  }
0x47d: {  	v58 =	vld [tilespmem:$0x1F7F0];
	v53 =	vadd.s32 $0x160, v3  }
0x47e: {  	v62 =	vimm.f32 $1.000000000e+00;
	v59 =	vld [tilespmem:$0x1F800]  }
0x47f: {  	v25 =	vimm.f32 $0.0e+00;
	vm15 =	veq.f32 v43, v0;
	[tilespmem:v3+s16+$0x0] =	vst.idx.add.f32.msk $0xffff, v62;
	v3 =	vmax.f32 v7, v8  }
0x480: {  	v2 =	vsel vm15, $0x3F800000, v25;
	v56 =	vmax.f32 v6, v3;
	v3 =	vld [tilespmem:$0x1F7B0]  }
0x481: {  	[tilespmem:v47+s16+$0x0] =	vst.idx.add.f32.msk $0xffff, v2  }
0x482: {  	[tilespmem:v53+s16+$0x0] =	vst.idx.add.f32.msk $0xffff, v0  }
0x483: {  	v6 =	vld [tilespmem:$0x1F7D0]  }
0x484: {  	v57 =	vmax.f32 v11, v13;
	v18 =	vld.idx.msk [tilespmem:v4+s12+$0x0], $0xffff;
	v4 =	vmax.f32 v14, v12  }
0x485: {  	v0 =	vmax.f32 v57, v4;
	v4 =	vld [tilespmem:$0x1F7E0]  }
0x486: {  	v60 =	vld [tilespmem:$0x1FE40]  }
0x487: {  	s26 =	sadd.s32 $0x2, s26;
	v1 =	vld.idx.msk [tilespmem:v55+s12+$0x0], $0xffff  }
0x488: {  	p0 =	slt.u32 s26, $0x3E;
	v3 =	vld.idx.msk [tilespmem:v3+s12+$0x0], $0xffff  }
.Ltmp1:
0x489: {  	v24 =	vld.idx.msk [tilespmem:v63+s12+$0x0], $0xffff;
	(pc) =	sbr.rel @p0 .LBB2_5-.Ltmp1, $4  }
0x48a: {  	v21 =	vld.idx.msk [tilespmem:v58+s12+$0x0], $0xffff  }
0x48b: {  	v41 =	vimm.f32 $0.0e+00;
	v22 =	vld.idx.msk [tilespmem:v59+s12+$0x0], $0xffff  }
0x48c: {  	v41 =	vsel vm1, $0x3F800000, v41;
	v52 =	vadd.s32 $0xB0, v51;
	v50 =	vadd.s32 $0x160, v51;
	v19 =	vld.idx.msk [tilespmem:v6+s12+$0x0], $0xffff  }
0x48d: {  	s25 =	smov.u32 s28;
	s28 =	sadd.s32 $0x400, s28;
	v15 =	vlaneseq.u32;
	v16 =	vmax.f32 v56, v0;
	v20 =	vld.idx.msk [tilespmem:v4+s12+$0x0], $0xffff;
	v23 =	vmax.f32 v1, v3  }
0x48e: {  	_ =	sdelay $0x3  }
0x48f: {  	v2 =	vmax.f32 v22, v24;
	v0 =	vmax.f32 v18, v19;
	v1 =	vmax.f32 v20, v21  }
0x490: {  	v0 =	vmax.f32 v23, v0;
	v1 =	vmax.f32 v1, v2  }
0x491: {  	v58 =	vld [tilespmem:s24+$0x0];
	v0 =	vmax.f32 v0, v1  }
0x492: {  	v0 =	vmax.f32 v16, v0  }
0x493: {  	v0 =	vmax.f32 v5, v0  }
0x494: {  	v59 =	vmul.f32 $1.000000000e+01, v0;
	_ =	sdelay $0x1  }
0x495: {  	v1 =	vadd.s32 s25, v58;
	v2 =	vtrunc.f32 v59  }
0x496: {  	v1 =	vadd.s32 v48, v1;
	v2 =	vcvt.f32.s32 v2  }
0x497: {  	v7 =	vld [tilespmem:$0x1FE50]  }
0x498: {  	v3 =	vld.idx.msk [tilespmem:v42+s12+$0x0], $0xffff;
	vm0 =	vlt.s32 v2, $0x9  }
0x499: {  	v2 =	vnsel vm0, $0x9, v2  }
0x49a: {  	v2 =	vshll.u32 v2, $0x4  }
0x49b: {  	vm13 =	vgt.f32 v0, $0.0e+00;
	v1 =	vld.idx.msk [tilespmem:v1+s12+$0x0], $0xffff;
	v2 =	vor.u32 v15, v2  }
0x49c: {  	[tilespmem:v51+s16+$0x0] =	vst.idx.add.f32.msk $0xffff, v62;
	v2 =	vsel vm13, v2, v7  }
0x49d: {  	[tilespmem:v38+s16+$0x0] =	vst.idx.add.f32.msk $0xffff, v41;
	vm14 =	veq.f32 v3, v40;
	v4 =	vadd.s32 $0xB0, v2  }
0x49e: {  	[tilespmem:v39+s16+$0x0] =	vst.idx.add.f32.msk $0xffff, v61;
	v63 =	vsel vm14, $0x3F800000, v25;
	v61 =	vadd.s32 $0x160, v2  }
0x49f: {  	[tilespmem:v52+s16+$0x0] =	vst.idx.add.f32.msk $0xffff, v63  }
0x4a0: {  	[tilespmem:v50+s16+$0x0] =	vst.idx.add.f32.msk $0xffff, v40;
	vm15 =	veq.f32 v1, v0  }
0x4a1: {  	v1 =	vsel vm15, $0x3F800000, v25;
	[tilespmem:v2+s16+$0x0] =	vst.idx.add.f32.msk $0xffff, v62  }
0x4a2: {  	[tilespmem:v4+s16+$0x0] =	vst.idx.add.f32.msk $0xffff, v1  }
0x4a3: {  	[tilespmem:v61+s16+$0x0] =	vst.idx.add.f32.msk $0xffff, v0  }
0x4a4: {  	v27 =	vld [tilespmem:$0x1FFA0]  }
0x4a5: {  	v28 =	vld [tilespmem:$0x1FFB0]  }
0x4a6: {  	v31 =	vld [tilespmem:$0x1FFC0]  }
0x4a7: {  	v32 =	vld [tilespmem:$0x1FFD0]  }
0x4a8: {  	v33 =	vld [tilespmem:$0x1FFE0]  }
0x4a9: {  	v53 =	vld [tilespmem:$0x1FF90]  }
0x4aa: {  	v8 =	vld [tilespmem:$0x1FFF0]  }
0x4ab: {  	v61 =	vld [tilespmem:$0x1FE60]  }
0x4ac: {  	v34 =	vld [tilespmem:$0x1FE70]  }
0x4ad: {  	v19 =	vld [tilespmem:$0x1FE80]  }
0x4ae: {  	v20 =	vld [tilespmem:$0x1FE90]  }
0x4af: {  	v21 =	vld [tilespmem:$0x1FEA0]  }
0x4b0: {  	v22 =	vld [tilespmem:$0x1FEB0]  }
0x4b1: {  	v23 =	vld [tilespmem:$0x1FEC0]  }
0x4b2: {  	v24 =	vld [tilespmem:$0x1FED0]  }
0x4b3: {  	v26 =	vld [tilespmem:$0x1FEE0]  }
0x4b4: {  	v38 =	vld [tilespmem:$0x1FEF0]  }
0x4b5: {  	s23 =	sadd.s32 $0x1, s23;
	v35 =	vld [tilespmem:$0x1FF00]  }
0x4b6: {  	p0 =	sne.s32 s23, $0x20;
	v40 =	vld [tilespmem:$0x1FF10]  }
.Ltmp2:
0x4b7: {  	v41 =	vld [tilespmem:$0x1FF20];
	(pc) =	sbr.rel @p0 .LBB2_2-.Ltmp2, $4  }
0x4b8: {  	v42 =	vld [tilespmem:$0x1FF30]  }
0x4b9: {  	v44 =	vld [tilespmem:$0x1FF40]  }
0x4ba: {  	v45 =	vld [tilespmem:$0x1FF50]  }
0x4bb: {  	v43 =	vld [tilespmem:$0x1FF60]  }
0x4bc: {  	s22 =	sadd.s32 $0x1, s22  }
0x4bd: {  	p0 =	sne.s32 s22, s9  }
.Ltmp3:
0x4be: {  	_ = 	snop;
	(pc) =	sbr.rel @p0 .LBB2_1-.Ltmp3, $4  }
0x4bf: {  	[hbm4b:s8+s19] =	stream.strided.scatter [tilespmem:s16], [sflag:$0x5], $0x280, s20, s19, $0x38;
	[tilespmem:$0x10A80] =	vst v63  }
0x4c0: {  	_ =	swait.ge [sflag:s21], $0x280  }
0x4c1: {  	[sflag:s21] =	ssyncset.done $0x0  }
0x4c2: {  	[sflag:s21] =	ssyncadd.s32 $0xFFFFFD80  }
0x4c3: {  	_ =	sfence.sel $0x180000  }
0x4c4: {  	[bflag:$0x0] =	sbarrier.arrive $0xFFFF  }
0x4c5: {  	p0 =	sne.s32 s3, $0x0;
	_ =	strace $0x90000047  }
0x4c6: {  	s0 =	sadd.s32 @!p0 $0x100000, s0;
	[bflag:$0x2] =	sbarrier.arrive $0xFFFF  }
0x4c7: {  	[sflag:s0] =	ssyncadd.tile.s32 @!p0 $0x1;
	_ =	shalt  }
.Lfunc_end2:
_tile_overlayer_lowered:
.L_overlay_start_2:
0x4c8: {  	(tag) =	ssettag $0x2  }
0x4c9: {  	s0 =	rddreg [dreg:$0x0];
	s2 =	stileid.u32  }
0x4ca: {  	s1 =	rddreg [dreg:$0x1];
	p0 =	sne.s32 s2, $0x0  }
0x4cb: {  	s3 =	rddreg [dreg:$0x2];
	[bflag:$0x3] =	sbarrier.arrive $0xFFFF;
	s2 =	simm.s32 @!p0 $0x1C05  }
0x4cc: {  	[timem:s3], [sflag:s2] =	dma.local @!p0 [hbm:s0], s1  }
0x4cd: {  	s0 =	simm.s32 @!p0 $0x5  }
0x4ce: {  	_ =	swait.ge @!p0 [sflag:s0], s1  }
0x4cf: {  	s1 =	ssub.s32 @!p0 $0x0, s1;
	[sflag:s0] =	ssyncset.done @!p0 $0x0  }
0x4d0: {  	[sflag:s0] =	ssyncadd.s32 @!p0 s1  }
0x4d1: {  	[bflag:$0x3] =	sbarrier.arrive $0xFFFF  }
0x4d2: {  	_ =	shalt  }

</sc_bundles>
